<compile_context>
chip_gen: v7x
topology: tpu7x:2x2x1
jax: 0.10.2.dev20260603
libtpu: 0.0.44.dev20260713+nightly
codegen_flags: <defaults>
</compile_context>

<pallas_src>
import functools

import jax
import jax.numpy as jnp
from jax import lax
from jax.experimental import pallas as pl
from jax.experimental.pallas import tpu as pltpu
from jax.experimental.pallas import tpu_sc as plsc

_NBINS = 16
_K = 8
_CHUNK = 128


def _order_kernel(pts_ref, rot_ref, ord_ref, *, bbase,
                  prec=lax.Precision.DEFAULT):
    n = pts_ref.shape[1]
    pts = pts_ref[0]
    rot = rot_ref[...]
    cm = lax.dot_general(pts, rot, (((1,), (0,)), ((), ())),
                         precision=prec)
    lane16 = lax.broadcasted_iota(jnp.int32, (n, _NBINS), 1)
    mx = jnp.max(cm, axis=1, keepdims=True)
    binc = jnp.min(jnp.where(cm == mx, lane16, _NBINS), axis=1,
                   keepdims=True)
    onehot = (lane16 == binc).astype(jnp.float32)

    nblk = n // _CHUNK
    r_lo = lax.broadcasted_iota(jnp.int32, (_CHUNK, _CHUNK), 0)
    c_lo = lax.broadcasted_iota(jnp.int32, (_CHUNK, _CHUNK), 1)
    lt = (c_lo < r_lo).astype(jnp.float32)
    prefix = jnp.zeros((1, _NBINS), jnp.float32)
    ranks = []
    for bb in range(nblk):
        oh_b = onehot[bb * _CHUNK:(bb + 1) * _CHUNK]
        e_b = lax.dot_general(lt, oh_b, (((1,), (0,)), ((), ())),
                              precision=lax.Precision.HIGHEST) + prefix
        ranks.append(jnp.sum(e_b * oh_b, axis=1, keepdims=True))
        prefix = prefix + jnp.sum(oh_b, axis=0, keepdims=True)
    counts = prefix
    r_i = jnp.concatenate(ranks, axis=0)
    ltmask = (lane16 < binc).astype(jnp.float32)
    p1 = jnp.sum(ltmask * counts, axis=1, keepdims=True)
    p = (p1 + r_i).astype(jnp.int32)

    base = (pl.program_id(0) + bbase) * n
    sb = 256
    for blk in range(n // sb):
        s_lane = lax.broadcasted_iota(jnp.int32, (n, sb), 1) + blk * sb
        eq = p == s_lane
        rowv = lax.broadcasted_iota(jnp.int32, (n, sb), 0).astype(jnp.float32)
        ob = jnp.sum(jnp.where(eq, rowv, 0.0), axis=0, keepdims=True)
        ord_ref[0, :, blk * sb:(blk + 1) * sb] = ob.astype(jnp.int32) + base


def _attn_kernel(sp_ref, inds_ref, vals_ref, *, prec=lax.Precision.DEFAULT,
                 cpb=16):
    dms = []
    for c in range(cpb):
        x = sp_ref[c * _CHUNK:(c + 1) * _CHUNK, :]
        sq = jnp.sum(x * x, axis=1, keepdims=True)
        nx = x * lax.rsqrt(jnp.maximum(sq, 1e-12))
        dms.append(lax.dot_general(nx, nx, (((1,), (1,)), ((), ())),
                                   precision=prec))
    dm = jnp.concatenate(dms, axis=0)
    nr = cpb * _CHUNK
    m = jnp.max(dm, axis=1, keepdims=True)
    e = jnp.exp(dm - m)
    sm = e / jnp.sum(e, axis=1, keepdims=True)
    lane = lax.broadcasted_iota(jnp.int32, (nr, _CHUNK), 1)
    work = sm
    icols, vcols = [], []
    for _ in range(_K):
        cur = jnp.max(work, axis=1, keepdims=True)
        arg = jnp.min(jnp.where(work == cur, lane, _CHUNK), axis=1,
                      keepdims=True)
        sel = lane == arg
        icols.append(arg)
        vcols.append(cur)
        work = jnp.where(sel, -1.0, work)
    inds_ref[...] = jnp.concatenate(icols, axis=1).reshape(cpb, _CHUNK, _K)
    vals_ref[...] = jnp.concatenate(vcols, axis=1).reshape(cpb, _CHUNK, _K)


def _gather_call(order_flat, pts_flat):
    nrows = order_flat.shape[0]
    d = pts_flat.shape[1]
    mesh = plsc.VectorSubcoreMesh(core_axis_name="c", subcore_axis_name="s")
    per_w = nrows // 32

    @functools.partial(
        pl.kernel, mesh=mesh,
        compiler_params=pltpu.CompilerParams(needs_layout_passes=False),
        out_type=jax.ShapeDtypeStruct((nrows, d), jnp.float32),
        scratch_types=[pltpu.VMEM((per_w,), jnp.int32),
                       pltpu.VMEM((per_w, d), jnp.float32),
                       pltpu.SemaphoreType.DMA],
    )
    def gather_k(ord_hbm, pts_hbm, out_hbm, idx_v, rows_v, sem):
        wid = lax.axis_index("s") * 2 + lax.axis_index("c")
        base = wid * per_w
        pltpu.sync_copy(ord_hbm.at[pl.ds(base, per_w)], idx_v)
        pltpu.async_copy(pts_hbm.at[idx_v], rows_v, sem).wait()
        pltpu.sync_copy(rows_v, out_hbm.at[pl.ds(base, per_w)])

    return gather_k(order_flat, pts_flat)


def _scatter_call(ord2d, inds2, vals2, n):
    nrows = ord2d.shape[0] * 16
    per_w = nrows // 32
    grp = 16
    ngrp = per_w // grp
    npairs = per_w // 2
    bw = n // per_w
    mesh = plsc.VectorSubcoreMesh(core_axis_name="c", subcore_axis_name="s")

    @functools.partial(
        pl.kernel, mesh=mesh,
        compiler_params=pltpu.CompilerParams(needs_layout_passes=False),
        out_type=jax.ShapeDtypeStruct((nrows, n), jnp.float32),
        scratch_types=[pltpu.VMEM((ngrp, grp), jnp.int32),
                       pltpu.VMEM((per_w,), jnp.int32),
                       pltpu.VMEM((npairs, 16), jnp.int32),
                       pltpu.VMEM((npairs, 16), jnp.float32),
                       pltpu.VMEM((grp, n), jnp.float32),
                       pltpu.SemaphoreType.DMA],
    )
    def scatter_k(ord_hbm, inds_hbm, vals_hbm, out_hbm,
                  idx2d, oloc, iv, vv, buf, sem):
        wid = lax.axis_index("s") * 2 + lax.axis_index("c")
        colbase = (wid // bw) * n
        pltpu.sync_copy(ord_hbm.at[pl.ds(wid * ngrp, ngrp)], idx2d)
        pltpu.sync_copy(inds_hbm.at[pl.ds(wid * npairs, npairs)], iv)
        pltpu.sync_copy(vals_hbm.at[pl.ds(wid * npairs, npairs)], vv)

        def mkloc(i, _):
            oloc[pl.ds(i * 16, 16)] = idx2d[i, :] - colbase
            return 0
        lax.fori_loop(0, per_w // 16, mkloc, 0)

        def zrow(t, _):
            buf[t // (n // 16), pl.ds((t % (n // 16)) * 16, 16)] = (
                jnp.zeros((16,), jnp.float32))
            return 0
        lax.fori_loop(0, grp * (n // 16), zrow, 0)

        lanei = lax.iota(jnp.int32, 16)
        rhalf = (lanei >= 8).astype(jnp.int32)
        zero16 = jnp.zeros((16,), jnp.float32)

        def do_group(g, _):
            for j in range(grp // 2):
                q = g * (grp // 2) + j
                gidx = iv[q, :] + (q // (_CHUNK // 2)) * _CHUNK
                colg = plsc.load_gather(oloc, [gidx])
                plsc.store_scatter(buf, [rhalf + 2 * j, colg], vv[q, :])
            pltpu.async_copy(buf, out_hbm.at[idx2d.at[g]], sem).wait()
            for j in range(grp // 2):
                q = g * (grp // 2) + j
                gidx = iv[q, :] + (q // (_CHUNK // 2)) * _CHUNK
                colg = plsc.load_gather(oloc, [gidx])
                plsc.store_scatter(buf, [rhalf + 2 * j, colg], zero16)
            return 0
        lax.fori_loop(0, ngrp, do_group, 0)

    return scatter_k(ord2d, inds2, vals2)


def kernel(inputs, random_rotations):
    b, n, d = inputs.shape
    rot_ext = jnp.concatenate([random_rotations, -random_rotations], axis=1)
    pts_flat = inputs.reshape(b * n, d)
    hb = b // 2
    parts = []
    for h in range(2):
        order3 = pl.pallas_call(
            functools.partial(_order_kernel, bbase=h * hb),
            grid=(hb,),
            in_specs=[pl.BlockSpec((1, n, d), lambda i, h=h: (i + h * hb, 0, 0)),
                      pl.BlockSpec((d, _NBINS), lambda i: (0, 0))],
            out_specs=pl.BlockSpec((1, 1, n), lambda i: (i, 0, 0)),
            out_shape=jax.ShapeDtypeStruct((hb, 1, n), jnp.int32),
        )(inputs, rot_ext)

        order_flat = order3.reshape(hb * n)
        sorted_pts = _gather_call(order_flat, pts_flat)

        nch = (hb * n) // _CHUNK
        cpb = 16
        inds, vals = pl.pallas_call(
            functools.partial(_attn_kernel, cpb=cpb),
            grid=(nch // cpb,),
            in_specs=[pl.BlockSpec((cpb * _CHUNK, d), lambda c: (c, 0))],
            out_specs=[pl.BlockSpec((cpb, _CHUNK, _K), lambda c: (c, 0, 0)),
                       pl.BlockSpec((cpb, _CHUNK, _K), lambda c: (c, 0, 0))],
            out_shape=[jax.ShapeDtypeStruct((nch, _CHUNK, _K), jnp.int32),
                       jax.ShapeDtypeStruct((nch, _CHUNK, _K), jnp.float32)],
        )(sorted_pts)

        inds2 = inds.reshape(hb * n // 2, 2 * _K)
        vals2 = vals.reshape(hb * n // 2, 2 * _K)
        ord2d = order3.reshape(hb * n // 16, 16)
        parts.append((ord2d, inds2, vals2))
    ord2d = jnp.concatenate([p[0] for p in parts], axis=0)
    inds2 = jnp.concatenate([p[1] for p in parts], axis=0)
    vals2 = jnp.concatenate([p[2] for p in parts], axis=0)
    out_flat = _scatter_call(ord2d, inds2, vals2, n)
    return out_flat.reshape(b, n, n)

# --- scband reference (transcript-rebuilt; emitter-appended) ---
"""Pipeline reference for scband-sparse-attention-distance-59287728554028 (READ-ONLY COPY).

The authoritative reference and input builder live on the scoring server;
editing this copy changes nothing except your own understanding.
"""

import jax, jax.numpy as jnp
import numpy as np

NBINS = 16
NUM_NEIGHBORS = 8
BATCH_SIZE = 4
N_POINTS = 2048
DIST_DIM = 512


def setup_inputs(seed: int = 0) -> dict:
    key = jax.random.key(seed)
    k1, k2 = jax.random.split(key)
    inputs = jax.random.normal(k1, (BATCH_SIZE, N_POINTS, DIST_DIM), dtype=jnp.float32)
    random_rotations = jax.random.normal(k2, (DIST_DIM, NBINS // 2), dtype=jnp.float32)
    return {"inputs": inputs, "random_rotations": random_rotations}


def _construct_dense_dm(points, random_rotations):
    # points: [N, D]
    n = points.shape[0]
    # LSH-style binning: project onto random rotations, argmax over signed projections
    mul = jnp.matmul(points, random_rotations)              # [N, nbins//2]
    cmul = jnp.concatenate([mul, -mul], axis=-1)            # [N, nbins]
    bin_idx = jnp.argmax(cmul, axis=-1)                     # [N]
    order = jnp.argsort(bin_idx)                            # permutation of [0, N)
    bins_split = order.reshape(NBINS, n // NBINS)           # tf.split of argsort into nbins equal chunks

    dense = jnp.zeros((n, n), dtype=jnp.float32)
    for b in range(NBINS):
        subindices = bins_split[b]                          # [m] int
        subpoints = jnp.take(points, subindices, axis=0)    # gather [m, D]
        # tf.nn.l2_normalize(x, axis=1): x * rsqrt(max(sum(x^2), 1e-12))
        sq = jnp.sum(subpoints * subpoints, axis=1, keepdims=True)
        normed = subpoints * jax.lax.rsqrt(jnp.maximum(sq, 1e-12))
        dm = jnp.matmul(normed, normed.T)                   # [m, m]
        dm = jax.nn.softmax(dm, axis=-1)
        vals, inds = jax.lax.top_k(dm, NUM_NEIGHBORS)       # [m, k]
        rows = jnp.repeat(subindices, NUM_NEIGHBORS)        # [m*k]
        cols = jnp.take(subindices, inds.reshape(-1))       # map local col -> global idx
        # tf.sparse.add accumulates duplicate coordinates -> scatter-add
        dense = dense.at[rows, cols].add(vals.reshape(-1))
    return dense


def reference(inputs, random_rotations):
    # inputs: [B, N, D] -> dense representation of the SparseTensor (B, N, N)
    return jax.vmap(lambda p: _construct_dense_dm(p, random_rotations))(inputs)

if __name__ == "__main__":
    import jax
    _d = setup_inputs()
    print(jax.jit(kernel)(*tuple(_d.values())))

</pallas_src>

<mosaic_0001>
#map = affine_map<(d0, d1) -> (0)>
#map1 = affine_map<(d0, d1) -> (0, 0)>
module attributes {stable_mosaic.version = 14 : i64} {
  func.func @gather_k(%arg0: i32, %arg1: i32, %arg2: memref<4096xi32, #tpu.memory_space<hbm>>, %arg3: memref<8192x512xf32, #tpu.memory_space<hbm>>, %arg4: memref<4096x512xf32, #tpu.memory_space<hbm>>, %arg5: memref<128xi32, #tpu.memory_space<vmem>>, %arg6: memref<128x512xf32, #tpu.memory_space<vmem>>, %arg7: memref<!tpu.dma_semaphore, #tpu.memory_space<semaphore_mem>>) attributes {dimension_semantics = [#tpu.dimension_semantics<core_parallel>, #tpu.dimension_semantics<subcore_parallel>], iteration_bounds = array<i64: 2, 16>, scalar_prefetch = 0 : i64, scratch_operands = 3 : i64, tpu.core_type = #tpu.core_type<sc_vector_subcore>, window_params = [{transform_indices = #map}, {transform_indices = #map1}, {transform_indices = #map1}]} {
    %mul3A = arith.constant 2 : i32
    %mul3A_0 = arith.muli %arg1, %mul3A : i32
    %add3A = arith.addi %mul3A_0, %arg0 : i32
    %mul3A_1 = arith.constant 128 : i32
    %mul3A_2 = arith.muli %add3A, %mul3A_1 : i32
    "tpu.region"() ({
      %run_scoped3A = tpu.sem_alloc : memref<!tpu.dma_semaphore, #tpu.memory_space<semaphore_mem>>
      %dma_start3A_7 = tpu.memref_slice %arg2[%mul3A_2] : memref<4096xi32, #tpu.memory_space<hbm>> -> memref<128xi32, #tpu.memory_space<hbm>>
      %dma_start3A_8 = tpu.memref_slice %arg2[%mul3A_2] : memref<4096xi32, #tpu.memory_space<hbm>> -> memref<128xi32, #tpu.memory_space<hbm>>
      tpu.enqueue_dma source(%dma_start3A_8 : memref<128xi32, #tpu.memory_space<hbm>>) target(%arg5 : memref<128xi32, #tpu.memory_space<vmem>>) target_semaphore(%run_scoped3A : memref<!tpu.dma_semaphore, #tpu.memory_space<semaphore_mem>>)
      %dma_wait3A_9 = tpu.memref_slice %arg2[%mul3A_2] : memref<4096xi32, #tpu.memory_space<hbm>> -> memref<128xi32, #tpu.memory_space<hbm>>
      %dma_wait3A_10 = tpu.memref_slice %arg2[%mul3A_2] : memref<4096xi32, #tpu.memory_space<hbm>> -> memref<128xi32, #tpu.memory_space<hbm>>
      tpu.wait_dma2 semaphore(%run_scoped3A : memref<!tpu.dma_semaphore, #tpu.memory_space<semaphore_mem>>) src(%dma_wait3A_10 : memref<128xi32, #tpu.memory_space<hbm>>) dst(%arg5 : memref<128xi32, #tpu.memory_space<vmem>>)
      tpu.yield
    }) : () -> ()
    %dma_start3A = arith.constant 0 : i32
    %dma_start3A_3 = arith.constant 0 : i32
    %dma_start3A_4 = tpu.memref_slice %arg3[%dma_start3A, %dma_start3A_3] : memref<8192x512xf32, #tpu.memory_space<hbm>> -> memref<8192x512xf32, #tpu.memory_space<hbm>>
    tpu.enqueue_indirect_dma source(%dma_start3A_4 : memref<8192x512xf32, #tpu.memory_space<hbm>>) target(%arg6 : memref<128x512xf32, #tpu.memory_space<vmem>>) offsets(%arg5 : memref<128xi32, #tpu.memory_space<vmem>>) semaphore(%arg7 : memref<!tpu.dma_semaphore, #tpu.memory_space<semaphore_mem>>)
    %dma_wait3A = arith.constant 0 : i32
    %dma_wait3A_5 = arith.constant 0 : i32
    %dma_wait3A_6 = tpu.memref_slice %arg3[%dma_wait3A, %dma_wait3A_5] : memref<8192x512xf32, #tpu.memory_space<hbm>> -> memref<8192x512xf32, #tpu.memory_space<hbm>>
    tpu.wait_indirect_dma semaphore(%arg7 : memref<!tpu.dma_semaphore, #tpu.memory_space<semaphore_mem>>) src(%dma_wait3A_6 : memref<8192x512xf32, #tpu.memory_space<hbm>>) dst(%arg6 : memref<128x512xf32, #tpu.memory_space<vmem>>)
    "tpu.region"() ({
      %run_scoped3A = tpu.sem_alloc : memref<!tpu.dma_semaphore, #tpu.memory_space<semaphore_mem>>
      %dma_start3A_7 = arith.constant 0 : i32
      %dma_start3A_8 = tpu.memref_slice %arg4[%mul3A_2, %dma_start3A_7] : memref<4096x512xf32, #tpu.memory_space<hbm>> -> memref<128x512xf32, #tpu.memory_space<hbm>>
      %dma_start3A_9 = arith.constant 0 : i32
      %dma_start3A_10 = tpu.memref_slice %arg4[%mul3A_2, %dma_start3A_9] : memref<4096x512xf32, #tpu.memory_space<hbm>> -> memref<128x512xf32, #tpu.memory_space<hbm>>
      tpu.enqueue_dma source(%arg6 : memref<128x512xf32, #tpu.memory_space<vmem>>) target(%dma_start3A_10 : memref<128x512xf32, #tpu.memory_space<hbm>>) target_semaphore(%run_scoped3A : memref<!tpu.dma_semaphore, #tpu.memory_space<semaphore_mem>>)
      %dma_wait3A_11 = arith.constant 0 : i32
      %dma_wait3A_12 = tpu.memref_slice %arg4[%mul3A_2, %dma_wait3A_11] : memref<4096x512xf32, #tpu.memory_space<hbm>> -> memref<128x512xf32, #tpu.memory_space<hbm>>
      %dma_wait3A_13 = arith.constant 0 : i32
      %dma_wait3A_14 = tpu.memref_slice %arg4[%mul3A_2, %dma_wait3A_13] : memref<4096x512xf32, #tpu.memory_space<hbm>> -> memref<128x512xf32, #tpu.memory_space<hbm>>
      tpu.wait_dma2 semaphore(%run_scoped3A : memref<!tpu.dma_semaphore, #tpu.memory_space<semaphore_mem>>) src(%arg6 : memref<128x512xf32, #tpu.memory_space<vmem>>) dst(%dma_wait3A_14 : memref<128x512xf32, #tpu.memory_space<hbm>>)
      tpu.yield
    }) : () -> ()
    return
  }
}

#map = affine_map<(d0, d1) -> (0)>
#map1 = affine_map<(d0, d1) -> (0, 0)>
module attributes {stable_mosaic.version = 14 : i64} {
  func.func @gather_k(%arg0: i32, %arg1: i32, %arg2: memref<4096xi32, #tpu.memory_space<hbm>>, %arg3: memref<8192x512xf32, #tpu.memory_space<hbm>>, %arg4: memref<4096x512xf32, #tpu.memory_space<hbm>>, %arg5: memref<128xi32, #tpu.memory_space<vmem>>, %arg6: memref<128x512xf32, #tpu.memory_space<vmem>>, %arg7: memref<!tpu.dma_semaphore, #tpu.memory_space<semaphore_mem>>) attributes {dimension_semantics = [#tpu.dimension_semantics<core_parallel>, #tpu.dimension_semantics<subcore_parallel>], iteration_bounds = array<i64: 2, 16>, scalar_prefetch = 0 : i64, scratch_operands = 3 : i64, tpu.core_type = #tpu.core_type<sc_vector_subcore>, window_params = [{transform_indices = #map}, {transform_indices = #map1}, {transform_indices = #map1}]} {
    %mul3A = arith.constant 2 : i32
    %mul3A_0 = arith.muli %arg1, %mul3A : i32
    %add3A = arith.addi %mul3A_0, %arg0 : i32
    %mul3A_1 = arith.constant 128 : i32
    %mul3A_2 = arith.muli %add3A, %mul3A_1 : i32
    "tpu.region"() ({
      %run_scoped3A = tpu.sem_alloc : memref<!tpu.dma_semaphore, #tpu.memory_space<semaphore_mem>>
      %dma_start3A_7 = tpu.memref_slice %arg2[%mul3A_2] : memref<4096xi32, #tpu.memory_space<hbm>> -> memref<128xi32, #tpu.memory_space<hbm>>
      %dma_start3A_8 = tpu.memref_slice %arg2[%mul3A_2] : memref<4096xi32, #tpu.memory_space<hbm>> -> memref<128xi32, #tpu.memory_space<hbm>>
      tpu.enqueue_dma source(%dma_start3A_8 : memref<128xi32, #tpu.memory_space<hbm>>) target(%arg5 : memref<128xi32, #tpu.memory_space<vmem>>) target_semaphore(%run_scoped3A : memref<!tpu.dma_semaphore, #tpu.memory_space<semaphore_mem>>)
      %dma_wait3A_9 = tpu.memref_slice %arg2[%mul3A_2] : memref<4096xi32, #tpu.memory_space<hbm>> -> memref<128xi32, #tpu.memory_space<hbm>>
      %dma_wait3A_10 = tpu.memref_slice %arg2[%mul3A_2] : memref<4096xi32, #tpu.memory_space<hbm>> -> memref<128xi32, #tpu.memory_space<hbm>>
      tpu.wait_dma2 semaphore(%run_scoped3A : memref<!tpu.dma_semaphore, #tpu.memory_space<semaphore_mem>>) src(%dma_wait3A_10 : memref<128xi32, #tpu.memory_space<hbm>>) dst(%arg5 : memref<128xi32, #tpu.memory_space<vmem>>)
      tpu.yield
    }) : () -> ()
    %dma_start3A = arith.constant 0 : i32
    %dma_start3A_3 = arith.constant 0 : i32
    %dma_start3A_4 = tpu.memref_slice %arg3[%dma_start3A, %dma_start3A_3] : memref<8192x512xf32, #tpu.memory_space<hbm>> -> memref<8192x512xf32, #tpu.memory_space<hbm>>
    tpu.enqueue_indirect_dma source(%dma_start3A_4 : memref<8192x512xf32, #tpu.memory_space<hbm>>) target(%arg6 : memref<128x512xf32, #tpu.memory_space<vmem>>) offsets(%arg5 : memref<128xi32, #tpu.memory_space<vmem>>) semaphore(%arg7 : memref<!tpu.dma_semaphore, #tpu.memory_space<semaphore_mem>>)
    %dma_wait3A = arith.constant 0 : i32
    %dma_wait3A_5 = arith.constant 0 : i32
    %dma_wait3A_6 = tpu.memref_slice %arg3[%dma_wait3A, %dma_wait3A_5] : memref<8192x512xf32, #tpu.memory_space<hbm>> -> memref<8192x512xf32, #tpu.memory_space<hbm>>
    tpu.wait_indirect_dma semaphore(%arg7 : memref<!tpu.dma_semaphore, #tpu.memory_space<semaphore_mem>>) src(%dma_wait3A_6 : memref<8192x512xf32, #tpu.memory_space<hbm>>) dst(%arg6 : memref<128x512xf32, #tpu.memory_space<vmem>>)
    "tpu.region"() ({
      %run_scoped3A = tpu.sem_alloc : memref<!tpu.dma_semaphore, #tpu.memory_space<semaphore_mem>>
      %dma_start3A_7 = arith.constant 0 : i32
      %dma_start3A_8 = tpu.memref_slice %arg4[%mul3A_2, %dma_start3A_7] : memref<4096x512xf32, #tpu.memory_space<hbm>> -> memref<128x512xf32, #tpu.memory_space<hbm>>
      %dma_start3A_9 = arith.constant 0 : i32
      %dma_start3A_10 = tpu.memref_slice %arg4[%mul3A_2, %dma_start3A_9] : memref<4096x512xf32, #tpu.memory_space<hbm>> -> memref<128x512xf32, #tpu.memory_space<hbm>>
      tpu.enqueue_dma source(%arg6 : memref<128x512xf32, #tpu.memory_space<vmem>>) target(%dma_start3A_10 : memref<128x512xf32, #tpu.memory_space<hbm>>) target_semaphore(%run_scoped3A : memref<!tpu.dma_semaphore, #tpu.memory_space<semaphore_mem>>)
      %dma_wait3A_11 = arith.constant 0 : i32
      %dma_wait3A_12 = tpu.memref_slice %arg4[%mul3A_2, %dma_wait3A_11] : memref<4096x512xf32, #tpu.memory_space<hbm>> -> memref<128x512xf32, #tpu.memory_space<hbm>>
      %dma_wait3A_13 = arith.constant 0 : i32
      %dma_wait3A_14 = tpu.memref_slice %arg4[%mul3A_2, %dma_wait3A_13] : memref<4096x512xf32, #tpu.memory_space<hbm>> -> memref<128x512xf32, #tpu.memory_space<hbm>>
      tpu.wait_dma2 semaphore(%run_scoped3A : memref<!tpu.dma_semaphore, #tpu.memory_space<semaphore_mem>>) src(%arg6 : memref<128x512xf32, #tpu.memory_space<vmem>>) dst(%dma_wait3A_14 : memref<128x512xf32, #tpu.memory_space<hbm>>)
      tpu.yield
    }) : () -> ()
    return
  }
}

#map = affine_map<(d0, d1) -> (0, 0)>
module attributes {stable_mosaic.version = 14 : i64} {
  func.func @scatter_k(%arg0: i32, %arg1: i32, %arg2: memref<512x16xi32, #tpu.memory_space<hbm>>, %arg3: memref<4096x16xi32, #tpu.memory_space<hbm>>, %arg4: memref<4096x16xf32, #tpu.memory_space<hbm>>, %arg5: memref<8192x2048xf32, #tpu.memory_space<hbm>>, %arg6: memref<16x16xi32, #tpu.memory_space<vmem>>, %arg7: memref<256xi32, #tpu.memory_space<vmem>>, %arg8: memref<128x16xi32, #tpu.memory_space<vmem>>, %arg9: memref<128x16xf32, #tpu.memory_space<vmem>>, %arg10: memref<16x2048xf32, #tpu.memory_space<vmem>>, %arg11: memref<!tpu.dma_semaphore, #tpu.memory_space<semaphore_mem>>) attributes {dimension_semantics = [#tpu.dimension_semantics<core_parallel>, #tpu.dimension_semantics<subcore_parallel>], iteration_bounds = array<i64: 2, 16>, scalar_prefetch = 0 : i64, scratch_operands = 6 : i64, tpu.core_type = #tpu.core_type<sc_vector_subcore>, window_params = [{transform_indices = #map}, {transform_indices = #map}, {transform_indices = #map}, {transform_indices = #map}]} {
    %mul3A = arith.constant 2 : i32
    %mul3A_0 = arith.muli %arg1, %mul3A : i32
    %add3A = arith.addi %mul3A_0, %arg0 : i32
    %jit3A = arith.constant 8 : i32
    %div3A = arith.divsi %add3A, %jit3A : i32
    %sign3A = arith.constant 0 : i32
    %sign3A_1 = arith.cmpi sgt, %add3A, %sign3A : i32
    %sign3A_2 = arith.extui %sign3A_1 : i1 to i32
    %sign3A_3 = arith.constant 0 : i32
    %sign3A_4 = arith.cmpi slt, %add3A, %sign3A_3 : i32
    %sign3A_5 = arith.extui %sign3A_4 : i1 to i32
    %sign3A_6 = arith.subi %sign3A_2, %sign3A_5 : i32
    %sign3A_7 = arith.constant 0 : i32
    %sign3A_8 = arith.cmpi sgt, %jit3A, %sign3A_7 : i32
    %sign3A_9 = arith.extui %sign3A_8 : i1 to i32
    %sign3A_10 = arith.constant 0 : i32
    %sign3A_11 = arith.cmpi slt, %jit3A, %sign3A_10 : i32
    %sign3A_12 = arith.extui %sign3A_11 : i1 to i32
    %sign3A_13 = arith.subi %sign3A_9, %sign3A_12 : i32
    %ne3A = arith.cmpi ne, %sign3A_6, %sign3A_13 : i32
    %rem3A = arith.remsi %add3A, %jit3A : i32
    %ne3A_14 = arith.constant 0 : i32
    %ne3A_15 = arith.cmpi ne, %rem3A, %ne3A_14 : i32
    %and3A = arith.andi %ne3A, %ne3A_15 : i1
    %sub3A = arith.constant 1 : i32
    %sub3A_16 = arith.subi %div3A, %sub3A : i32
    %select_n3A = arith.select %and3A, %sub3A_16, %div3A : i32
    %mul3A_17 = arith.constant 2048 : i32
    %mul3A_18 = arith.muli %select_n3A, %mul3A_17 : i32
    %mul3A_19 = arith.constant 16 : i32
    %mul3A_20 = arith.muli %add3A, %mul3A_19 : i32
    "tpu.region"() ({
      %run_scoped3A = tpu.sem_alloc : memref<!tpu.dma_semaphore, #tpu.memory_space<semaphore_mem>>
      %dma_start3A = arith.constant 0 : i32
      %dma_start3A_48 = tpu.memref_slice %arg2[%mul3A_20, %dma_start3A] : memref<512x16xi32, #tpu.memory_space<hbm>> -> memref<16x16xi32, #tpu.memory_space<hbm>>
      %dma_start3A_49 = arith.constant 0 : i32
      %dma_start3A_50 = tpu.memref_slice %arg2[%mul3A_20, %dma_start3A_49] : memref<512x16xi32, #tpu.memory_space<hbm>> -> memref<16x16xi32, #tpu.memory_space<hbm>>
      tpu.enqueue_dma source(%dma_start3A_50 : memref<16x16xi32, #tpu.memory_space<hbm>>) target(%arg6 : memref<16x16xi32, #tpu.memory_space<vmem>>) target_semaphore(%run_scoped3A : memref<!tpu.dma_semaphore, #tpu.memory_space<semaphore_mem>>)
      %dma_wait3A = arith.constant 0 : i32
      %dma_wait3A_51 = tpu.memref_slice %arg2[%mul3A_20, %dma_wait3A] : memref<512x16xi32, #tpu.memory_space<hbm>> -> memref<16x16xi32, #tpu.memory_space<hbm>>
      %dma_wait3A_52 = arith.constant 0 : i32
      %dma_wait3A_53 = tpu.memref_slice %arg2[%mul3A_20, %dma_wait3A_52] : memref<512x16xi32, #tpu.memory_space<hbm>> -> memref<16x16xi32, #tpu.memory_space<hbm>>
      tpu.wait_dma2 semaphore(%run_scoped3A : memref<!tpu.dma_semaphore, #tpu.memory_space<semaphore_mem>>) src(%dma_wait3A_53 : memref<16x16xi32, #tpu.memory_space<hbm>>) dst(%arg6 : memref<16x16xi32, #tpu.memory_space<vmem>>)
      tpu.yield
    }) : () -> ()
    %mul3A_21 = arith.constant 128 : i32
    %mul3A_22 = arith.muli %add3A, %mul3A_21 : i32
    "tpu.region"() ({
      %run_scoped3A = tpu.sem_alloc : memref<!tpu.dma_semaphore, #tpu.memory_space<semaphore_mem>>
      %dma_start3A = arith.constant 0 : i32
      %dma_start3A_48 = tpu.memref_slice %arg3[%mul3A_22, %dma_start3A] : memref<4096x16xi32, #tpu.memory_space<hbm>> -> memref<128x16xi32, #tpu.memory_space<hbm>>
      %dma_start3A_49 = arith.constant 0 : i32
      %dma_start3A_50 = tpu.memref_slice %arg3[%mul3A_22, %dma_start3A_49] : memref<4096x16xi32, #tpu.memory_space<hbm>> -> memref<128x16xi32, #tpu.memory_space<hbm>>
      tpu.enqueue_dma source(%dma_start3A_50 : memref<128x16xi32, #tpu.memory_space<hbm>>) target(%arg8 : memref<128x16xi32, #tpu.memory_space<vmem>>) target_semaphore(%run_scoped3A : memref<!tpu.dma_semaphore, #tpu.memory_space<semaphore_mem>>)
      %dma_wait3A = arith.constant 0 : i32
      %dma_wait3A_51 = tpu.memref_slice %arg3[%mul3A_22, %dma_wait3A] : memref<4096x16xi32, #tpu.memory_space<hbm>> -> memref<128x16xi32, #tpu.memory_space<hbm>>
      %dma_wait3A_52 = arith.constant 0 : i32
      %dma_wait3A_53 = tpu.memref_slice %arg3[%mul3A_22, %dma_wait3A_52] : memref<4096x16xi32, #tpu.memory_space<hbm>> -> memref<128x16xi32, #tpu.memory_space<hbm>>
      tpu.wait_dma2 semaphore(%run_scoped3A : memref<!tpu.dma_semaphore, #tpu.memory_space<semaphore_mem>>) src(%dma_wait3A_53 : memref<128x16xi32, #tpu.memory_space<hbm>>) dst(%arg8 : memref<128x16xi32, #tpu.memory_space<vmem>>)
      tpu.yield
    }) : () -> ()
    %mul3A_23 = arith.constant 128 : i32
    %mul3A_24 = arith.muli %add3A, %mul3A_23 : i32
    "tpu.region"() ({
      %run_scoped3A = tpu.sem_alloc : memref<!tpu.dma_semaphore, #tpu.memory_space<semaphore_mem>>
      %dma_start3A = arith.constant 0 : i32
      %dma_start3A_48 = tpu.memref_slice %arg4[%mul3A_24, %dma_start3A] : memref<4096x16xf32, #tpu.memory_space<hbm>> -> memref<128x16xf32, #tpu.memory_space<hbm>>
      %dma_start3A_49 = arith.constant 0 : i32
      %dma_start3A_50 = tpu.memref_slice %arg4[%mul3A_24, %dma_start3A_49] : memref<4096x16xf32, #tpu.memory_space<hbm>> -> memref<128x16xf32, #tpu.memory_space<hbm>>
      tpu.enqueue_dma source(%dma_start3A_50 : memref<128x16xf32, #tpu.memory_space<hbm>>) target(%arg9 : memref<128x16xf32, #tpu.memory_space<vmem>>) target_semaphore(%run_scoped3A : memref<!tpu.dma_semaphore, #tpu.memory_space<semaphore_mem>>)
      %dma_wait3A = arith.constant 0 : i32
      %dma_wait3A_51 = tpu.memref_slice %arg4[%mul3A_24, %dma_wait3A] : memref<4096x16xf32, #tpu.memory_space<hbm>> -> memref<128x16xf32, #tpu.memory_space<hbm>>
      %dma_wait3A_52 = arith.constant 0 : i32
      %dma_wait3A_53 = tpu.memref_slice %arg4[%mul3A_24, %dma_wait3A_52] : memref<4096x16xf32, #tpu.memory_space<hbm>> -> memref<128x16xf32, #tpu.memory_space<hbm>>
      tpu.wait_dma2 semaphore(%run_scoped3A : memref<!tpu.dma_semaphore, #tpu.memory_space<semaphore_mem>>) src(%dma_wait3A_53 : memref<128x16xf32, #tpu.memory_space<hbm>>) dst(%arg9 : memref<128x16xf32, #tpu.memory_space<vmem>>)
      tpu.yield
    }) : () -> ()
    %scan3A = arith.constant 0 : i32
    %scan3A_25 = arith.constant 0 : i32
    %scan3A_26 = arith.constant 16 : i32
    %scan3A_27 = arith.addi %scan3A_25, %scan3A_26 : i32
    %scan3A_28 = arith.constant 1 : i32
    %scan3A_29 = scf.for %scan3A_48 = %scan3A_25 to %scan3A_27 step %scan3A_28 iter_args(%scan3A_49 = %scan3A) -> (i32)  : i32 {
      %get3A = arith.index_cast %scan3A_48 : i32 to index
      %get3A_50 = arith.constant 0 : index
      %get3A_51 = tpu.vector_load %arg6[%get3A, %get3A_50] {strides = array<i32>} : memref<16x16xi32, #tpu.memory_space<vmem>>, vector<16xi32>,
      %sub3A_52 = vector.broadcast %mul3A_18 : i32 to vector<16xi32>
      %sub3A_53 = arith.subi %get3A_51, %sub3A_52 : vector<16xi32>
      %mul3A_54 = arith.constant 16 : i32
      %mul3A_55 = arith.muli %scan3A_48, %mul3A_54 : i32
      %swap3A = arith.index_cast %mul3A_55 : i32 to index
      %swap3A_56 = tpu.vector_load %arg7[%swap3A] {strides = array<i32>} : memref<256xi32, #tpu.memory_space<vmem>>, vector<16xi32>,
      tpu.vector_store %arg7[%swap3A], %sub3A_53 {strides = array<i32>} : memref<256xi32, #tpu.memory_space<vmem>>, vector<16xi32>,
      %scan3A_57 = arith.constant 0 : i32
      scf.yield %scan3A_57 : i32
    }
    %scan3A_30 = arith.constant 16 : i32
    %scan3A_31 = arith.constant 0 : i32
    %scan3A_32 = arith.constant 0 : i32
    %scan3A_33 = arith.constant 2048 : i32
    %scan3A_34 = arith.addi %scan3A_32, %scan3A_33 : i32
    %scan3A_35 = arith.constant 1 : i32
    %scan3A_36 = scf.for %scan3A_48 = %scan3A_32 to %scan3A_34 step %scan3A_35 iter_args(%scan3A_49 = %scan3A_31) -> (i32)  : i32 {
      %broadcast_in_dim3A_50 = arith.constant 0.000000e+00 : f32
      %broadcast_in_dim3A_51 = vector.broadcast %broadcast_in_dim3A_50 : f32 to vector<16xf32>
      %jit3A_52 = arith.constant 128 : i32
      %div3A_53 = arith.divsi %scan3A_48, %jit3A_52 : i32
      %sign3A_54 = arith.constant 0 : i32
      %sign3A_55 = arith.cmpi sgt, %scan3A_48, %sign3A_54 : i32
      %sign3A_56 = arith.extui %sign3A_55 : i1 to i32
      %sign3A_57 = arith.constant 0 : i32
      %sign3A_58 = arith.cmpi slt, %scan3A_48, %sign3A_57 : i32
      %sign3A_59 = arith.extui %sign3A_58 : i1 to i32
      %sign3A_60 = arith.subi %sign3A_56, %sign3A_59 : i32
      %sign3A_61 = arith.constant 0 : i32
      %sign3A_62 = arith.cmpi sgt, %jit3A_52, %sign3A_61 : i32
      %sign3A_63 = arith.extui %sign3A_62 : i1 to i32
      %sign3A_64 = arith.constant 0 : i32
      %sign3A_65 = arith.cmpi slt, %jit3A_52, %sign3A_64 : i32
      %sign3A_66 = arith.extui %sign3A_65 : i1 to i32
      %sign3A_67 = arith.subi %sign3A_63, %sign3A_66 : i32
      %ne3A_68 = arith.cmpi ne, %sign3A_60, %sign3A_67 : i32
      %rem3A_69 = arith.remsi %scan3A_48, %jit3A_52 : i32
      %ne3A_70 = arith.constant 0 : i32
      %ne3A_71 = arith.cmpi ne, %rem3A_69, %ne3A_70 : i32
      %and3A_72 = arith.andi %ne3A_68, %ne3A_71 : i1
      %sub3A_73 = arith.constant 1 : i32
      %sub3A_74 = arith.subi %div3A_53, %sub3A_73 : i32
      %select_n3A_75 = arith.select %and3A_72, %sub3A_74, %div3A_53 : i32
      %jit3A_76 = arith.constant 128 : i32
      %eq3A = arith.constant 0 : i32
      %eq3A_77 = arith.cmpi eq, %jit3A_76, %eq3A : i32
      %jit3A_78 = arith.constant 1 : i32
      %select_n3A_79 = arith.select %eq3A_77, %jit3A_78, %jit3A_76 : i32
      %rem3A_80 = arith.remsi %scan3A_48, %select_n3A_79 : i32
      %ne3A_81 = arith.constant 0 : i32
      %ne3A_82 = arith.cmpi ne, %rem3A_80, %ne3A_81 : i32
      %lt3A = arith.constant 0 : i32
      %lt3A_83 = arith.cmpi slt, %rem3A_80, %lt3A : i32
      %lt3A_84 = arith.constant 0 : i32
      %lt3A_85 = arith.cmpi slt, %select_n3A_79, %lt3A_84 : i32
      %ne3A_86 = arith.xori %lt3A_83, %lt3A_85 : i1
      %and3A_87 = arith.andi %ne3A_86, %ne3A_82 : i1
      %add3A_88 = arith.addi %rem3A_80, %select_n3A_79 : i32
      %select_n3A_89 = arith.select %and3A_87, %add3A_88, %rem3A_80 : i32
      %mul3A_90 = arith.constant 16 : i32
      %mul3A_91 = arith.muli %select_n3A_89, %mul3A_90 : i32
      %swap3A = arith.index_cast %select_n3A_75 : i32 to index
      %swap3A_92 = arith.index_cast %mul3A_91 : i32 to index
      %swap3A_93 = tpu.vector_load %arg10[%swap3A, %swap3A_92] {strides = array<i32>} : memref<16x2048xf32, #tpu.memory_space<vmem>>, vector<16xf32>,
      tpu.vector_store %arg10[%swap3A, %swap3A_92], %broadcast_in_dim3A_51 {strides = array<i32>} : memref<16x2048xf32, #tpu.memory_space<vmem>>, vector<16xf32>,
      %scan3A_94 = arith.constant 0 : i32
      scf.yield %scan3A_94 : i32
    }
    %scan3A_37 = arith.constant 2048 : i32
    %iota3A = tpu.iota {dimensions = array<i32: 0>} : vector<16xi32>
    %ge3A = arith.constant 8 : i32
    %ge3A_38 = vector.broadcast %ge3A : i32 to vector<16xi32>
    %ge3A_39 = arith.cmpi sge, %iota3A, %ge3A_38 : vector<16xi32>
    %convert_element_type3A = arith.extui %ge3A_39 : vector<16xi1> to vector<16xi32>
    %broadcast_in_dim3A = arith.constant 0.000000e+00 : f32
    %broadcast_in_dim3A_40 = vector.broadcast %broadcast_in_dim3A : f32 to vector<16xf32>
    %scan3A_41 = arith.constant 0 : i32
    %scan3A_42 = arith.constant 0 : i32
    %scan3A_43 = arith.constant 16 : i32
    %scan3A_44 = arith.addi %scan3A_42, %scan3A_43 : i32
    %scan3A_45 = arith.constant 1 : i32
    %scan3A_46 = scf.for %scan3A_48 = %scan3A_42 to %scan3A_44 step %scan3A_45 iter_args(%scan3A_49 = %scan3A_41) -> (i32)  : i32 {
      %mul3A_50 = arith.constant 8 : i32
      %mul3A_51 = arith.muli %scan3A_48, %mul3A_50 : i32
      %add3A_52 = arith.constant 0 : i32
      %add3A_53 = arith.addi %mul3A_51, %add3A_52 : i32
      %get3A = arith.index_cast %add3A_53 : i32 to index
      %get3A_54 = arith.constant 0 : index
      %get3A_55 = tpu.vector_load %arg8[%get3A, %get3A_54] {strides = array<i32>} : memref<128x16xi32, #tpu.memory_space<vmem>>, vector<16xi32>,
      %jit3A_56 = arith.constant 64 : i32
      %div3A_57 = arith.divsi %add3A_53, %jit3A_56 : i32
      %sign3A_58 = arith.constant 0 : i32
      %sign3A_59 = arith.cmpi sgt, %add3A_53, %sign3A_58 : i32
      %sign3A_60 = arith.extui %sign3A_59 : i1 to i32
      %sign3A_61 = arith.constant 0 : i32
      %sign3A_62 = arith.cmpi slt, %add3A_53, %sign3A_61 : i32
      %sign3A_63 = arith.extui %sign3A_62 : i1 to i32
      %sign3A_64 = arith.subi %sign3A_60, %sign3A_63 : i32
      %sign3A_65 = arith.constant 0 : i32
      %sign3A_66 = arith.cmpi sgt, %jit3A_56, %sign3A_65 : i32
      %sign3A_67 = arith.extui %sign3A_66 : i1 to i32
      %sign3A_68 = arith.constant 0 : i32
      %sign3A_69 = arith.cmpi slt, %jit3A_56, %sign3A_68 : i32
      %sign3A_70 = arith.extui %sign3A_69 : i1 to i32
      %sign3A_71 = arith.subi %sign3A_67, %sign3A_70 : i32
      %ne3A_72 = arith.cmpi ne, %sign3A_64, %sign3A_71 : i32
      %rem3A_73 = arith.remsi %add3A_53, %jit3A_56 : i32
      %ne3A_74 = arith.constant 0 : i32
      %ne3A_75 = arith.cmpi ne, %rem3A_73, %ne3A_74 : i32
      %and3A_76 = arith.andi %ne3A_72, %ne3A_75 : i1
      %sub3A_77 = arith.constant 1 : i32
      %sub3A_78 = arith.subi %div3A_57, %sub3A_77 : i32
      %select_n3A_79 = arith.select %and3A_76, %sub3A_78, %div3A_57 : i32
      %mul3A_80 = arith.constant 128 : i32
      %mul3A_81 = arith.muli %select_n3A_79, %mul3A_80 : i32
      %add3A_82 = vector.broadcast %mul3A_81 : i32 to vector<16xi32>
      %add3A_83 = arith.addi %get3A_55, %add3A_82 : vector<16xi32>
      %gather3A = tpu.vector_load_idx %arg7[%add3A_83] : memref<256xi32, #tpu.memory_space<vmem>>[vector<16xi32>], vector<16xi32>,
      %add3A_84 = arith.constant 0 : i32
      %add3A_85 = vector.broadcast %add3A_84 : i32 to vector<16xi32>
      %add3A_86 = arith.addi %convert_element_type3A, %add3A_85 : vector<16xi32>
      %get3A_87 = arith.index_cast %add3A_53 : i32 to index
      %get3A_88 = arith.constant 0 : index
      %get3A_89 = tpu.vector_load %arg9[%get3A_87, %get3A_88] {strides = array<i32>} : memref<128x16xf32, #tpu.memory_space<vmem>>, vector<16xf32>,
      tpu.vector_store_idx %arg10[%add3A_86, %gather3A], %get3A_89 : memref<16x2048xf32, #tpu.memory_space<vmem>>[vector<16xi32>, vector<16xi32>], vector<16xf32>,
      %mul3A_90 = arith.constant 8 : i32
      %mul3A_91 = arith.muli %scan3A_48, %mul3A_90 : i32
      %add3A_92 = arith.constant 1 : i32
      %add3A_93 = arith.addi %mul3A_91, %add3A_92 : i32
      %get3A_94 = arith.index_cast %add3A_93 : i32 to index
      %get3A_95 = arith.constant 0 : index
      %get3A_96 = tpu.vector_load %arg8[%get3A_94, %get3A_95] {strides = array<i32>} : memref<128x16xi32, #tpu.memory_space<vmem>>, vector<16xi32>,
      %jit3A_97 = arith.constant 64 : i32
      %div3A_98 = arith.divsi %add3A_93, %jit3A_97 : i32
      %sign3A_99 = arith.constant 0 : i32
      %sign3A_100 = arith.cmpi sgt, %add3A_93, %sign3A_99 : i32
      %sign3A_101 = arith.extui %sign3A_100 : i1 to i32
      %sign3A_102 = arith.constant 0 : i32
      %sign3A_103 = arith.cmpi slt, %add3A_93, %sign3A_102 : i32
      %sign3A_104 = arith.extui %sign3A_103 : i1 to i32
      %sign3A_105 = arith.subi %sign3A_101, %sign3A_104 : i32
      %sign3A_106 = arith.constant 0 : i32
      %sign3A_107 = arith.cmpi sgt, %jit3A_97, %sign3A_106 : i32
      %sign3A_108 = arith.extui %sign3A_107 : i1 to i32
      %sign3A_109 = arith.constant 0 : i32
      %sign3A_110 = arith.cmpi slt, %jit3A_97, %sign3A_109 : i32
      %sign3A_111 = arith.extui %sign3A_110 : i1 to i32
      %sign3A_112 = arith.subi %sign3A_108, %sign3A_111 : i32
      %ne3A_113 = arith.cmpi ne, %sign3A_105, %sign3A_112 : i32
      %rem3A_114 = arith.remsi %add3A_93, %jit3A_97 : i32
      %ne3A_115 = arith.constant 0 : i32
      %ne3A_116 = arith.cmpi ne, %rem3A_114, %ne3A_115 : i32
      %and3A_117 = arith.andi %ne3A_113, %ne3A_116 : i1
      %sub3A_118 = arith.constant 1 : i32
      %sub3A_119 = arith.subi %div3A_98, %sub3A_118 : i32
      %select_n3A_120 = arith.select %and3A_117, %sub3A_119, %div3A_98 : i32
      %mul3A_121 = arith.constant 128 : i32
      %mul3A_122 = arith.muli %select_n3A_120, %mul3A_121 : i32
      %add3A_123 = vector.broadcast %mul3A_122 : i32 to vector<16xi32>
      %add3A_124 = arith.addi %get3A_96, %add3A_123 : vector<16xi32>
      %gather3A_125 = tpu.vector_load_idx %arg7[%add3A_124] : memref<256xi32, #tpu.memory_space<vmem>>[vector<16xi32>], vector<16xi32>,
      %add3A_126 = arith.constant 2 : i32
      %add3A_127 = vector.broadcast %add3A_126 : i32 to vector<16xi32>
      %add3A_128 = arith.addi %convert_element_type3A, %add3A_127 : vector<16xi32>
      %get3A_129 = arith.index_cast %add3A_93 : i32 to index
      %get3A_130 = arith.constant 0 : index
      %get3A_131 = tpu.vector_load %arg9[%get3A_129, %get3A_130] {strides = array<i32>} : memref<128x16xf32, #tpu.memory_space<vmem>>, vector<16xf32>,
      tpu.vector_store_idx %arg10[%add3A_128, %gather3A_125], %get3A_131 : memref<16x2048xf32, #tpu.memory_space<vmem>>[vector<16xi32>, vector<16xi32>], vector<16xf32>,
      %mul3A_132 = arith.constant 8 : i32
      %mul3A_133 = arith.muli %scan3A_48, %mul3A_132 : i32
      %add3A_134 = arith.constant 2 : i32
      %add3A_135 = arith.addi %mul3A_133, %add3A_134 : i32
      %get3A_136 = arith.index_cast %add3A_135 : i32 to index
      %get3A_137 = arith.constant 0 : index
      %get3A_138 = tpu.vector_load %arg8[%get3A_136, %get3A_137] {strides = array<i32>} : memref<128x16xi32, #tpu.memory_space<vmem>>, vector<16xi32>,
      %jit3A_139 = arith.constant 64 : i32
      %div3A_140 = arith.divsi %add3A_135, %jit3A_139 : i32
      %sign3A_141 = arith.constant 0 : i32
      %sign3A_142 = arith.cmpi sgt, %add3A_135, %sign3A_141 : i32
      %sign3A_143 = arith.extui %sign3A_142 : i1 to i32
      %sign3A_144 = arith.constant 0 : i32
      %sign3A_145 = arith.cmpi slt, %add3A_135, %sign3A_144 : i32
      %sign3A_146 = arith.extui %sign3A_145 : i1 to i32
      %sign3A_147 = arith.subi %sign3A_143, %sign3A_146 : i32
      %sign3A_148 = arith.constant 0 : i32
      %sign3A_149 = arith.cmpi sgt, %jit3A_139, %sign3A_148 : i32
      %sign3A_150 = arith.extui %sign3A_149 : i1 to i32
      %sign3A_151 = arith.constant 0 : i32
      %sign3A_152 = arith.cmpi slt, %jit3A_139, %sign3A_151 : i32
      %sign3A_153 = arith.extui %sign3A_152 : i1 to i32
      %sign3A_154 = arith.subi %sign3A_150, %sign3A_153 : i32
      %ne3A_155 = arith.cmpi ne, %sign3A_147, %sign3A_154 : i32
      %rem3A_156 = arith.remsi %add3A_135, %jit3A_139 : i32
      %ne3A_157 = arith.constant 0 : i32
      %ne3A_158 = arith.cmpi ne, %rem3A_156, %ne3A_157 : i32
      %and3A_159 = arith.andi %ne3A_155, %ne3A_158 : i1
      %sub3A_160 = arith.constant 1 : i32
      %sub3A_161 = arith.subi %div3A_140, %sub3A_160 : i32
      %select_n3A_162 = arith.select %and3A_159, %sub3A_161, %div3A_140 : i32
      %mul3A_163 = arith.constant 128 : i32
      %mul3A_164 = arith.muli %select_n3A_162, %mul3A_163 : i32
      %add3A_165 = vector.broadcast %mul3A_164 : i32 to vector<16xi32>
      %add3A_166 = arith.addi %get3A_138, %add3A_165 : vector<16xi32>
      %gather3A_167 = tpu.vector_load_idx %arg7[%add3A_166] : memref<256xi32, #tpu.memory_space<vmem>>[vector<16xi32>], vector<16xi32>,
      %add3A_168 = arith.constant 4 : i32
      %add3A_169 = vector.broadcast %add3A_168 : i32 to vector<16xi32>
      %add3A_170 = arith.addi %convert_element_type3A, %add3A_169 : vector<16xi32>
      %get3A_171 = arith.index_cast %add3A_135 : i32 to index
      %get3A_172 = arith.constant 0 : index
      %get3A_173 = tpu.vector_load %arg9[%get3A_171, %get3A_172] {strides = array<i32>} : memref<128x16xf32, #tpu.memory_space<vmem>>, vector<16xf32>,
      tpu.vector_store_idx %arg10[%add3A_170, %gather3A_167], %get3A_173 : memref<16x2048xf32, #tpu.memory_space<vmem>>[vector<16xi32>, vector<16xi32>], vector<16xf32>,
      %mul3A_174 = arith.constant 8 : i32
      %mul3A_175 = arith.muli %scan3A_48, %mul3A_174 : i32
      %add3A_176 = arith.constant 3 : i32
      %add3A_177 = arith.addi %mul3A_175, %add3A_176 : i32
      %get3A_178 = arith.index_cast %add3A_177 : i32 to index
      %get3A_179 = arith.constant 0 : index
      %get3A_180 = tpu.vector_load %arg8[%get3A_178, %get3A_179] {strides = array<i32>} : memref<128x16xi32, #tpu.memory_space<vmem>>, vector<16xi32>,
      %jit3A_181 = arith.constant 64 : i32
      %div3A_182 = arith.divsi %add3A_177, %jit3A_181 : i32
      %sign3A_183 = arith.constant 0 : i32
      %sign3A_184 = arith.cmpi sgt, %add3A_177, %sign3A_183 : i32
      %sign3A_185 = arith.extui %sign3A_184 : i1 to i32
      %sign3A_186 = arith.constant 0 : i32
      %sign3A_187 = arith.cmpi slt, %add3A_177, %sign3A_186 : i32
      %sign3A_188 = arith.extui %sign3A_187 : i1 to i32
      %sign3A_189 = arith.subi %sign3A_185, %sign3A_188 : i32
      %sign3A_190 = arith.constant 0 : i32
      %sign3A_191 = arith.cmpi sgt, %jit3A_181, %sign3A_190 : i32
      %sign3A_192 = arith.extui %sign3A_191 : i1 to i32
      %sign3A_193 = arith.constant 0 : i32
      %sign3A_194 = arith.cmpi slt, %jit3A_181, %sign3A_193 : i32
      %sign3A_195 = arith.extui %sign3A_194 : i1 to i32
      %sign3A_196 = arith.subi %sign3A_192, %sign3A_195 : i32
      %ne3A_197 = arith.cmpi ne, %sign3A_189, %sign3A_196 : i32
      %rem3A_198 = arith.remsi %add3A_177, %jit3A_181 : i32
      %ne3A_199 = arith.constant 0 : i32
      %ne3A_200 = arith.cmpi ne, %rem3A_198, %ne3A_199 : i32
      %and3A_201 = arith.andi %ne3A_197, %ne3A_200 : i1
      %sub3A_202 = arith.constant 1 : i32
      %sub3A_203 = arith.subi %div3A_182, %sub3A_202 : i32
      %select_n3A_204 = arith.select %and3A_201, %sub3A_203, %div3A_182 : i32
      %mul3A_205 = arith.constant 128 : i32
      %mul3A_206 = arith.muli %select_n3A_204, %mul3A_205 : i32
      %add3A_207 = vector.broadcast %mul3A_206 : i32 to vector<16xi32>
      %add3A_208 = arith.addi %get3A_180, %add3A_207 : vector<16xi32>
      %gather3A_209 = tpu.vector_load_idx %arg7[%add3A_208] : memref<256xi32, #tpu.memory_space<vmem>>[vector<16xi32>], vector<16xi32>,
      %add3A_210 = arith.constant 6 : i32
      %add3A_211 = vector.broadcast %add3A_210 : i32 to vector<16xi32>
      %add3A_212 = arith.addi %convert_element_type3A, %add3A_211 : vector<16xi32>
      %get3A_213 = arith.index_cast %add3A_177 : i32 to index
      %get3A_214 = arith.constant 0 : index
      %get3A_215 = tpu.vector_load %arg9[%get3A_213, %get3A_214] {strides = array<i32>} : memref<128x16xf32, #tpu.memory_space<vmem>>, vector<16xf32>,
      tpu.vector_store_idx %arg10[%add3A_212, %gather3A_209], %get3A_215 : memref<16x2048xf32, #tpu.memory_space<vmem>>[vector<16xi32>, vector<16xi32>], vector<16xf32>,
      %mul3A_216 = arith.constant 8 : i32
      %mul3A_217 = arith.muli %scan3A_48, %mul3A_216 : i32
      %add3A_218 = arith.constant 4 : i32
      %add3A_219 = arith.addi %mul3A_217, %add3A_218 : i32
      %get3A_220 = arith.index_cast %add3A_219 : i32 to index
      %get3A_221 = arith.constant 0 : index
      %get3A_222 = tpu.vector_load %arg8[%get3A_220, %get3A_221] {strides = array<i32>} : memref<128x16xi32, #tpu.memory_space<vmem>>, vector<16xi32>,
      %jit3A_223 = arith.constant 64 : i32
      %div3A_224 = arith.divsi %add3A_219, %jit3A_223 : i32
      %sign3A_225 = arith.constant 0 : i32
      %sign3A_226 = arith.cmpi sgt, %add3A_219, %sign3A_225 : i32
      %sign3A_227 = arith.extui %sign3A_226 : i1 to i32
      %sign3A_228 = arith.constant 0 : i32
      %sign3A_229 = arith.cmpi slt, %add3A_219, %sign3A_228 : i32
      %sign3A_230 = arith.extui %sign3A_229 : i1 to i32
      %sign3A_231 = arith.subi %sign3A_227, %sign3A_230 : i32
      %sign3A_232 = arith.constant 0 : i32
      %sign3A_233 = arith.cmpi sgt, %jit3A_223, %sign3A_232 : i32
      %sign3A_234 = arith.extui %sign3A_233 : i1 to i32
      %sign3A_235 = arith.constant 0 : i32
      %sign3A_236 = arith.cmpi slt, %jit3A_223, %sign3A_235 : i32
      %sign3A_237 = arith.extui %sign3A_236 : i1 to i32
      %sign3A_238 = arith.subi %sign3A_234, %sign3A_237 : i32
      %ne3A_239 = arith.cmpi ne, %sign3A_231, %sign3A_238 : i32
      %rem3A_240 = arith.remsi %add3A_219, %jit3A_223 : i32
      %ne3A_241 = arith.constant 0 : i32
      %ne3A_242 = arith.cmpi ne, %rem3A_240, %ne3A_241 : i32
      %and3A_243 = arith.andi %ne3A_239, %ne3A_242 : i1
      %sub3A_244 = arith.constant 1 : i32
      %sub3A_245 = arith.subi %div3A_224, %sub3A_244 : i32
      %select_n3A_246 = arith.select %and3A_243, %sub3A_245, %div3A_224 : i32
      %mul3A_247 = arith.constant 128 : i32
      %mul3A_248 = arith.muli %select_n3A_246, %mul3A_247 : i32
      %add3A_249 = vector.broadcast %mul3A_248 : i32 to vector<16xi32>
      %add3A_250 = arith.addi %get3A_222, %add3A_249 : vector<16xi32>
      %gather3A_251 = tpu.vector_load_idx %arg7[%add3A_250] : memref<256xi32, #tpu.memory_space<vmem>>[vector<16xi32>], vector<16xi32>,
      %add3A_252 = arith.constant 8 : i32
      %add3A_253 = vector.broadcast %add3A_252 : i32 to vector<16xi32>
      %add3A_254 = arith.addi %convert_element_type3A, %add3A_253 : vector<16xi32>
      %get3A_255 = arith.index_cast %add3A_219 : i32 to index
      %get3A_256 = arith.constant 0 : index
      %get3A_257 = tpu.vector_load %arg9[%get3A_255, %get3A_256] {strides = array<i32>} : memref<128x16xf32, #tpu.memory_space<vmem>>, vector<16xf32>,
      tpu.vector_store_idx %arg10[%add3A_254, %gather3A_251], %get3A_257 : memref<16x2048xf32, #tpu.memory_space<vmem>>[vector<16xi32>, vector<16xi32>], vector<16xf32>,
      %mul3A_258 = arith.constant 8 : i32
      %mul3A_259 = arith.muli %scan3A_48, %mul3A_258 : i32
      %add3A_260 = arith.constant 5 : i32
      %add3A_261 = arith.addi %mul3A_259, %add3A_260 : i32
      %get3A_262 = arith.index_cast %add3A_261 : i32 to index
      %get3A_263 = arith.constant 0 : index
      %get3A_264 = tpu.vector_load %arg8[%get3A_262, %get3A_263] {strides = array<i32>} : memref<128x16xi32, #tpu.memory_space<vmem>>, vector<16xi32>,
      %jit3A_265 = arith.constant 64 : i32
      %div3A_266 = arith.divsi %add3A_261, %jit3A_265 : i32
      %sign3A_267 = arith.constant 0 : i32
      %sign3A_268 = arith.cmpi sgt, %add3A_261, %sign3A_267 : i32
      %sign3A_269 = arith.extui %sign3A_268 : i1 to i32
      %sign3A_270 = arith.constant 0 : i32
      %sign3A_271 = arith.cmpi slt, %add3A_261, %sign3A_270 : i32
      %sign3A_272 = arith.extui %sign3A_271 : i1 to i32
      %sign3A_273 = arith.subi %sign3A_269, %sign3A_272 : i32
      %sign3A_274 = arith.constant 0 : i32
      %sign3A_275 = arith.cmpi sgt, %jit3A_265, %sign3A_274 : i32
      %sign3A_276 = arith.extui %sign3A_275 : i1 to i32
      %sign3A_277 = arith.constant 0 : i32
      %sign3A_278 = arith.cmpi slt, %jit3A_265, %sign3A_277 : i32
      %sign3A_279 = arith.extui %sign3A_278 : i1 to i32
      %sign3A_280 = arith.subi %sign3A_276, %sign3A_279 : i32
      %ne3A_281 = arith.cmpi ne, %sign3A_273, %sign3A_280 : i32
      %rem3A_282 = arith.remsi %add3A_261, %jit3A_265 : i32
      %ne3A_283 = arith.constant 0 : i32
      %ne3A_284 = arith.cmpi ne, %rem3A_282, %ne3A_283 : i32
      %and3A_285 = arith.andi %ne3A_281, %ne3A_284 : i1
      %sub3A_286 = arith.constant 1 : i32
      %sub3A_287 = arith.subi %div3A_266, %sub3A_286 : i32
      %select_n3A_288 = arith.select %and3A_285, %sub3A_287, %div3A_266 : i32
      %mul3A_289 = arith.constant 128 : i32
      %mul3A_290 = arith.muli %select_n3A_288, %mul3A_289 : i32
      %add3A_291 = vector.broadcast %mul3A_290 : i32 to vector<16xi32>
      %add3A_292 = arith.addi %get3A_264, %add3A_291 : vector<16xi32>
      %gather3A_293 = tpu.vector_load_idx %arg7[%add3A_292] : memref<256xi32, #tpu.memory_space<vmem>>[vector<16xi32>], vector<16xi32>,
      %add3A_294 = arith.constant 10 : i32
      %add3A_295 = vector.broadcast %add3A_294 : i32 to vector<16xi32>
      %add3A_296 = arith.addi %convert_element_type3A, %add3A_295 : vector<16xi32>
      %get3A_297 = arith.index_cast %add3A_261 : i32 to index
      %get3A_298 = arith.constant 0 : index
      %get3A_299 = tpu.vector_load %arg9[%get3A_297, %get3A_298] {strides = array<i32>} : memref<128x16xf32, #tpu.memory_space<vmem>>, vector<16xf32>,
      tpu.vector_store_idx %arg10[%add3A_296, %gather3A_293], %get3A_299 : memref<16x2048xf32, #tpu.memory_space<vmem>>[vector<16xi32>, vector<16xi32>], vector<16xf32>,
      %mul3A_300 = arith.constant 8 : i32
      %mul3A_301 = arith.muli %scan3A_48, %mul3A_300 : i32
      %add3A_302 = arith.constant 6 : i32
      %add3A_303 = arith.addi %mul3A_301, %add3A_302 : i32
      %get3A_304 = arith.index_cast %add3A_303 : i32 to index
      %get3A_305 = arith.constant 0 : index
      %get3A_306 = tpu.vector_load %arg8[%get3A_304, %get3A_305] {strides = array<i32>} : memref<128x16xi32, #tpu.memory_space<vmem>>, vector<16xi32>,
      %jit3A_307 = arith.constant 64 : i32
      %div3A_308 = arith.divsi %add3A_303, %jit3A_307 : i32
      %sign3A_309 = arith.constant 0 : i32
      %sign3A_310 = arith.cmpi sgt, %add3A_303, %sign3A_309 : i32
      %sign3A_311 = arith.extui %sign3A_310 : i1 to i32
      %sign3A_312 = arith.constant 0 : i32
      %sign3A_313 = arith.cmpi slt, %add3A_303, %sign3A_312 : i32
      %sign3A_314 = arith.extui %sign3A_313 : i1 to i32
      %sign3A_315 = arith.subi %sign3A_311, %sign3A_314 : i32
      %sign3A_316 = arith.constant 0 : i32
      %sign3A_317 = arith.cmpi sgt, %jit3A_307, %sign3A_316 : i32
      %sign3A_318 = arith.extui %sign3A_317 : i1 to i32
      %sign3A_319 = arith.constant 0 : i32
      %sign3A_320 = arith.cmpi slt, %jit3A_307, %sign3A_319 : i32
      %sign3A_321 = arith.extui %sign3A_320 : i1 to i32
      %sign3A_322 = arith.subi %sign3A_318, %sign3A_321 : i32
      %ne3A_323 = arith.cmpi ne, %sign3A_315, %sign3A_322 : i32
      %rem3A_324 = arith.remsi %add3A_303, %jit3A_307 : i32
      %ne3A_325 = arith.constant 0 : i32
      %ne3A_326 = arith.cmpi ne, %rem3A_324, %ne3A_325 : i32
      %and3A_327 = arith.andi %ne3A_323, %ne3A_326 : i1
      %sub3A_328 = arith.constant 1 : i32
      %sub3A_329 = arith.subi %div3A_308, %sub3A_328 : i32
      %select_n3A_330 = arith.select %and3A_327, %sub3A_329, %div3A_308 : i32
      %mul3A_331 = arith.constant 128 : i32
      %mul3A_332 = arith.muli %select_n3A_330, %mul3A_331 : i32
      %add3A_333 = vector.broadcast %mul3A_332 : i32 to vector<16xi32>
      %add3A_334 = arith.addi %get3A_306, %add3A_333 : vector<16xi32>
      %gather3A_335 = tpu.vector_load_idx %arg7[%add3A_334] : memref<256xi32, #tpu.memory_space<vmem>>[vector<16xi32>], vector<16xi32>,
      %add3A_336 = arith.constant 12 : i32
      %add3A_337 = vector.broadcast %add3A_336 : i32 to vector<16xi32>
      %add3A_338 = arith.addi %convert_element_type3A, %add3A_337 : vector<16xi32>
      %get3A_339 = arith.index_cast %add3A_303 : i32 to index
      %get3A_340 = arith.constant 0 : index
      %get3A_341 = tpu.vector_load %arg9[%get3A_339, %get3A_340] {strides = array<i32>} : memref<128x16xf32, #tpu.memory_space<vmem>>, vector<16xf32>,
      tpu.vector_store_idx %arg10[%add3A_338, %gather3A_335], %get3A_341 : memref<16x2048xf32, #tpu.memory_space<vmem>>[vector<16xi32>, vector<16xi32>], vector<16xf32>,
      %mul3A_342 = arith.constant 8 : i32
      %mul3A_343 = arith.muli %scan3A_48, %mul3A_342 : i32
      %add3A_344 = arith.constant 7 : i32
      %add3A_345 = arith.addi %mul3A_343, %add3A_344 : i32
      %get3A_346 = arith.index_cast %add3A_345 : i32 to index
      %get3A_347 = arith.constant 0 : index
      %get3A_348 = tpu.vector_load %arg8[%get3A_346, %get3A_347] {strides = array<i32>} : memref<128x16xi32, #tpu.memory_space<vmem>>, vector<16xi32>,
      %jit3A_349 = arith.constant 64 : i32
      %div3A_350 = arith.divsi %add3A_345, %jit3A_349 : i32
      %sign3A_351 = arith.constant 0 : i32
      %sign3A_352 = arith.cmpi sgt, %add3A_345, %sign3A_351 : i32
      %sign3A_353 = arith.extui %sign3A_352 : i1 to i32
      %sign3A_354 = arith.constant 0 : i32
      %sign3A_355 = arith.cmpi slt, %add3A_345, %sign3A_354 : i32
      %sign3A_356 = arith.extui %sign3A_355 : i1 to i32
      %sign3A_357 = arith.subi %sign3A_353, %sign3A_356 : i32
      %sign3A_358 = arith.constant 0 : i32
      %sign3A_359 = arith.cmpi sgt, %jit3A_349, %sign3A_358 : i32
      %sign3A_360 = arith.extui %sign3A_359 : i1 to i32
      %sign3A_361 = arith.constant 0 : i32
      %sign3A_362 = arith.cmpi slt, %jit3A_349, %sign3A_361 : i32
      %sign3A_363 = arith.extui %sign3A_362 : i1 to i32
      %sign3A_364 = arith.subi %sign3A_360, %sign3A_363 : i32
      %ne3A_365 = arith.cmpi ne, %sign3A_357, %sign3A_364 : i32
      %rem3A_366 = arith.remsi %add3A_345, %jit3A_349 : i32
      %ne3A_367 = arith.constant 0 : i32
      %ne3A_368 = arith.cmpi ne, %rem3A_366, %ne3A_367 : i32
      %and3A_369 = arith.andi %ne3A_365, %ne3A_368 : i1
      %sub3A_370 = arith.constant 1 : i32
      %sub3A_371 = arith.subi %div3A_350, %sub3A_370 : i32
      %select_n3A_372 = arith.select %and3A_369, %sub3A_371, %div3A_350 : i32
      %mul3A_373 = arith.constant 128 : i32
      %mul3A_374 = arith.muli %select_n3A_372, %mul3A_373 : i32
      %add3A_375 = vector.broadcast %mul3A_374 : i32 to vector<16xi32>
      %add3A_376 = arith.addi %get3A_348, %add3A_375 : vector<16xi32>
      %gather3A_377 = tpu.vector_load_idx %arg7[%add3A_376] : memref<256xi32, #tpu.memory_space<vmem>>[vector<16xi32>], vector<16xi32>,
      %add3A_378 = arith.constant 14 : i32
      %add3A_379 = vector.broadcast %add3A_378 : i32 to vector<16xi32>
      %add3A_380 = arith.addi %convert_element_type3A, %add3A_379 : vector<16xi32>
      %get3A_381 = arith.index_cast %add3A_345 : i32 to index
      %get3A_382 = arith.constant 0 : index
      %get3A_383 = tpu.vector_load %arg9[%get3A_381, %get3A_382] {strides = array<i32>} : memref<128x16xf32, #tpu.memory_space<vmem>>, vector<16xf32>,
      tpu.vector_store_idx %arg10[%add3A_380, %gather3A_377], %get3A_383 : memref<16x2048xf32, #tpu.memory_space<vmem>>[vector<16xi32>, vector<16xi32>], vector<16xf32>,
      %dma_start3A = arith.constant 0 : i32
      %dma_start3A_384 = tpu.memref_slice %arg6[%scan3A_48, %dma_start3A] : memref<16x16xi32, #tpu.memory_space<vmem>> -> memref<1x16xi32, #tpu.memory_space<vmem>>
      %dma_start3A_385 = tpu.memref_squeeze %dma_start3A_384 : memref<1x16xi32, #tpu.memory_space<vmem>> -> memref<16xi32, #tpu.memory_space<vmem>>
      %dma_start3A_386 = arith.constant 0 : i32
      %dma_start3A_387 = arith.constant 0 : i32
      %dma_start3A_388 = tpu.memref_slice %arg5[%dma_start3A_386, %dma_start3A_387] : memref<8192x2048xf32, #tpu.memory_space<hbm>> -> memref<8192x2048xf32, #tpu.memory_space<hbm>>
      tpu.enqueue_indirect_dma source(%arg10 : memref<16x2048xf32, #tpu.memory_space<vmem>>) target(%dma_start3A_388 : memref<8192x2048xf32, #tpu.memory_space<hbm>>) offsets(%dma_start3A_385 : memref<16xi32, #tpu.memory_space<vmem>>) semaphore(%arg11 : memref<!tpu.dma_semaphore, #tpu.memory_space<semaphore_mem>>)
      %dma_wait3A = arith.constant 0 : i32
      %dma_wait3A_389 = tpu.memref_slice %arg6[%scan3A_48, %dma_wait3A] : memref<16x16xi32, #tpu.memory_space<vmem>> -> memref<1x16xi32, #tpu.memory_space<vmem>>
      %dma_wait3A_390 = tpu.memref_squeeze %dma_wait3A_389 : memref<1x16xi32, #tpu.memory_space<vmem>> -> memref<16xi32, #tpu.memory_space<vmem>>
      %dma_wait3A_391 = arith.constant 0 : i32
      %dma_wait3A_392 = arith.constant 0 : i32
      %dma_wait3A_393 = tpu.memref_slice %arg5[%dma_wait3A_391, %dma_wait3A_392] : memref<8192x2048xf32, #tpu.memory_space<hbm>> -> memref<8192x2048xf32, #tpu.memory_space<hbm>>
      tpu.wait_indirect_dma semaphore(%arg11 : memref<!tpu.dma_semaphore, #tpu.memory_space<semaphore_mem>>) src(%arg10 : memref<16x2048xf32, #tpu.memory_space<vmem>>) dst(%dma_wait3A_393 : memref<8192x2048xf32, #tpu.memory_space<hbm>>)
      %mul3A_394 = arith.constant 8 : i32
      %mul3A_395 = arith.muli %scan3A_48, %mul3A_394 : i32
      %add3A_396 = arith.constant 0 : i32
      %add3A_397 = arith.addi %mul3A_395, %add3A_396 : i32
      %get3A_398 = arith.index_cast %add3A_397 : i32 to index
      %get3A_399 = arith.constant 0 : index
      %get3A_400 = tpu.vector_load %arg8[%get3A_398, %get3A_399] {strides = array<i32>} : memref<128x16xi32, #tpu.memory_space<vmem>>, vector<16xi32>,
      %jit3A_401 = arith.constant 64 : i32
      %div3A_402 = arith.divsi %add3A_397, %jit3A_401 : i32
      %sign3A_403 = arith.constant 0 : i32
      %sign3A_404 = arith.cmpi sgt, %add3A_397, %sign3A_403 : i32
      %sign3A_405 = arith.extui %sign3A_404 : i1 to i32
      %sign3A_406 = arith.constant 0 : i32
      %sign3A_407 = arith.cmpi slt, %add3A_397, %sign3A_406 : i32
      %sign3A_408 = arith.extui %sign3A_407 : i1 to i32
      %sign3A_409 = arith.subi %sign3A_405, %sign3A_408 : i32
      %sign3A_410 = arith.constant 0 : i32
      %sign3A_411 = arith.cmpi sgt, %jit3A_401, %sign3A_410 : i32
      %sign3A_412 = arith.extui %sign3A_411 : i1 to i32
      %sign3A_413 = arith.constant 0 : i32
      %sign3A_414 = arith.cmpi slt, %jit3A_401, %sign3A_413 : i32
      %sign3A_415 = arith.extui %sign3A_414 : i1 to i32
      %sign3A_416 = arith.subi %sign3A_412, %sign3A_415 : i32
      %ne3A_417 = arith.cmpi ne, %sign3A_409, %sign3A_416 : i32
      %rem3A_418 = arith.remsi %add3A_397, %jit3A_401 : i32
      %ne3A_419 = arith.constant 0 : i32
      %ne3A_420 = arith.cmpi ne, %rem3A_418, %ne3A_419 : i32
      %and3A_421 = arith.andi %ne3A_417, %ne3A_420 : i1
      %sub3A_422 = arith.constant 1 : i32
      %sub3A_423 = arith.subi %div3A_402, %sub3A_422 : i32
      %select_n3A_424 = arith.select %and3A_421, %sub3A_423, %div3A_402 : i32
      %mul3A_425 = arith.constant 128 : i32
      %mul3A_426 = arith.muli %select_n3A_424, %mul3A_425 : i32
      %add3A_427 = vector.broadcast %mul3A_426 : i32 to vector<16xi32>
      %add3A_428 = arith.addi %get3A_400, %add3A_427 : vector<16xi32>
      %gather3A_429 = tpu.vector_load_idx %arg7[%add3A_428] : memref<256xi32, #tpu.memory_space<vmem>>[vector<16xi32>], vector<16xi32>,
      %add3A_430 = arith.constant 0 : i32
      %add3A_431 = vector.broadcast %add3A_430 : i32 to vector<16xi32>
      %add3A_432 = arith.addi %convert_element_type3A, %add3A_431 : vector<16xi32>
      tpu.vector_store_idx %arg10[%add3A_432, %gather3A_429], %broadcast_in_dim3A_40 : memref<16x2048xf32, #tpu.memory_space<vmem>>[vector<16xi32>, vector<16xi32>], vector<16xf32>,
      %mul3A_433 = arith.constant 8 : i32
      %mul3A_434 = arith.muli %scan3A_48, %mul3A_433 : i32
      %add3A_435 = arith.constant 1 : i32
      %add3A_436 = arith.addi %mul3A_434, %add3A_435 : i32
      %get3A_437 = arith.index_cast %add3A_436 : i32 to index
      %get3A_438 = arith.constant 0 : index
      %get3A_439 = tpu.vector_load %arg8[%get3A_437, %get3A_438] {strides = array<i32>} : memref<128x16xi32, #tpu.memory_space<vmem>>, vector<16xi32>,
      %jit3A_440 = arith.constant 64 : i32
      %div3A_441 = arith.divsi %add3A_436, %jit3A_440 : i32
      %sign3A_442 = arith.constant 0 : i32
      %sign3A_443 = arith.cmpi sgt, %add3A_436, %sign3A_442 : i32
      %sign3A_444 = arith.extui %sign3A_443 : i1 to i32
      %sign3A_445 = arith.constant 0 : i32
      %sign3A_446 = arith.cmpi slt, %add3A_436, %sign3A_445 : i32
      %sign3A_447 = arith.extui %sign3A_446 : i1 to i32
      %sign3A_448 = arith.subi %sign3A_444, %sign3A_447 : i32
      %sign3A_449 = arith.constant 0 : i32
      %sign3A_450 = arith.cmpi sgt, %jit3A_440, %sign3A_449 : i32
      %sign3A_451 = arith.extui %sign3A_450 : i1 to i32
      %sign3A_452 = arith.constant 0 : i32
      %sign3A_453 = arith.cmpi slt, %jit3A_440, %sign3A_452 : i32
      %sign3A_454 = arith.extui %sign3A_453 : i1 to i32
      %sign3A_455 = arith.subi %sign3A_451, %sign3A_454 : i32
      %ne3A_456 = arith.cmpi ne, %sign3A_448, %sign3A_455 : i32
      %rem3A_457 = arith.remsi %add3A_436, %jit3A_440 : i32
      %ne3A_458 = arith.constant 0 : i32
      %ne3A_459 = arith.cmpi ne, %rem3A_457, %ne3A_458 : i32
      %and3A_460 = arith.andi %ne3A_456, %ne3A_459 : i1
      %sub3A_461 = arith.constant 1 : i32
      %sub3A_462 = arith.subi %div3A_441, %sub3A_461 : i32
      %select_n3A_463 = arith.select %and3A_460, %sub3A_462, %div3A_441 : i32
      %mul3A_464 = arith.constant 128 : i32
      %mul3A_465 = arith.muli %select_n3A_463, %mul3A_464 : i32
      %add3A_466 = vector.broadcast %mul3A_465 : i32 to vector<16xi32>
      %add3A_467 = arith.addi %get3A_439, %add3A_466 : vector<16xi32>
      %gather3A_468 = tpu.vector_load_idx %arg7[%add3A_467] : memref<256xi32, #tpu.memory_space<vmem>>[vector<16xi32>], vector<16xi32>,
      %add3A_469 = arith.constant 2 : i32
      %add3A_470 = vector.broadcast %add3A_469 : i32 to vector<16xi32>
      %add3A_471 = arith.addi %convert_element_type3A, %add3A_470 : vector<16xi32>
      tpu.vector_store_idx %arg10[%add3A_471, %gather3A_468], %broadcast_in_dim3A_40 : memref<16x2048xf32, #tpu.memory_space<vmem>>[vector<16xi32>, vector<16xi32>], vector<16xf32>,
      %mul3A_472 = arith.constant 8 : i32
      %mul3A_473 = arith.muli %scan3A_48, %mul3A_472 : i32
      %add3A_474 = arith.constant 2 : i32
      %add3A_475 = arith.addi %mul3A_473, %add3A_474 : i32
      %get3A_476 = arith.index_cast %add3A_475 : i32 to index
      %get3A_477 = arith.constant 0 : index
      %get3A_478 = tpu.vector_load %arg8[%get3A_476, %get3A_477] {strides = array<i32>} : memref<128x16xi32, #tpu.memory_space<vmem>>, vector<16xi32>,
      %jit3A_479 = arith.constant 64 : i32
      %div3A_480 = arith.divsi %add3A_475, %jit3A_479 : i32
      %sign3A_481 = arith.constant 0 : i32
      %sign3A_482 = arith.cmpi sgt, %add3A_475, %sign3A_481 : i32
      %sign3A_483 = arith.extui %sign3A_482 : i1 to i32
      %sign3A_484 = arith.constant 0 : i32
      %sign3A_485 = arith.cmpi slt, %add3A_475, %sign3A_484 : i32
      %sign3A_486 = arith.extui %sign3A_485 : i1 to i32
      %sign3A_487 = arith.subi %sign3A_483, %sign3A_486 : i32
      %sign3A_488 = arith.constant 0 : i32
      %sign3A_489 = arith.cmpi sgt, %jit3A_479, %sign3A_488 : i32
      %sign3A_490 = arith.extui %sign3A_489 : i1 to i32
      %sign3A_491 = arith.constant 0 : i32
      %sign3A_492 = arith.cmpi slt, %jit3A_479, %sign3A_491 : i32
      %sign3A_493 = arith.extui %sign3A_492 : i1 to i32
      %sign3A_494 = arith.subi %sign3A_490, %sign3A_493 : i32
      %ne3A_495 = arith.cmpi ne, %sign3A_487, %sign3A_494 : i32
      %rem3A_496 = arith.remsi %add3A_475, %jit3A_479 : i32
      %ne3A_497 = arith.constant 0 : i32
      %ne3A_498 = arith.cmpi ne, %rem3A_496, %ne3A_497 : i32
      %and3A_499 = arith.andi %ne3A_495, %ne3A_498 : i1
      %sub3A_500 = arith.constant 1 : i32
      %sub3A_501 = arith.subi %div3A_480, %sub3A_500 : i32
      %select_n3A_502 = arith.select %and3A_499, %sub3A_501, %div3A_480 : i32
      %mul3A_503 = arith.constant 128 : i32
      %mul3A_504 = arith.muli %select_n3A_502, %mul3A_503 : i32
      %add3A_505 = vector.broadcast %mul3A_504 : i32 to vector<16xi32>
      %add3A_506 = arith.addi %get3A_478, %add3A_505 : vector<16xi32>
      %gather3A_507 = tpu.vector_load_idx %arg7[%add3A_506] : memref<256xi32, #tpu.memory_space<vmem>>[vector<16xi32>], vector<16xi32>,
      %add3A_508 = arith.constant 4 : i32
      %add3A_509 = vector.broadcast %add3A_508 : i32 to vector<16xi32>
      %add3A_510 = arith.addi %convert_element_type3A, %add3A_509 : vector<16xi32>
      tpu.vector_store_idx %arg10[%add3A_510, %gather3A_507], %broadcast_in_dim3A_40 : memref<16x2048xf32, #tpu.memory_space<vmem>>[vector<16xi32>, vector<16xi32>], vector<16xf32>,
      %mul3A_511 = arith.constant 8 : i32
      %mul3A_512 = arith.muli %scan3A_48, %mul3A_511 : i32
      %add3A_513 = arith.constant 3 : i32
      %add3A_514 = arith.addi %mul3A_512, %add3A_513 : i32
      %get3A_515 = arith.index_cast %add3A_514 : i32 to index
      %get3A_516 = arith.constant 0 : index
      %get3A_517 = tpu.vector_load %arg8[%get3A_515, %get3A_516] {strides = array<i32>} : memref<128x16xi32, #tpu.memory_space<vmem>>, vector<16xi32>,
      %jit3A_518 = arith.constant 64 : i32
      %div3A_519 = arith.divsi %add3A_514, %jit3A_518 : i32
      %sign3A_520 = arith.constant 0 : i32
      %sign3A_521 = arith.cmpi sgt, %add3A_514, %sign3A_520 : i32
      %sign3A_522 = arith.extui %sign3A_521 : i1 to i32
      %sign3A_523 = arith.constant 0 : i32
      %sign3A_524 = arith.cmpi slt, %add3A_514, %sign3A_523 : i32
      %sign3A_525 = arith.extui %sign3A_524 : i1 to i32
      %sign3A_526 = arith.subi %sign3A_522, %sign3A_525 : i32
      %sign3A_527 = arith.constant 0 : i32
      %sign3A_528 = arith.cmpi sgt, %jit3A_518, %sign3A_527 : i32
      %sign3A_529 = arith.extui %sign3A_528 : i1 to i32
      %sign3A_530 = arith.constant 0 : i32
      %sign3A_531 = arith.cmpi slt, %jit3A_518, %sign3A_530 : i32
      %sign3A_532 = arith.extui %sign3A_531 : i1 to i32
      %sign3A_533 = arith.subi %sign3A_529, %sign3A_532 : i32
      %ne3A_534 = arith.cmpi ne, %sign3A_526, %sign3A_533 : i32
      %rem3A_535 = arith.remsi %add3A_514, %jit3A_518 : i32
      %ne3A_536 = arith.constant 0 : i32
      %ne3A_537 = arith.cmpi ne, %rem3A_535, %ne3A_536 : i32
      %and3A_538 = arith.andi %ne3A_534, %ne3A_537 : i1
      %sub3A_539 = arith.constant 1 : i32
      %sub3A_540 = arith.subi %div3A_519, %sub3A_539 : i32
      %select_n3A_541 = arith.select %and3A_538, %sub3A_540, %div3A_519 : i32
      %mul3A_542 = arith.constant 128 : i32
      %mul3A_543 = arith.muli %select_n3A_541, %mul3A_542 : i32
      %add3A_544 = vector.broadcast %mul3A_543 : i32 to vector<16xi32>
      %add3A_545 = arith.addi %get3A_517, %add3A_544 : vector<16xi32>
      %gather3A_546 = tpu.vector_load_idx %arg7[%add3A_545] : memref<256xi32, #tpu.memory_space<vmem>>[vector<16xi32>], vector<16xi32>,
      %add3A_547 = arith.constant 6 : i32
      %add3A_548 = vector.broadcast %add3A_547 : i32 to vector<16xi32>
      %add3A_549 = arith.addi %convert_element_type3A, %add3A_548 : vector<16xi32>
      tpu.vector_store_idx %arg10[%add3A_549, %gather3A_546], %broadcast_in_dim3A_40 : memref<16x2048xf32, #tpu.memory_space<vmem>>[vector<16xi32>, vector<16xi32>], vector<16xf32>,
      %mul3A_550 = arith.constant 8 : i32
      %mul3A_551 = arith.muli %scan3A_48, %mul3A_550 : i32
      %add3A_552 = arith.constant 4 : i32
      %add3A_553 = arith.addi %mul3A_551, %add3A_552 : i32
      %get3A_554 = arith.index_cast %add3A_553 : i32 to index
      %get3A_555 = arith.constant 0 : index
      %get3A_556 = tpu.vector_load %arg8[%get3A_554, %get3A_555] {strides = array<i32>} : memref<128x16xi32, #tpu.memory_space<vmem>>, vector<16xi32>,
      %jit3A_557 = arith.constant 64 : i32
      %div3A_558 = arith.divsi %add3A_553, %jit3A_557 : i32
      %sign3A_559 = arith.constant 0 : i32
      %sign3A_560 = arith.cmpi sgt, %add3A_553, %sign3A_559 : i32
      %sign3A_561 = arith.extui %sign3A_560 : i1 to i32
      %sign3A_562 = arith.constant 0 : i32
      %sign3A_563 = arith.cmpi slt, %add3A_553, %sign3A_562 : i32
      %sign3A_564 = arith.extui %sign3A_563 : i1 to i32
      %sign3A_565 = arith.subi %sign3A_561, %sign3A_564 : i32
      %sign3A_566 = arith.constant 0 : i32
      %sign3A_567 = arith.cmpi sgt, %jit3A_557, %sign3A_566 : i32
      %sign3A_568 = arith.extui %sign3A_567 : i1 to i32
      %sign3A_569 = arith.constant 0 : i32
      %sign3A_570 = arith.cmpi slt, %jit3A_557, %sign3A_569 : i32
      %sign3A_571 = arith.extui %sign3A_570 : i1 to i32
      %sign3A_572 = arith.subi %sign3A_568, %sign3A_571 : i32
      %ne3A_573 = arith.cmpi ne, %sign3A_565, %sign3A_572 : i32
      %rem3A_574 = arith.remsi %add3A_553, %jit3A_557 : i32
      %ne3A_575 = arith.constant 0 : i32
      %ne3A_576 = arith.cmpi ne, %rem3A_574, %ne3A_575 : i32
      %and3A_577 = arith.andi %ne3A_573, %ne3A_576 : i1
      %sub3A_578 = arith.constant 1 : i32
      %sub3A_579 = arith.subi %div3A_558, %sub3A_578 : i32
      %select_n3A_580 = arith.select %and3A_577, %sub3A_579, %div3A_558 : i32
      %mul3A_581 = arith.constant 128 : i32
      %mul3A_582 = arith.muli %select_n3A_580, %mul3A_581 : i32
      %add3A_583 = vector.broadcast %mul3A_582 : i32 to vector<16xi32>
      %add3A_584 = arith.addi %get3A_556, %add3A_583 : vector<16xi32>
      %gather3A_585 = tpu.vector_load_idx %arg7[%add3A_584] : memref<256xi32, #tpu.memory_space<vmem>>[vector<16xi32>], vector<16xi32>,
      %add3A_586 = arith.constant 8 : i32
      %add3A_587 = vector.broadcast %add3A_586 : i32 to vector<16xi32>
      %add3A_588 = arith.addi %convert_element_type3A, %add3A_587 : vector<16xi32>
      tpu.vector_store_idx %arg10[%add3A_588, %gather3A_585], %broadcast_in_dim3A_40 : memref<16x2048xf32, #tpu.memory_space<vmem>>[vector<16xi32>, vector<16xi32>], vector<16xf32>,
      %mul3A_589 = arith.constant 8 : i32
      %mul3A_590 = arith.muli %scan3A_48, %mul3A_589 : i32
      %add3A_591 = arith.constant 5 : i32
      %add3A_592 = arith.addi %mul3A_590, %add3A_591 : i32
      %get3A_593 = arith.index_cast %add3A_592 : i32 to index
      %get3A_594 = arith.constant 0 : index
      %get3A_595 = tpu.vector_load %arg8[%get3A_593, %get3A_594] {strides = array<i32>} : memref<128x16xi32, #tpu.memory_space<vmem>>, vector<16xi32>,
      %jit3A_596 = arith.constant 64 : i32
      %div3A_597 = arith.divsi %add3A_592, %jit3A_596 : i32
      %sign3A_598 = arith.constant 0 : i32
      %sign3A_599 = arith.cmpi sgt, %add3A_592, %sign3A_598 : i32
      %sign3A_600 = arith.extui %sign3A_599 : i1 to i32
      %sign3A_601 = arith.constant 0 : i32
      %sign3A_602 = arith.cmpi slt, %add3A_592, %sign3A_601 : i32
      %sign3A_603 = arith.extui %sign3A_602 : i1 to i32
      %sign3A_604 = arith.subi %sign3A_600, %sign3A_603 : i32
      %sign3A_605 = arith.constant 0 : i32
      %sign3A_606 = arith.cmpi sgt, %jit3A_596, %sign3A_605 : i32
      %sign3A_607 = arith.extui %sign3A_606 : i1 to i32
      %sign3A_608 = arith.constant 0 : i32
      %sign3A_609 = arith.cmpi slt, %jit3A_596, %sign3A_608 : i32
      %sign3A_610 = arith.extui %sign3A_609 : i1 to i32
      %sign3A_611 = arith.subi %sign3A_607, %sign3A_610 : i32
      %ne3A_612 = arith.cmpi ne, %sign3A_604, %sign3A_611 : i32
      %rem3A_613 = arith.remsi %add3A_592, %jit3A_596 : i32
      %ne3A_614 = arith.constant 0 : i32
      %ne3A_615 = arith.cmpi ne, %rem3A_613, %ne3A_614 : i32
      %and3A_616 = arith.andi %ne3A_612, %ne3A_615 : i1
      %sub3A_617 = arith.constant 1 : i32
      %sub3A_618 = arith.subi %div3A_597, %sub3A_617 : i32
      %select_n3A_619 = arith.select %and3A_616, %sub3A_618, %div3A_597 : i32
      %mul3A_620 = arith.constant 128 : i32
      %mul3A_621 = arith.muli %select_n3A_619, %mul3A_620 : i32
      %add3A_622 = vector.broadcast %mul3A_621 : i32 to vector<16xi32>
      %add3A_623 = arith.addi %get3A_595, %add3A_622 : vector<16xi32>
      %gather3A_624 = tpu.vector_load_idx %arg7[%add3A_623] : memref<256xi32, #tpu.memory_space<vmem>>[vector<16xi32>], vector<16xi32>,
      %add3A_625 = arith.constant 10 : i32
      %add3A_626 = vector.broadcast %add3A_625 : i32 to vector<16xi32>
      %add3A_627 = arith.addi %convert_element_type3A, %add3A_626 : vector<16xi32>
      tpu.vector_store_idx %arg10[%add3A_627, %gather3A_624], %broadcast_in_dim3A_40 : memref<16x2048xf32, #tpu.memory_space<vmem>>[vector<16xi32>, vector<16xi32>], vector<16xf32>,
      %mul3A_628 = arith.constant 8 : i32
      %mul3A_629 = arith.muli %scan3A_48, %mul3A_628 : i32
      %add3A_630 = arith.constant 6 : i32
      %add3A_631 = arith.addi %mul3A_629, %add3A_630 : i32
      %get3A_632 = arith.index_cast %add3A_631 : i32 to index
      %get3A_633 = arith.constant 0 : index
      %get3A_634 = tpu.vector_load %arg8[%get3A_632, %get3A_633] {strides = array<i32>} : memref<128x16xi32, #tpu.memory_space<vmem>>, vector<16xi32>,
      %jit3A_635 = arith.constant 64 : i32
      %div3A_636 = arith.divsi %add3A_631, %jit3A_635 : i32
      %sign3A_637 = arith.constant 0 : i32
      %sign3A_638 = arith.cmpi sgt, %add3A_631, %sign3A_637 : i32
      %sign3A_639 = arith.extui %sign3A_638 : i1 to i32
      %sign3A_640 = arith.constant 0 : i32
      %sign3A_641 = arith.cmpi slt, %add3A_631, %sign3A_640 : i32
      %sign3A_642 = arith.extui %sign3A_641 : i1 to i32
      %sign3A_643 = arith.subi %sign3A_639, %sign3A_642 : i32
      %sign3A_644 = arith.constant 0 : i32
      %sign3A_645 = arith.cmpi sgt, %jit3A_635, %sign3A_644 : i32
      %sign3A_646 = arith.extui %sign3A_645 : i1 to i32
      %sign3A_647 = arith.constant 0 : i32
      %sign3A_648 = arith.cmpi slt, %jit3A_635, %sign3A_647 : i32
      %sign3A_649 = arith.extui %sign3A_648 : i1 to i32
      %sign3A_650 = arith.subi %sign3A_646, %sign3A_649 : i32
      %ne3A_651 = arith.cmpi ne, %sign3A_643, %sign3A_650 : i32
      %rem3A_652 = arith.remsi %add3A_631, %jit3A_635 : i32
      %ne3A_653 = arith.constant 0 : i32
      %ne3A_654 = arith.cmpi ne, %rem3A_652, %ne3A_653 : i32
      %and3A_655 = arith.andi %ne3A_651, %ne3A_654 : i1
      %sub3A_656 = arith.constant 1 : i32
      %sub3A_657 = arith.subi %div3A_636, %sub3A_656 : i32
      %select_n3A_658 = arith.select %and3A_655, %sub3A_657, %div3A_636 : i32
      %mul3A_659 = arith.constant 128 : i32
      %mul3A_660 = arith.muli %select_n3A_658, %mul3A_659 : i32
      %add3A_661 = vector.broadcast %mul3A_660 : i32 to vector<16xi32>
      %add3A_662 = arith.addi %get3A_634, %add3A_661 : vector<16xi32>
      %gather3A_663 = tpu.vector_load_idx %arg7[%add3A_662] : memref<256xi32, #tpu.memory_space<vmem>>[vector<16xi32>], vector<16xi32>,
      %add3A_664 = arith.constant 12 : i32
      %add3A_665 = vector.broadcast %add3A_664 : i32 to vector<16xi32>
      %add3A_666 = arith.addi %convert_element_type3A, %add3A_665 : vector<16xi32>
      tpu.vector_store_idx %arg10[%add3A_666, %gather3A_663], %broadcast_in_dim3A_40 : memref<16x2048xf32, #tpu.memory_space<vmem>>[vector<16xi32>, vector<16xi32>], vector<16xf32>,
      %mul3A_667 = arith.constant 8 : i32
      %mul3A_668 = arith.muli %scan3A_48, %mul3A_667 : i32
      %add3A_669 = arith.constant 7 : i32
      %add3A_670 = arith.addi %mul3A_668, %add3A_669 : i32
      %get3A_671 = arith.index_cast %add3A_670 : i32 to index
      %get3A_672 = arith.constant 0 : index
      %get3A_673 = tpu.vector_load %arg8[%get3A_671, %get3A_672] {strides = array<i32>} : memref<128x16xi32, #tpu.memory_space<vmem>>, vector<16xi32>,
      %jit3A_674 = arith.constant 64 : i32
      %div3A_675 = arith.divsi %add3A_670, %jit3A_674 : i32
      %sign3A_676 = arith.constant 0 : i32
      %sign3A_677 = arith.cmpi sgt, %add3A_670, %sign3A_676 : i32
      %sign3A_678 = arith.extui %sign3A_677 : i1 to i32
      %sign3A_679 = arith.constant 0 : i32
      %sign3A_680 = arith.cmpi slt, %add3A_670, %sign3A_679 : i32
      %sign3A_681 = arith.extui %sign3A_680 : i1 to i32
      %sign3A_682 = arith.subi %sign3A_678, %sign3A_681 : i32
      %sign3A_683 = arith.constant 0 : i32
      %sign3A_684 = arith.cmpi sgt, %jit3A_674, %sign3A_683 : i32
      %sign3A_685 = arith.extui %sign3A_684 : i1 to i32
      %sign3A_686 = arith.constant 0 : i32
      %sign3A_687 = arith.cmpi slt, %jit3A_674, %sign3A_686 : i32
      %sign3A_688 = arith.extui %sign3A_687 : i1 to i32
      %sign3A_689 = arith.subi %sign3A_685, %sign3A_688 : i32
      %ne3A_690 = arith.cmpi ne, %sign3A_682, %sign3A_689 : i32
      %rem3A_691 = arith.remsi %add3A_670, %jit3A_674 : i32
      %ne3A_692 = arith.constant 0 : i32
      %ne3A_693 = arith.cmpi ne, %rem3A_691, %ne3A_692 : i32
      %and3A_694 = arith.andi %ne3A_690, %ne3A_693 : i1
      %sub3A_695 = arith.constant 1 : i32
      %sub3A_696 = arith.subi %div3A_675, %sub3A_695 : i32
      %select_n3A_697 = arith.select %and3A_694, %sub3A_696, %div3A_675 : i32
      %mul3A_698 = arith.constant 128 : i32
      %mul3A_699 = arith.muli %select_n3A_697, %mul3A_698 : i32
      %add3A_700 = vector.broadcast %mul3A_699 : i32 to vector<16xi32>
      %add3A_701 = arith.addi %get3A_673, %add3A_700 : vector<16xi32>
      %gather3A_702 = tpu.vector_load_idx %arg7[%add3A_701] : memref<256xi32, #tpu.memory_space<vmem>>[vector<16xi32>], vector<16xi32>,
      %add3A_703 = arith.constant 14 : i32
      %add3A_704 = vector.broadcast %add3A_703 : i32 to vector<16xi32>
      %add3A_705 = arith.addi %convert_element_type3A, %add3A_704 : vector<16xi32>
      tpu.vector_store_idx %arg10[%add3A_705, %gather3A_702], %broadcast_in_dim3A_40 : memref<16x2048xf32, #tpu.memory_space<vmem>>[vector<16xi32>, vector<16xi32>], vector<16xf32>,
      %scan3A_706 = arith.constant 0 : i32
      scf.yield %scan3A_706 : i32
    }
    %scan3A_47 = arith.constant 16 : i32
    return
  }
}

module attributes {stable_mosaic.version = 14 : i64} {
  func.func @_order_kernel(%arg0: i32, %arg1: memref<1x2048x512xf32, #tpu.memory_space<vmem>>, %arg2: memref<512x16xf32, #tpu.memory_space<vmem>>, %arg3: memref<1x1x2048xi32, #tpu.memory_space<vmem>>) attributes {dimension_semantics = [#tpu.dimension_semantics<arbitrary>], iteration_bounds = array<i64: 2>, scalar_prefetch = 0 : i64, scratch_operands = 0 : i64, tpu.core_type = #tpu.core_type<tc>, window_params = [{transform_indices = @transform_0, window_bounds = array<i64: 1, 2048, 512>}, {pipeline_mode = #tpu.pipeline_mode<synchronous>, transform_indices = @transform_1, window_bounds = array<i64: 512, 16>}, {transform_indices = @transform_2, window_bounds = array<i64: 1, 1, 2048>}]} {
    %get3A = arith.constant 0 : index
    %get3A_0 = arith.constant 0 : index
    %get3A_1 = arith.constant 0 : index
    %get3A_2 = vector.load %arg1[%get3A, %get3A_0, %get3A_1] : memref<1x2048x512xf32, #tpu.memory_space<vmem>>, vector<1x2048x512xf32>
    %get3A_3 = vector.shape_cast %get3A_2 : vector<1x2048x512xf32> to vector<2048x512xf32>
    %get3A_4 = arith.constant 0 : index
    %get3A_5 = arith.constant 0 : index
    %get3A_6 = vector.load %arg2[%get3A_4, %get3A_5] : memref<512x16xf32, #tpu.memory_space<vmem>>, vector<512x16xf32>
    %dot_general3A = arith.constant dense<0.000000e+00> : vector<2048x16xf32>
    %dot_general3A_7 = tpu.matmul %get3A_3, %get3A_6, %dot_general3A {dimension_numbers = #tpu.dot_dimension_numbers<[1], [0], [0], [1], [0, 0, 1, 1], [], []>, transpose_lhs_hint = false} : vector<2048x512xf32>, vector<512x16xf32>, vector<2048x16xf32> -> vector<2048x16xf32>
    %iota3A = tpu.iota {dimensions = array<i32: 1>} : vector<2048x16xi32>
    %reduce_max3A = arith.constant dense<0xFF800000> : vector<2048xf32>
    %reduce_max3A_8 = vector.multi_reduction <maximumf>, %dot_general3A_7, %reduce_max3A [1] : vector<2048x16xf32> to vector<2048xf32>
    %broadcast_in_dim3A = vector.shape_cast %reduce_max3A_8 : vector<2048xf32> to vector<2048x1xf32>
    %eq3A = vector.broadcast %broadcast_in_dim3A : vector<2048x1xf32> to vector<2048x16xf32>
    %eq3A_9 = arith.cmpf oeq, %dot_general3A_7, %eq3A : vector<2048x16xf32>
    %jit3A = arith.constant 16 : i32
    %broadcast_in_dim3A_10 = vector.broadcast %jit3A : i32 to vector<2048x16xi32>
    %select_n3A = arith.select %eq3A_9, %iota3A, %broadcast_in_dim3A_10 : vector<2048x16xi1>, vector<2048x16xi32>
    %reduce_min3A = arith.constant dense<2147483647> : vector<2048xi32>
    %reduce_min3A_11 = vector.multi_reduction <minsi>, %select_n3A, %reduce_min3A [1] : vector<2048x16xi32> to vector<2048xi32>
    %broadcast_in_dim3A_12 = vector.shape_cast %reduce_min3A_11 : vector<2048xi32> to vector<2048x1xi32>
    %eq3A_13 = vector.broadcast %broadcast_in_dim3A_12 : vector<2048x1xi32> to vector<2048x16xi32>
    %eq3A_14 = arith.cmpi eq, %iota3A, %eq3A_13 : vector<2048x16xi32>
    %convert_element_type3A = arith.extui %eq3A_14 : vector<2048x16xi1> to vector<2048x16xi32>
    %convert_element_type3A_15 = arith.sitofp %convert_element_type3A : vector<2048x16xi32> to vector<2048x16xf32>
    %iota3A_16 = tpu.iota {dimensions = array<i32: 0>} : vector<128x128xi32>
    %iota3A_17 = tpu.iota {dimensions = array<i32: 1>} : vector<128x128xi32>
    %lt3A = arith.cmpi slt, %iota3A_17, %iota3A_16 : vector<128x128xi32>
    %convert_element_type3A_18 = arith.extui %lt3A : vector<128x128xi1> to vector<128x128xi32>
    %convert_element_type3A_19 = arith.sitofp %convert_element_type3A_18 : vector<128x128xi32> to vector<128x128xf32>
    %broadcast_in_dim3A_20 = arith.constant 0.000000e+00 : f32
    %broadcast_in_dim3A_21 = vector.broadcast %broadcast_in_dim3A_20 : f32 to vector<1x16xf32>
    %slice3A = vector.extract_strided_slice %convert_element_type3A_15 {offsets = [0, 0], sizes = [128, 16], strides = [1, 1]} : vector<2048x16xf32> to vector<128x16xf32>
    %dot_general3A_22 = arith.constant dense<0.000000e+00> : vector<128x16xf32>
    %dot_general3A_23 = tpu.matmul %convert_element_type3A_19, %slice3A, %dot_general3A_22 {dimension_numbers = #tpu.dot_dimension_numbers<[1], [0], [0], [1], [0, 0, 1, 1], [], []>, precision = #tpu.contract_precision<fp32>, transpose_lhs_hint = false} : vector<128x128xf32>, vector<128x16xf32>, vector<128x16xf32> -> vector<128x16xf32>
    %add3A = vector.broadcast %broadcast_in_dim3A_21 : vector<1x16xf32> to vector<128x16xf32>
    %add3A_24 = arith.addf %dot_general3A_23, %add3A : vector<128x16xf32>
    %mul3A = arith.mulf %add3A_24, %slice3A : vector<128x16xf32>
    %reduce_sum3A = arith.constant dense<0.000000e+00> : vector<128xf32>
    %reduce_sum3A_25 = vector.multi_reduction <add>, %mul3A, %reduce_sum3A [1] : vector<128x16xf32> to vector<128xf32>
    %broadcast_in_dim3A_26 = vector.shape_cast %reduce_sum3A_25 : vector<128xf32> to vector<128x1xf32>
    %reduce_sum3A_27 = arith.constant dense<0.000000e+00> : vector<16xf32>
    %reduce_sum3A_28 = vector.multi_reduction <add>, %slice3A, %reduce_sum3A_27 [0] : vector<128x16xf32> to vector<16xf32>
    %broadcast_in_dim3A_29 = vector.shape_cast %reduce_sum3A_28 : vector<16xf32> to vector<1x16xf32>
    %add3A_30 = arith.addf %broadcast_in_dim3A_21, %broadcast_in_dim3A_29 : vector<1x16xf32>
    %slice3A_31 = vector.extract_strided_slice %convert_element_type3A_15 {offsets = [128, 0], sizes = [128, 16], strides = [1, 1]} : vector<2048x16xf32> to vector<128x16xf32>
    %dot_general3A_32 = arith.constant dense<0.000000e+00> : vector<128x16xf32>
    %dot_general3A_33 = tpu.matmul %convert_element_type3A_19, %slice3A_31, %dot_general3A_32 {dimension_numbers = #tpu.dot_dimension_numbers<[1], [0], [0], [1], [0, 0, 1, 1], [], []>, precision = #tpu.contract_precision<fp32>, transpose_lhs_hint = false} : vector<128x128xf32>, vector<128x16xf32>, vector<128x16xf32> -> vector<128x16xf32>
    %add3A_34 = vector.broadcast %add3A_30 : vector<1x16xf32> to vector<128x16xf32>
    %add3A_35 = arith.addf %dot_general3A_33, %add3A_34 : vector<128x16xf32>
    %mul3A_36 = arith.mulf %add3A_35, %slice3A_31 : vector<128x16xf32>
    %reduce_sum3A_37 = arith.constant dense<0.000000e+00> : vector<128xf32>
    %reduce_sum3A_38 = vector.multi_reduction <add>, %mul3A_36, %reduce_sum3A_37 [1] : vector<128x16xf32> to vector<128xf32>
    %broadcast_in_dim3A_39 = vector.shape_cast %reduce_sum3A_38 : vector<128xf32> to vector<128x1xf32>
    %reduce_sum3A_40 = arith.constant dense<0.000000e+00> : vector<16xf32>
    %reduce_sum3A_41 = vector.multi_reduction <add>, %slice3A_31, %reduce_sum3A_40 [0] : vector<128x16xf32> to vector<16xf32>
    %broadcast_in_dim3A_42 = vector.shape_cast %reduce_sum3A_41 : vector<16xf32> to vector<1x16xf32>
    %add3A_43 = arith.addf %add3A_30, %broadcast_in_dim3A_42 : vector<1x16xf32>
    %slice3A_44 = vector.extract_strided_slice %convert_element_type3A_15 {offsets = [256, 0], sizes = [128, 16], strides = [1, 1]} : vector<2048x16xf32> to vector<128x16xf32>
    %dot_general3A_45 = arith.constant dense<0.000000e+00> : vector<128x16xf32>
    %dot_general3A_46 = tpu.matmul %convert_element_type3A_19, %slice3A_44, %dot_general3A_45 {dimension_numbers = #tpu.dot_dimension_numbers<[1], [0], [0], [1], [0, 0, 1, 1], [], []>, precision = #tpu.contract_precision<fp32>, transpose_lhs_hint = false} : vector<128x128xf32>, vector<128x16xf32>, vector<128x16xf32> -> vector<128x16xf32>
    %add3A_47 = vector.broadcast %add3A_43 : vector<1x16xf32> to vector<128x16xf32>
    %add3A_48 = arith.addf %dot_general3A_46, %add3A_47 : vector<128x16xf32>
    %mul3A_49 = arith.mulf %add3A_48, %slice3A_44 : vector<128x16xf32>
    %reduce_sum3A_50 = arith.constant dense<0.000000e+00> : vector<128xf32>
    %reduce_sum3A_51 = vector.multi_reduction <add>, %mul3A_49, %reduce_sum3A_50 [1] : vector<128x16xf32> to vector<128xf32>
    %broadcast_in_dim3A_52 = vector.shape_cast %reduce_sum3A_51 : vector<128xf32> to vector<128x1xf32>
    %reduce_sum3A_53 = arith.constant dense<0.000000e+00> : vector<16xf32>
    %reduce_sum3A_54 = vector.multi_reduction <add>, %slice3A_44, %reduce_sum3A_53 [0] : vector<128x16xf32> to vector<16xf32>
    %broadcast_in_dim3A_55 = vector.shape_cast %reduce_sum3A_54 : vector<16xf32> to vector<1x16xf32>
    %add3A_56 = arith.addf %add3A_43, %broadcast_in_dim3A_55 : vector<1x16xf32>
    %slice3A_57 = vector.extract_strided_slice %convert_element_type3A_15 {offsets = [384, 0], sizes = [128, 16], strides = [1, 1]} : vector<2048x16xf32> to vector<128x16xf32>
    %dot_general3A_58 = arith.constant dense<0.000000e+00> : vector<128x16xf32>
    %dot_general3A_59 = tpu.matmul %convert_element_type3A_19, %slice3A_57, %dot_general3A_58 {dimension_numbers = #tpu.dot_dimension_numbers<[1], [0], [0], [1], [0, 0, 1, 1], [], []>, precision = #tpu.contract_precision<fp32>, transpose_lhs_hint = false} : vector<128x128xf32>, vector<128x16xf32>, vector<128x16xf32> -> vector<128x16xf32>
    %add3A_60 = vector.broadcast %add3A_56 : vector<1x16xf32> to vector<128x16xf32>
    %add3A_61 = arith.addf %dot_general3A_59, %add3A_60 : vector<128x16xf32>
    %mul3A_62 = arith.mulf %add3A_61, %slice3A_57 : vector<128x16xf32>
    %reduce_sum3A_63 = arith.constant dense<0.000000e+00> : vector<128xf32>
    %reduce_sum3A_64 = vector.multi_reduction <add>, %mul3A_62, %reduce_sum3A_63 [1] : vector<128x16xf32> to vector<128xf32>
    %broadcast_in_dim3A_65 = vector.shape_cast %reduce_sum3A_64 : vector<128xf32> to vector<128x1xf32>
    %reduce_sum3A_66 = arith.constant dense<0.000000e+00> : vector<16xf32>
    %reduce_sum3A_67 = vector.multi_reduction <add>, %slice3A_57, %reduce_sum3A_66 [0] : vector<128x16xf32> to vector<16xf32>
    %broadcast_in_dim3A_68 = vector.shape_cast %reduce_sum3A_67 : vector<16xf32> to vector<1x16xf32>
    %add3A_69 = arith.addf %add3A_56, %broadcast_in_dim3A_68 : vector<1x16xf32>
    %slice3A_70 = vector.extract_strided_slice %convert_element_type3A_15 {offsets = [512, 0], sizes = [128, 16], strides = [1, 1]} : vector<2048x16xf32> to vector<128x16xf32>
    %dot_general3A_71 = arith.constant dense<0.000000e+00> : vector<128x16xf32>
    %dot_general3A_72 = tpu.matmul %convert_element_type3A_19, %slice3A_70, %dot_general3A_71 {dimension_numbers = #tpu.dot_dimension_numbers<[1], [0], [0], [1], [0, 0, 1, 1], [], []>, precision = #tpu.contract_precision<fp32>, transpose_lhs_hint = false} : vector<128x128xf32>, vector<128x16xf32>, vector<128x16xf32> -> vector<128x16xf32>
    %add3A_73 = vector.broadcast %add3A_69 : vector<1x16xf32> to vector<128x16xf32>
    %add3A_74 = arith.addf %dot_general3A_72, %add3A_73 : vector<128x16xf32>
    %mul3A_75 = arith.mulf %add3A_74, %slice3A_70 : vector<128x16xf32>
    %reduce_sum3A_76 = arith.constant dense<0.000000e+00> : vector<128xf32>
    %reduce_sum3A_77 = vector.multi_reduction <add>, %mul3A_75, %reduce_sum3A_76 [1] : vector<128x16xf32> to vector<128xf32>
    %broadcast_in_dim3A_78 = vector.shape_cast %reduce_sum3A_77 : vector<128xf32> to vector<128x1xf32>
    %reduce_sum3A_79 = arith.constant dense<0.000000e+00> : vector<16xf32>
    %reduce_sum3A_80 = vector.multi_reduction <add>, %slice3A_70, %reduce_sum3A_79 [0] : vector<128x16xf32> to vector<16xf32>
    %broadcast_in_dim3A_81 = vector.shape_cast %reduce_sum3A_80 : vector<16xf32> to vector<1x16xf32>
    %add3A_82 = arith.addf %add3A_69, %broadcast_in_dim3A_81 : vector<1x16xf32>
    %slice3A_83 = vector.extract_strided_slice %convert_element_type3A_15 {offsets = [640, 0], sizes = [128, 16], strides = [1, 1]} : vector<2048x16xf32> to vector<128x16xf32>
    %dot_general3A_84 = arith.constant dense<0.000000e+00> : vector<128x16xf32>
    %dot_general3A_85 = tpu.matmul %convert_element_type3A_19, %slice3A_83, %dot_general3A_84 {dimension_numbers = #tpu.dot_dimension_numbers<[1], [0], [0], [1], [0, 0, 1, 1], [], []>, precision = #tpu.contract_precision<fp32>, transpose_lhs_hint = false} : vector<128x128xf32>, vector<128x16xf32>, vector<128x16xf32> -> vector<128x16xf32>
    %add3A_86 = vector.broadcast %add3A_82 : vector<1x16xf32> to vector<128x16xf32>
    %add3A_87 = arith.addf %dot_general3A_85, %add3A_86 : vector<128x16xf32>
    %mul3A_88 = arith.mulf %add3A_87, %slice3A_83 : vector<128x16xf32>
    %reduce_sum3A_89 = arith.constant dense<0.000000e+00> : vector<128xf32>
    %reduce_sum3A_90 = vector.multi_reduction <add>, %mul3A_88, %reduce_sum3A_89 [1] : vector<128x16xf32> to vector<128xf32>
    %broadcast_in_dim3A_91 = vector.shape_cast %reduce_sum3A_90 : vector<128xf32> to vector<128x1xf32>
    %reduce_sum3A_92 = arith.constant dense<0.000000e+00> : vector<16xf32>
    %reduce_sum3A_93 = vector.multi_reduction <add>, %slice3A_83, %reduce_sum3A_92 [0] : vector<128x16xf32> to vector<16xf32>
    %broadcast_in_dim3A_94 = vector.shape_cast %reduce_sum3A_93 : vector<16xf32> to vector<1x16xf32>
    %add3A_95 = arith.addf %add3A_82, %broadcast_in_dim3A_94 : vector<1x16xf32>
    %slice3A_96 = vector.extract_strided_slice %convert_element_type3A_15 {offsets = [768, 0], sizes = [128, 16], strides = [1, 1]} : vector<2048x16xf32> to vector<128x16xf32>
    %dot_general3A_97 = arith.constant dense<0.000000e+00> : vector<128x16xf32>
    %dot_general3A_98 = tpu.matmul %convert_element_type3A_19, %slice3A_96, %dot_general3A_97 {dimension_numbers = #tpu.dot_dimension_numbers<[1], [0], [0], [1], [0, 0, 1, 1], [], []>, precision = #tpu.contract_precision<fp32>, transpose_lhs_hint = false} : vector<128x128xf32>, vector<128x16xf32>, vector<128x16xf32> -> vector<128x16xf32>
    %add3A_99 = vector.broadcast %add3A_95 : vector<1x16xf32> to vector<128x16xf32>
    %add3A_100 = arith.addf %dot_general3A_98, %add3A_99 : vector<128x16xf32>
    %mul3A_101 = arith.mulf %add3A_100, %slice3A_96 : vector<128x16xf32>
    %reduce_sum3A_102 = arith.constant dense<0.000000e+00> : vector<128xf32>
    %reduce_sum3A_103 = vector.multi_reduction <add>, %mul3A_101, %reduce_sum3A_102 [1] : vector<128x16xf32> to vector<128xf32>
    %broadcast_in_dim3A_104 = vector.shape_cast %reduce_sum3A_103 : vector<128xf32> to vector<128x1xf32>
    %reduce_sum3A_105 = arith.constant dense<0.000000e+00> : vector<16xf32>
    %reduce_sum3A_106 = vector.multi_reduction <add>, %slice3A_96, %reduce_sum3A_105 [0] : vector<128x16xf32> to vector<16xf32>
    %broadcast_in_dim3A_107 = vector.shape_cast %reduce_sum3A_106 : vector<16xf32> to vector<1x16xf32>
    %add3A_108 = arith.addf %add3A_95, %broadcast_in_dim3A_107 : vector<1x16xf32>
    %slice3A_109 = vector.extract_strided_slice %convert_element_type3A_15 {offsets = [896, 0], sizes = [128, 16], strides = [1, 1]} : vector<2048x16xf32> to vector<128x16xf32>
    %dot_general3A_110 = arith.constant dense<0.000000e+00> : vector<128x16xf32>
    %dot_general3A_111 = tpu.matmul %convert_element_type3A_19, %slice3A_109, %dot_general3A_110 {dimension_numbers = #tpu.dot_dimension_numbers<[1], [0], [0], [1], [0, 0, 1, 1], [], []>, precision = #tpu.contract_precision<fp32>, transpose_lhs_hint = false} : vector<128x128xf32>, vector<128x16xf32>, vector<128x16xf32> -> vector<128x16xf32>
    %add3A_112 = vector.broadcast %add3A_108 : vector<1x16xf32> to vector<128x16xf32>
    %add3A_113 = arith.addf %dot_general3A_111, %add3A_112 : vector<128x16xf32>
    %mul3A_114 = arith.mulf %add3A_113, %slice3A_109 : vector<128x16xf32>
    %reduce_sum3A_115 = arith.constant dense<0.000000e+00> : vector<128xf32>
    %reduce_sum3A_116 = vector.multi_reduction <add>, %mul3A_114, %reduce_sum3A_115 [1] : vector<128x16xf32> to vector<128xf32>
    %broadcast_in_dim3A_117 = vector.shape_cast %reduce_sum3A_116 : vector<128xf32> to vector<128x1xf32>
    %reduce_sum3A_118 = arith.constant dense<0.000000e+00> : vector<16xf32>
    %reduce_sum3A_119 = vector.multi_reduction <add>, %slice3A_109, %reduce_sum3A_118 [0] : vector<128x16xf32> to vector<16xf32>
    %broadcast_in_dim3A_120 = vector.shape_cast %reduce_sum3A_119 : vector<16xf32> to vector<1x16xf32>
    %add3A_121 = arith.addf %add3A_108, %broadcast_in_dim3A_120 : vector<1x16xf32>
    %slice3A_122 = vector.extract_strided_slice %convert_element_type3A_15 {offsets = [1024, 0], sizes = [128, 16], strides = [1, 1]} : vector<2048x16xf32> to vector<128x16xf32>
    %dot_general3A_123 = arith.constant dense<0.000000e+00> : vector<128x16xf32>
    %dot_general3A_124 = tpu.matmul %convert_element_type3A_19, %slice3A_122, %dot_general3A_123 {dimension_numbers = #tpu.dot_dimension_numbers<[1], [0], [0], [1], [0, 0, 1, 1], [], []>, precision = #tpu.contract_precision<fp32>, transpose_lhs_hint = false} : vector<128x128xf32>, vector<128x16xf32>, vector<128x16xf32> -> vector<128x16xf32>
    %add3A_125 = vector.broadcast %add3A_121 : vector<1x16xf32> to vector<128x16xf32>
    %add3A_126 = arith.addf %dot_general3A_124, %add3A_125 : vector<128x16xf32>
    %mul3A_127 = arith.mulf %add3A_126, %slice3A_122 : vector<128x16xf32>
    %reduce_sum3A_128 = arith.constant dense<0.000000e+00> : vector<128xf32>
    %reduce_sum3A_129 = vector.multi_reduction <add>, %mul3A_127, %reduce_sum3A_128 [1] : vector<128x16xf32> to vector<128xf32>
    %broadcast_in_dim3A_130 = vector.shape_cast %reduce_sum3A_129 : vector<128xf32> to vector<128x1xf32>
    %reduce_sum3A_131 = arith.constant dense<0.000000e+00> : vector<16xf32>
    %reduce_sum3A_132 = vector.multi_reduction <add>, %slice3A_122, %reduce_sum3A_131 [0] : vector<128x16xf32> to vector<16xf32>
    %broadcast_in_dim3A_133 = vector.shape_cast %reduce_sum3A_132 : vector<16xf32> to vector<1x16xf32>
    %add3A_134 = arith.addf %add3A_121, %broadcast_in_dim3A_133 : vector<1x16xf32>
    %slice3A_135 = vector.extract_strided_slice %convert_element_type3A_15 {offsets = [1152, 0], sizes = [128, 16], strides = [1, 1]} : vector<2048x16xf32> to vector<128x16xf32>
    %dot_general3A_136 = arith.constant dense<0.000000e+00> : vector<128x16xf32>
    %dot_general3A_137 = tpu.matmul %convert_element_type3A_19, %slice3A_135, %dot_general3A_136 {dimension_numbers = #tpu.dot_dimension_numbers<[1], [0], [0], [1], [0, 0, 1, 1], [], []>, precision = #tpu.contract_precision<fp32>, transpose_lhs_hint = false} : vector<128x128xf32>, vector<128x16xf32>, vector<128x16xf32> -> vector<128x16xf32>
    %add3A_138 = vector.broadcast %add3A_134 : vector<1x16xf32> to vector<128x16xf32>
    %add3A_139 = arith.addf %dot_general3A_137, %add3A_138 : vector<128x16xf32>
    %mul3A_140 = arith.mulf %add3A_139, %slice3A_135 : vector<128x16xf32>
    %reduce_sum3A_141 = arith.constant dense<0.000000e+00> : vector<128xf32>
    %reduce_sum3A_142 = vector.multi_reduction <add>, %mul3A_140, %reduce_sum3A_141 [1] : vector<128x16xf32> to vector<128xf32>
    %broadcast_in_dim3A_143 = vector.shape_cast %reduce_sum3A_142 : vector<128xf32> to vector<128x1xf32>
    %reduce_sum3A_144 = arith.constant dense<0.000000e+00> : vector<16xf32>
    %reduce_sum3A_145 = vector.multi_reduction <add>, %slice3A_135, %reduce_sum3A_144 [0] : vector<128x16xf32> to vector<16xf32>
    %broadcast_in_dim3A_146 = vector.shape_cast %reduce_sum3A_145 : vector<16xf32> to vector<1x16xf32>
    %add3A_147 = arith.addf %add3A_134, %broadcast_in_dim3A_146 : vector<1x16xf32>
    %slice3A_148 = vector.extract_strided_slice %convert_element_type3A_15 {offsets = [1280, 0], sizes = [128, 16], strides = [1, 1]} : vector<2048x16xf32> to vector<128x16xf32>
    %dot_general3A_149 = arith.constant dense<0.000000e+00> : vector<128x16xf32>
    %dot_general3A_150 = tpu.matmul %convert_element_type3A_19, %slice3A_148, %dot_general3A_149 {dimension_numbers = #tpu.dot_dimension_numbers<[1], [0], [0], [1], [0, 0, 1, 1], [], []>, precision = #tpu.contract_precision<fp32>, transpose_lhs_hint = false} : vector<128x128xf32>, vector<128x16xf32>, vector<128x16xf32> -> vector<128x16xf32>
    %add3A_151 = vector.broadcast %add3A_147 : vector<1x16xf32> to vector<128x16xf32>
    %add3A_152 = arith.addf %dot_general3A_150, %add3A_151 : vector<128x16xf32>
    %mul3A_153 = arith.mulf %add3A_152, %slice3A_148 : vector<128x16xf32>
    %reduce_sum3A_154 = arith.constant dense<0.000000e+00> : vector<128xf32>
    %reduce_sum3A_155 = vector.multi_reduction <add>, %mul3A_153, %reduce_sum3A_154 [1] : vector<128x16xf32> to vector<128xf32>
    %broadcast_in_dim3A_156 = vector.shape_cast %reduce_sum3A_155 : vector<128xf32> to vector<128x1xf32>
    %reduce_sum3A_157 = arith.constant dense<0.000000e+00> : vector<16xf32>
    %reduce_sum3A_158 = vector.multi_reduction <add>, %slice3A_148, %reduce_sum3A_157 [0] : vector<128x16xf32> to vector<16xf32>
    %broadcast_in_dim3A_159 = vector.shape_cast %reduce_sum3A_158 : vector<16xf32> to vector<1x16xf32>
    %add3A_160 = arith.addf %add3A_147, %broadcast_in_dim3A_159 : vector<1x16xf32>
    %slice3A_161 = vector.extract_strided_slice %convert_element_type3A_15 {offsets = [1408, 0], sizes = [128, 16], strides = [1, 1]} : vector<2048x16xf32> to vector<128x16xf32>
    %dot_general3A_162 = arith.constant dense<0.000000e+00> : vector<128x16xf32>
    %dot_general3A_163 = tpu.matmul %convert_element_type3A_19, %slice3A_161, %dot_general3A_162 {dimension_numbers = #tpu.dot_dimension_numbers<[1], [0], [0], [1], [0, 0, 1, 1], [], []>, precision = #tpu.contract_precision<fp32>, transpose_lhs_hint = false} : vector<128x128xf32>, vector<128x16xf32>, vector<128x16xf32> -> vector<128x16xf32>
    %add3A_164 = vector.broadcast %add3A_160 : vector<1x16xf32> to vector<128x16xf32>
    %add3A_165 = arith.addf %dot_general3A_163, %add3A_164 : vector<128x16xf32>
    %mul3A_166 = arith.mulf %add3A_165, %slice3A_161 : vector<128x16xf32>
    %reduce_sum3A_167 = arith.constant dense<0.000000e+00> : vector<128xf32>
    %reduce_sum3A_168 = vector.multi_reduction <add>, %mul3A_166, %reduce_sum3A_167 [1] : vector<128x16xf32> to vector<128xf32>
    %broadcast_in_dim3A_169 = vector.shape_cast %reduce_sum3A_168 : vector<128xf32> to vector<128x1xf32>
    %reduce_sum3A_170 = arith.constant dense<0.000000e+00> : vector<16xf32>
    %reduce_sum3A_171 = vector.multi_reduction <add>, %slice3A_161, %reduce_sum3A_170 [0] : vector<128x16xf32> to vector<16xf32>
    %broadcast_in_dim3A_172 = vector.shape_cast %reduce_sum3A_171 : vector<16xf32> to vector<1x16xf32>
    %add3A_173 = arith.addf %add3A_160, %broadcast_in_dim3A_172 : vector<1x16xf32>
    %slice3A_174 = vector.extract_strided_slice %convert_element_type3A_15 {offsets = [1536, 0], sizes = [128, 16], strides = [1, 1]} : vector<2048x16xf32> to vector<128x16xf32>
    %dot_general3A_175 = arith.constant dense<0.000000e+00> : vector<128x16xf32>
    %dot_general3A_176 = tpu.matmul %convert_element_type3A_19, %slice3A_174, %dot_general3A_175 {dimension_numbers = #tpu.dot_dimension_numbers<[1], [0], [0], [1], [0, 0, 1, 1], [], []>, precision = #tpu.contract_precision<fp32>, transpose_lhs_hint = false} : vector<128x128xf32>, vector<128x16xf32>, vector<128x16xf32> -> vector<128x16xf32>
    %add3A_177 = vector.broadcast %add3A_173 : vector<1x16xf32> to vector<128x16xf32>
    %add3A_178 = arith.addf %dot_general3A_176, %add3A_177 : vector<128x16xf32>
    %mul3A_179 = arith.mulf %add3A_178, %slice3A_174 : vector<128x16xf32>
    %reduce_sum3A_180 = arith.constant dense<0.000000e+00> : vector<128xf32>
    %reduce_sum3A_181 = vector.multi_reduction <add>, %mul3A_179, %reduce_sum3A_180 [1] : vector<128x16xf32> to vector<128xf32>
    %broadcast_in_dim3A_182 = vector.shape_cast %reduce_sum3A_181 : vector<128xf32> to vector<128x1xf32>
    %reduce_sum3A_183 = arith.constant dense<0.000000e+00> : vector<16xf32>
    %reduce_sum3A_184 = vector.multi_reduction <add>, %slice3A_174, %reduce_sum3A_183 [0] : vector<128x16xf32> to vector<16xf32>
    %broadcast_in_dim3A_185 = vector.shape_cast %reduce_sum3A_184 : vector<16xf32> to vector<1x16xf32>
    %add3A_186 = arith.addf %add3A_173, %broadcast_in_dim3A_185 : vector<1x16xf32>
    %slice3A_187 = vector.extract_strided_slice %convert_element_type3A_15 {offsets = [1664, 0], sizes = [128, 16], strides = [1, 1]} : vector<2048x16xf32> to vector<128x16xf32>
    %dot_general3A_188 = arith.constant dense<0.000000e+00> : vector<128x16xf32>
    %dot_general3A_189 = tpu.matmul %convert_element_type3A_19, %slice3A_187, %dot_general3A_188 {dimension_numbers = #tpu.dot_dimension_numbers<[1], [0], [0], [1], [0, 0, 1, 1], [], []>, precision = #tpu.contract_precision<fp32>, transpose_lhs_hint = false} : vector<128x128xf32>, vector<128x16xf32>, vector<128x16xf32> -> vector<128x16xf32>
    %add3A_190 = vector.broadcast %add3A_186 : vector<1x16xf32> to vector<128x16xf32>
    %add3A_191 = arith.addf %dot_general3A_189, %add3A_190 : vector<128x16xf32>
    %mul3A_192 = arith.mulf %add3A_191, %slice3A_187 : vector<128x16xf32>
    %reduce_sum3A_193 = arith.constant dense<0.000000e+00> : vector<128xf32>
    %reduce_sum3A_194 = vector.multi_reduction <add>, %mul3A_192, %reduce_sum3A_193 [1] : vector<128x16xf32> to vector<128xf32>
    %broadcast_in_dim3A_195 = vector.shape_cast %reduce_sum3A_194 : vector<128xf32> to vector<128x1xf32>
    %reduce_sum3A_196 = arith.constant dense<0.000000e+00> : vector<16xf32>
    %reduce_sum3A_197 = vector.multi_reduction <add>, %slice3A_187, %reduce_sum3A_196 [0] : vector<128x16xf32> to vector<16xf32>
    %broadcast_in_dim3A_198 = vector.shape_cast %reduce_sum3A_197 : vector<16xf32> to vector<1x16xf32>
    %add3A_199 = arith.addf %add3A_186, %broadcast_in_dim3A_198 : vector<1x16xf32>
    %slice3A_200 = vector.extract_strided_slice %convert_element_type3A_15 {offsets = [1792, 0], sizes = [128, 16], strides = [1, 1]} : vector<2048x16xf32> to vector<128x16xf32>
    %dot_general3A_201 = arith.constant dense<0.000000e+00> : vector<128x16xf32>
    %dot_general3A_202 = tpu.matmul %convert_element_type3A_19, %slice3A_200, %dot_general3A_201 {dimension_numbers = #tpu.dot_dimension_numbers<[1], [0], [0], [1], [0, 0, 1, 1], [], []>, precision = #tpu.contract_precision<fp32>, transpose_lhs_hint = false} : vector<128x128xf32>, vector<128x16xf32>, vector<128x16xf32> -> vector<128x16xf32>
    %add3A_203 = vector.broadcast %add3A_199 : vector<1x16xf32> to vector<128x16xf32>
    %add3A_204 = arith.addf %dot_general3A_202, %add3A_203 : vector<128x16xf32>
    %mul3A_205 = arith.mulf %add3A_204, %slice3A_200 : vector<128x16xf32>
    %reduce_sum3A_206 = arith.constant dense<0.000000e+00> : vector<128xf32>
    %reduce_sum3A_207 = vector.multi_reduction <add>, %mul3A_205, %reduce_sum3A_206 [1] : vector<128x16xf32> to vector<128xf32>
    %broadcast_in_dim3A_208 = vector.shape_cast %reduce_sum3A_207 : vector<128xf32> to vector<128x1xf32>
    %reduce_sum3A_209 = arith.constant dense<0.000000e+00> : vector<16xf32>
    %reduce_sum3A_210 = vector.multi_reduction <add>, %slice3A_200, %reduce_sum3A_209 [0] : vector<128x16xf32> to vector<16xf32>
    %broadcast_in_dim3A_211 = vector.shape_cast %reduce_sum3A_210 : vector<16xf32> to vector<1x16xf32>
    %add3A_212 = arith.addf %add3A_199, %broadcast_in_dim3A_211 : vector<1x16xf32>
    %slice3A_213 = vector.extract_strided_slice %convert_element_type3A_15 {offsets = [1920, 0], sizes = [128, 16], strides = [1, 1]} : vector<2048x16xf32> to vector<128x16xf32>
    %dot_general3A_214 = arith.constant dense<0.000000e+00> : vector<128x16xf32>
    %dot_general3A_215 = tpu.matmul %convert_element_type3A_19, %slice3A_213, %dot_general3A_214 {dimension_numbers = #tpu.dot_dimension_numbers<[1], [0], [0], [1], [0, 0, 1, 1], [], []>, precision = #tpu.contract_precision<fp32>, transpose_lhs_hint = false} : vector<128x128xf32>, vector<128x16xf32>, vector<128x16xf32> -> vector<128x16xf32>
    %add3A_216 = vector.broadcast %add3A_212 : vector<1x16xf32> to vector<128x16xf32>
    %add3A_217 = arith.addf %dot_general3A_215, %add3A_216 : vector<128x16xf32>
    %mul3A_218 = arith.mulf %add3A_217, %slice3A_213 : vector<128x16xf32>
    %reduce_sum3A_219 = arith.constant dense<0.000000e+00> : vector<128xf32>
    %reduce_sum3A_220 = vector.multi_reduction <add>, %mul3A_218, %reduce_sum3A_219 [1] : vector<128x16xf32> to vector<128xf32>
    %broadcast_in_dim3A_221 = vector.shape_cast %reduce_sum3A_220 : vector<128xf32> to vector<128x1xf32>
    %reduce_sum3A_222 = arith.constant dense<0.000000e+00> : vector<16xf32>
    %reduce_sum3A_223 = vector.multi_reduction <add>, %slice3A_213, %reduce_sum3A_222 [0] : vector<128x16xf32> to vector<16xf32>
    %broadcast_in_dim3A_224 = vector.shape_cast %reduce_sum3A_223 : vector<16xf32> to vector<1x16xf32>
    %add3A_225 = arith.addf %add3A_212, %broadcast_in_dim3A_224 : vector<1x16xf32>
    %concatenate3A = tpu.concatenate %broadcast_in_dim3A_26, %broadcast_in_dim3A_39, %broadcast_in_dim3A_52, %broadcast_in_dim3A_65, %broadcast_in_dim3A_78, %broadcast_in_dim3A_91, %broadcast_in_dim3A_104, %broadcast_in_dim3A_117, %broadcast_in_dim3A_130, %broadcast_in_dim3A_143, %broadcast_in_dim3A_156, %broadcast_in_dim3A_169, %broadcast_in_dim3A_182, %broadcast_in_dim3A_195, %broadcast_in_dim3A_208, %broadcast_in_dim3A_221 in 0 : vector<128x1xf32>, vector<128x1xf32>, vector<128x1xf32>, vector<128x1xf32>, vector<128x1xf32>, vector<128x1xf32>, vector<128x1xf32>, vector<128x1xf32>, vector<128x1xf32>, vector<128x1xf32>, vector<128x1xf32>, vector<128x1xf32>, vector<128x1xf32>, vector<128x1xf32>, vector<128x1xf32>, vector<128x1xf32> -> vector<2048x1xf32>
    %lt3A_226 = vector.broadcast %broadcast_in_dim3A_12 : vector<2048x1xi32> to vector<2048x16xi32>
    %lt3A_227 = arith.cmpi slt, %iota3A, %lt3A_226 : vector<2048x16xi32>
    %convert_element_type3A_228 = arith.extui %lt3A_227 : vector<2048x16xi1> to vector<2048x16xi32>
    %convert_element_type3A_229 = arith.sitofp %convert_element_type3A_228 : vector<2048x16xi32> to vector<2048x16xf32>
    %mul3A_230 = vector.broadcast %add3A_225 : vector<1x16xf32> to vector<2048x16xf32>
    %mul3A_231 = arith.mulf %convert_element_type3A_229, %mul3A_230 : vector<2048x16xf32>
    %reduce_sum3A_232 = arith.constant dense<0.000000e+00> : vector<2048xf32>
    %reduce_sum3A_233 = vector.multi_reduction <add>, %mul3A_231, %reduce_sum3A_232 [1] : vector<2048x16xf32> to vector<2048xf32>
    %broadcast_in_dim3A_234 = vector.shape_cast %reduce_sum3A_233 : vector<2048xf32> to vector<2048x1xf32>
    %add3A_235 = arith.addf %broadcast_in_dim3A_234, %concatenate3A : vector<2048x1xf32>
    %convert_element_type3A_236 = arith.fptosi %add3A_235 : vector<2048x1xf32> to vector<2048x1xi32>
    %add3A_237 = arith.constant 2 : i32
    %add3A_238 = arith.addi %arg0, %add3A_237 : i32
    %mul3A_239 = arith.constant 2048 : i32
    %mul3A_240 = arith.muli %add3A_238, %mul3A_239 : i32
    %iota3A_241 = tpu.iota {dimensions = array<i32: 1>} : vector<2048x256xi32>
    %add3A_242 = arith.constant 0 : i32
    %add3A_243 = vector.broadcast %add3A_242 : i32 to vector<2048x256xi32>
    %add3A_244 = arith.addi %iota3A_241, %add3A_243 : vector<2048x256xi32>
    %eq3A_245 = vector.broadcast %convert_element_type3A_236 : vector<2048x1xi32> to vector<2048x256xi32>
    %eq3A_246 = arith.cmpi eq, %eq3A_245, %add3A_244 : vector<2048x256xi32>
    %iota3A_247 = tpu.iota {dimensions = array<i32: 0>} : vector<2048x256xi32>
    %convert_element_type3A_248 = arith.sitofp %iota3A_247 : vector<2048x256xi32> to vector<2048x256xf32>
    %jit3A_249 = arith.constant 0.000000e+00 : f32
    %broadcast_in_dim3A_250 = vector.broadcast %jit3A_249 : f32 to vector<2048x256xf32>
    %select_n3A_251 = arith.select %eq3A_246, %convert_element_type3A_248, %broadcast_in_dim3A_250 : vector<2048x256xi1>, vector<2048x256xf32>
    %reduce_sum3A_252 = arith.constant dense<0.000000e+00> : vector<256xf32>
    %reduce_sum3A_253 = vector.multi_reduction <add>, %select_n3A_251, %reduce_sum3A_252 [0] : vector<2048x256xf32> to vector<256xf32>
    %broadcast_in_dim3A_254 = vector.shape_cast %reduce_sum3A_253 : vector<256xf32> to vector<1x256xf32>
    %convert_element_type3A_255 = arith.fptosi %broadcast_in_dim3A_254 : vector<1x256xf32> to vector<1x256xi32>
    %add3A_256 = vector.broadcast %mul3A_240 : i32 to vector<1x256xi32>
    %add3A_257 = arith.addi %convert_element_type3A_255, %add3A_256 : vector<1x256xi32>
    %swap3A = arith.constant 0 : index
    %swap3A_258 = arith.constant 0 : index
    %swap3A_259 = arith.constant 0 : index
    %swap3A_260 = vector.load %arg3[%swap3A, %swap3A_258, %swap3A_259] : memref<1x1x2048xi32, #tpu.memory_space<vmem>>, vector<1x1x256xi32>
    %swap3A_261 = vector.shape_cast %swap3A_260 : vector<1x1x256xi32> to vector<1x256xi32>
    %swap3A_262 = vector.shape_cast %add3A_257 : vector<1x256xi32> to vector<1x1x256xi32>
    tpu.vector_store %arg3[%swap3A, %swap3A_258, %swap3A_259], %swap3A_262 {strides = array<i32>} : memref<1x1x2048xi32, #tpu.memory_space<vmem>>, vector<1x1x256xi32>,
    %iota3A_263 = tpu.iota {dimensions = array<i32: 1>} : vector<2048x256xi32>
    %add3A_264 = arith.constant 256 : i32
    %add3A_265 = vector.broadcast %add3A_264 : i32 to vector<2048x256xi32>
    %add3A_266 = arith.addi %iota3A_263, %add3A_265 : vector<2048x256xi32>
    %eq3A_267 = vector.broadcast %convert_element_type3A_236 : vector<2048x1xi32> to vector<2048x256xi32>
    %eq3A_268 = arith.cmpi eq, %eq3A_267, %add3A_266 : vector<2048x256xi32>
    %iota3A_269 = tpu.iota {dimensions = array<i32: 0>} : vector<2048x256xi32>
    %convert_element_type3A_270 = arith.sitofp %iota3A_269 : vector<2048x256xi32> to vector<2048x256xf32>
    %jit3A_271 = arith.constant 0.000000e+00 : f32
    %broadcast_in_dim3A_272 = vector.broadcast %jit3A_271 : f32 to vector<2048x256xf32>
    %select_n3A_273 = arith.select %eq3A_268, %convert_element_type3A_270, %broadcast_in_dim3A_272 : vector<2048x256xi1>, vector<2048x256xf32>
    %reduce_sum3A_274 = arith.constant dense<0.000000e+00> : vector<256xf32>
    %reduce_sum3A_275 = vector.multi_reduction <add>, %select_n3A_273, %reduce_sum3A_274 [0] : vector<2048x256xf32> to vector<256xf32>
    %broadcast_in_dim3A_276 = vector.shape_cast %reduce_sum3A_275 : vector<256xf32> to vector<1x256xf32>
    %convert_element_type3A_277 = arith.fptosi %broadcast_in_dim3A_276 : vector<1x256xf32> to vector<1x256xi32>
    %add3A_278 = vector.broadcast %mul3A_240 : i32 to vector<1x256xi32>
    %add3A_279 = arith.addi %convert_element_type3A_277, %add3A_278 : vector<1x256xi32>
    %swap3A_280 = arith.constant 0 : index
    %swap3A_281 = arith.constant 0 : index
    %swap3A_282 = arith.constant 256 : index
    %swap3A_283 = vector.load %arg3[%swap3A_280, %swap3A_281, %swap3A_282] : memref<1x1x2048xi32, #tpu.memory_space<vmem>>, vector<1x1x256xi32>
    %swap3A_284 = vector.shape_cast %swap3A_283 : vector<1x1x256xi32> to vector<1x256xi32>
    %swap3A_285 = vector.shape_cast %add3A_279 : vector<1x256xi32> to vector<1x1x256xi32>
    tpu.vector_store %arg3[%swap3A_280, %swap3A_281, %swap3A_282], %swap3A_285 {strides = array<i32>} : memref<1x1x2048xi32, #tpu.memory_space<vmem>>, vector<1x1x256xi32>,
    %iota3A_286 = tpu.iota {dimensions = array<i32: 1>} : vector<2048x256xi32>
    %add3A_287 = arith.constant 512 : i32
    %add3A_288 = vector.broadcast %add3A_287 : i32 to vector<2048x256xi32>
    %add3A_289 = arith.addi %iota3A_286, %add3A_288 : vector<2048x256xi32>
    %eq3A_290 = vector.broadcast %convert_element_type3A_236 : vector<2048x1xi32> to vector<2048x256xi32>
    %eq3A_291 = arith.cmpi eq, %eq3A_290, %add3A_289 : vector<2048x256xi32>
    %iota3A_292 = tpu.iota {dimensions = array<i32: 0>} : vector<2048x256xi32>
    %convert_element_type3A_293 = arith.sitofp %iota3A_292 : vector<2048x256xi32> to vector<2048x256xf32>
    %jit3A_294 = arith.constant 0.000000e+00 : f32
    %broadcast_in_dim3A_295 = vector.broadcast %jit3A_294 : f32 to vector<2048x256xf32>
    %select_n3A_296 = arith.select %eq3A_291, %convert_element_type3A_293, %broadcast_in_dim3A_295 : vector<2048x256xi1>, vector<2048x256xf32>
    %reduce_sum3A_297 = arith.constant dense<0.000000e+00> : vector<256xf32>
    %reduce_sum3A_298 = vector.multi_reduction <add>, %select_n3A_296, %reduce_sum3A_297 [0] : vector<2048x256xf32> to vector<256xf32>
    %broadcast_in_dim3A_299 = vector.shape_cast %reduce_sum3A_298 : vector<256xf32> to vector<1x256xf32>
    %convert_element_type3A_300 = arith.fptosi %broadcast_in_dim3A_299 : vector<1x256xf32> to vector<1x256xi32>
    %add3A_301 = vector.broadcast %mul3A_240 : i32 to vector<1x256xi32>
    %add3A_302 = arith.addi %convert_element_type3A_300, %add3A_301 : vector<1x256xi32>
    %swap3A_303 = arith.constant 0 : index
    %swap3A_304 = arith.constant 0 : index
    %swap3A_305 = arith.constant 512 : index
    %swap3A_306 = vector.load %arg3[%swap3A_303, %swap3A_304, %swap3A_305] : memref<1x1x2048xi32, #tpu.memory_space<vmem>>, vector<1x1x256xi32>
    %swap3A_307 = vector.shape_cast %swap3A_306 : vector<1x1x256xi32> to vector<1x256xi32>
    %swap3A_308 = vector.shape_cast %add3A_302 : vector<1x256xi32> to vector<1x1x256xi32>
    tpu.vector_store %arg3[%swap3A_303, %swap3A_304, %swap3A_305], %swap3A_308 {strides = array<i32>} : memref<1x1x2048xi32, #tpu.memory_space<vmem>>, vector<1x1x256xi32>,
    %iota3A_309 = tpu.iota {dimensions = array<i32: 1>} : vector<2048x256xi32>
    %add3A_310 = arith.constant 768 : i32
    %add3A_311 = vector.broadcast %add3A_310 : i32 to vector<2048x256xi32>
    %add3A_312 = arith.addi %iota3A_309, %add3A_311 : vector<2048x256xi32>
    %eq3A_313 = vector.broadcast %convert_element_type3A_236 : vector<2048x1xi32> to vector<2048x256xi32>
    %eq3A_314 = arith.cmpi eq, %eq3A_313, %add3A_312 : vector<2048x256xi32>
    %iota3A_315 = tpu.iota {dimensions = array<i32: 0>} : vector<2048x256xi32>
    %convert_element_type3A_316 = arith.sitofp %iota3A_315 : vector<2048x256xi32> to vector<2048x256xf32>
    %jit3A_317 = arith.constant 0.000000e+00 : f32
    %broadcast_in_dim3A_318 = vector.broadcast %jit3A_317 : f32 to vector<2048x256xf32>
    %select_n3A_319 = arith.select %eq3A_314, %convert_element_type3A_316, %broadcast_in_dim3A_318 : vector<2048x256xi1>, vector<2048x256xf32>
    %reduce_sum3A_320 = arith.constant dense<0.000000e+00> : vector<256xf32>
    %reduce_sum3A_321 = vector.multi_reduction <add>, %select_n3A_319, %reduce_sum3A_320 [0] : vector<2048x256xf32> to vector<256xf32>
    %broadcast_in_dim3A_322 = vector.shape_cast %reduce_sum3A_321 : vector<256xf32> to vector<1x256xf32>
    %convert_element_type3A_323 = arith.fptosi %broadcast_in_dim3A_322 : vector<1x256xf32> to vector<1x256xi32>
    %add3A_324 = vector.broadcast %mul3A_240 : i32 to vector<1x256xi32>
    %add3A_325 = arith.addi %convert_element_type3A_323, %add3A_324 : vector<1x256xi32>
    %swap3A_326 = arith.constant 0 : index
    %swap3A_327 = arith.constant 0 : index
    %swap3A_328 = arith.constant 768 : index
    %swap3A_329 = vector.load %arg3[%swap3A_326, %swap3A_327, %swap3A_328] : memref<1x1x2048xi32, #tpu.memory_space<vmem>>, vector<1x1x256xi32>
    %swap3A_330 = vector.shape_cast %swap3A_329 : vector<1x1x256xi32> to vector<1x256xi32>
    %swap3A_331 = vector.shape_cast %add3A_325 : vector<1x256xi32> to vector<1x1x256xi32>
    tpu.vector_store %arg3[%swap3A_326, %swap3A_327, %swap3A_328], %swap3A_331 {strides = array<i32>} : memref<1x1x2048xi32, #tpu.memory_space<vmem>>, vector<1x1x256xi32>,
    %iota3A_332 = tpu.iota {dimensions = array<i32: 1>} : vector<2048x256xi32>
    %add3A_333 = arith.constant 1024 : i32
    %add3A_334 = vector.broadcast %add3A_333 : i32 to vector<2048x256xi32>
    %add3A_335 = arith.addi %iota3A_332, %add3A_334 : vector<2048x256xi32>
    %eq3A_336 = vector.broadcast %convert_element_type3A_236 : vector<2048x1xi32> to vector<2048x256xi32>
    %eq3A_337 = arith.cmpi eq, %eq3A_336, %add3A_335 : vector<2048x256xi32>
    %iota3A_338 = tpu.iota {dimensions = array<i32: 0>} : vector<2048x256xi32>
    %convert_element_type3A_339 = arith.sitofp %iota3A_338 : vector<2048x256xi32> to vector<2048x256xf32>
    %jit3A_340 = arith.constant 0.000000e+00 : f32
    %broadcast_in_dim3A_341 = vector.broadcast %jit3A_340 : f32 to vector<2048x256xf32>
    %select_n3A_342 = arith.select %eq3A_337, %convert_element_type3A_339, %broadcast_in_dim3A_341 : vector<2048x256xi1>, vector<2048x256xf32>
    %reduce_sum3A_343 = arith.constant dense<0.000000e+00> : vector<256xf32>
    %reduce_sum3A_344 = vector.multi_reduction <add>, %select_n3A_342, %reduce_sum3A_343 [0] : vector<2048x256xf32> to vector<256xf32>
    %broadcast_in_dim3A_345 = vector.shape_cast %reduce_sum3A_344 : vector<256xf32> to vector<1x256xf32>
    %convert_element_type3A_346 = arith.fptosi %broadcast_in_dim3A_345 : vector<1x256xf32> to vector<1x256xi32>
    %add3A_347 = vector.broadcast %mul3A_240 : i32 to vector<1x256xi32>
    %add3A_348 = arith.addi %convert_element_type3A_346, %add3A_347 : vector<1x256xi32>
    %swap3A_349 = arith.constant 0 : index
    %swap3A_350 = arith.constant 0 : index
    %swap3A_351 = arith.constant 1024 : index
    %swap3A_352 = vector.load %arg3[%swap3A_349, %swap3A_350, %swap3A_351] : memref<1x1x2048xi32, #tpu.memory_space<vmem>>, vector<1x1x256xi32>
    %swap3A_353 = vector.shape_cast %swap3A_352 : vector<1x1x256xi32> to vector<1x256xi32>
    %swap3A_354 = vector.shape_cast %add3A_348 : vector<1x256xi32> to vector<1x1x256xi32>
    tpu.vector_store %arg3[%swap3A_349, %swap3A_350, %swap3A_351], %swap3A_354 {strides = array<i32>} : memref<1x1x2048xi32, #tpu.memory_space<vmem>>, vector<1x1x256xi32>,
    %iota3A_355 = tpu.iota {dimensions = array<i32: 1>} : vector<2048x256xi32>
    %add3A_356 = arith.constant 1280 : i32
    %add3A_357 = vector.broadcast %add3A_356 : i32 to vector<2048x256xi32>
    %add3A_358 = arith.addi %iota3A_355, %add3A_357 : vector<2048x256xi32>
    %eq3A_359 = vector.broadcast %convert_element_type3A_236 : vector<2048x1xi32> to vector<2048x256xi32>
    %eq3A_360 = arith.cmpi eq, %eq3A_359, %add3A_358 : vector<2048x256xi32>
    %iota3A_361 = tpu.iota {dimensions = array<i32: 0>} : vector<2048x256xi32>
    %convert_element_type3A_362 = arith.sitofp %iota3A_361 : vector<2048x256xi32> to vector<2048x256xf32>
    %jit3A_363 = arith.constant 0.000000e+00 : f32
    %broadcast_in_dim3A_364 = vector.broadcast %jit3A_363 : f32 to vector<2048x256xf32>
    %select_n3A_365 = arith.select %eq3A_360, %convert_element_type3A_362, %broadcast_in_dim3A_364 : vector<2048x256xi1>, vector<2048x256xf32>
    %reduce_sum3A_366 = arith.constant dense<0.000000e+00> : vector<256xf32>
    %reduce_sum3A_367 = vector.multi_reduction <add>, %select_n3A_365, %reduce_sum3A_366 [0] : vector<2048x256xf32> to vector<256xf32>
    %broadcast_in_dim3A_368 = vector.shape_cast %reduce_sum3A_367 : vector<256xf32> to vector<1x256xf32>
    %convert_element_type3A_369 = arith.fptosi %broadcast_in_dim3A_368 : vector<1x256xf32> to vector<1x256xi32>
    %add3A_370 = vector.broadcast %mul3A_240 : i32 to vector<1x256xi32>
    %add3A_371 = arith.addi %convert_element_type3A_369, %add3A_370 : vector<1x256xi32>
    %swap3A_372 = arith.constant 0 : index
    %swap3A_373 = arith.constant 0 : index
    %swap3A_374 = arith.constant 1280 : index
    %swap3A_375 = vector.load %arg3[%swap3A_372, %swap3A_373, %swap3A_374] : memref<1x1x2048xi32, #tpu.memory_space<vmem>>, vector<1x1x256xi32>
    %swap3A_376 = vector.shape_cast %swap3A_375 : vector<1x1x256xi32> to vector<1x256xi32>
    %swap3A_377 = vector.shape_cast %add3A_371 : vector<1x256xi32> to vector<1x1x256xi32>
    tpu.vector_store %arg3[%swap3A_372, %swap3A_373, %swap3A_374], %swap3A_377 {strides = array<i32>} : memref<1x1x2048xi32, #tpu.memory_space<vmem>>, vector<1x1x256xi32>,
    %iota3A_378 = tpu.iota {dimensions = array<i32: 1>} : vector<2048x256xi32>
    %add3A_379 = arith.constant 1536 : i32
    %add3A_380 = vector.broadcast %add3A_379 : i32 to vector<2048x256xi32>
    %add3A_381 = arith.addi %iota3A_378, %add3A_380 : vector<2048x256xi32>
    %eq3A_382 = vector.broadcast %convert_element_type3A_236 : vector<2048x1xi32> to vector<2048x256xi32>
    %eq3A_383 = arith.cmpi eq, %eq3A_382, %add3A_381 : vector<2048x256xi32>
    %iota3A_384 = tpu.iota {dimensions = array<i32: 0>} : vector<2048x256xi32>
    %convert_element_type3A_385 = arith.sitofp %iota3A_384 : vector<2048x256xi32> to vector<2048x256xf32>
    %jit3A_386 = arith.constant 0.000000e+00 : f32
    %broadcast_in_dim3A_387 = vector.broadcast %jit3A_386 : f32 to vector<2048x256xf32>
    %select_n3A_388 = arith.select %eq3A_383, %convert_element_type3A_385, %broadcast_in_dim3A_387 : vector<2048x256xi1>, vector<2048x256xf32>
    %reduce_sum3A_389 = arith.constant dense<0.000000e+00> : vector<256xf32>
    %reduce_sum3A_390 = vector.multi_reduction <add>, %select_n3A_388, %reduce_sum3A_389 [0] : vector<2048x256xf32> to vector<256xf32>
    %broadcast_in_dim3A_391 = vector.shape_cast %reduce_sum3A_390 : vector<256xf32> to vector<1x256xf32>
    %convert_element_type3A_392 = arith.fptosi %broadcast_in_dim3A_391 : vector<1x256xf32> to vector<1x256xi32>
    %add3A_393 = vector.broadcast %mul3A_240 : i32 to vector<1x256xi32>
    %add3A_394 = arith.addi %convert_element_type3A_392, %add3A_393 : vector<1x256xi32>
    %swap3A_395 = arith.constant 0 : index
    %swap3A_396 = arith.constant 0 : index
    %swap3A_397 = arith.constant 1536 : index
    %swap3A_398 = vector.load %arg3[%swap3A_395, %swap3A_396, %swap3A_397] : memref<1x1x2048xi32, #tpu.memory_space<vmem>>, vector<1x1x256xi32>
    %swap3A_399 = vector.shape_cast %swap3A_398 : vector<1x1x256xi32> to vector<1x256xi32>
    %swap3A_400 = vector.shape_cast %add3A_394 : vector<1x256xi32> to vector<1x1x256xi32>
    tpu.vector_store %arg3[%swap3A_395, %swap3A_396, %swap3A_397], %swap3A_400 {strides = array<i32>} : memref<1x1x2048xi32, #tpu.memory_space<vmem>>, vector<1x1x256xi32>,
    %iota3A_401 = tpu.iota {dimensions = array<i32: 1>} : vector<2048x256xi32>
    %add3A_402 = arith.constant 1792 : i32
    %add3A_403 = vector.broadcast %add3A_402 : i32 to vector<2048x256xi32>
    %add3A_404 = arith.addi %iota3A_401, %add3A_403 : vector<2048x256xi32>
    %eq3A_405 = vector.broadcast %convert_element_type3A_236 : vector<2048x1xi32> to vector<2048x256xi32>
    %eq3A_406 = arith.cmpi eq, %eq3A_405, %add3A_404 : vector<2048x256xi32>
    %iota3A_407 = tpu.iota {dimensions = array<i32: 0>} : vector<2048x256xi32>
    %convert_element_type3A_408 = arith.sitofp %iota3A_407 : vector<2048x256xi32> to vector<2048x256xf32>
    %jit3A_409 = arith.constant 0.000000e+00 : f32
    %broadcast_in_dim3A_410 = vector.broadcast %jit3A_409 : f32 to vector<2048x256xf32>
    %select_n3A_411 = arith.select %eq3A_406, %convert_element_type3A_408, %broadcast_in_dim3A_410 : vector<2048x256xi1>, vector<2048x256xf32>
    %reduce_sum3A_412 = arith.constant dense<0.000000e+00> : vector<256xf32>
    %reduce_sum3A_413 = vector.multi_reduction <add>, %select_n3A_411, %reduce_sum3A_412 [0] : vector<2048x256xf32> to vector<256xf32>
    %broadcast_in_dim3A_414 = vector.shape_cast %reduce_sum3A_413 : vector<256xf32> to vector<1x256xf32>
    %convert_element_type3A_415 = arith.fptosi %broadcast_in_dim3A_414 : vector<1x256xf32> to vector<1x256xi32>
    %add3A_416 = vector.broadcast %mul3A_240 : i32 to vector<1x256xi32>
    %add3A_417 = arith.addi %convert_element_type3A_415, %add3A_416 : vector<1x256xi32>
    %swap3A_418 = arith.constant 0 : index
    %swap3A_419 = arith.constant 0 : index
    %swap3A_420 = arith.constant 1792 : index
    %swap3A_421 = vector.load %arg3[%swap3A_418, %swap3A_419, %swap3A_420] : memref<1x1x2048xi32, #tpu.memory_space<vmem>>, vector<1x1x256xi32>
    %swap3A_422 = vector.shape_cast %swap3A_421 : vector<1x1x256xi32> to vector<1x256xi32>
    %swap3A_423 = vector.shape_cast %add3A_417 : vector<1x256xi32> to vector<1x1x256xi32>
    tpu.vector_store %arg3[%swap3A_418, %swap3A_419, %swap3A_420], %swap3A_423 {strides = array<i32>} : memref<1x1x2048xi32, #tpu.memory_space<vmem>>, vector<1x1x256xi32>,
    return
  }
  func.func @transform_0(%arg0: i32) -> (i32, i32, i32) {
    %add3A = arith.constant 2 : i32
    %add3A_0 = arith.addi %arg0, %add3A : i32
    %c0_i32 = arith.constant 0 : i32
    %c0_i32_1 = arith.constant 0 : i32
    %c0_i32_2 = arith.constant 0 : i32
    return %add3A_0, %c0_i32, %c0_i32_1 : i32, i32, i32
  }
  func.func @transform_1(%arg0: i32) -> (i32, i32) {
    %c0_i32 = arith.constant 0 : i32
    %c0_i32_0 = arith.constant 0 : i32
    %c0_i32_1 = arith.constant 0 : i32
    return %c0_i32, %c0_i32_0 : i32, i32
  }
  func.func @transform_2(%arg0: i32) -> (i32, i32, i32) {
    %c0_i32 = arith.constant 0 : i32
    %c0_i32_0 = arith.constant 0 : i32
    %c0_i32_1 = arith.constant 0 : i32
    return %arg0, %c0_i32, %c0_i32_0 : i32, i32, i32
  }
}

module attributes {stable_mosaic.version = 14 : i64} {
  func.func @_order_kernel(%arg0: i32, %arg1: memref<1x2048x512xf32, #tpu.memory_space<vmem>>, %arg2: memref<512x16xf32, #tpu.memory_space<vmem>>, %arg3: memref<1x1x2048xi32, #tpu.memory_space<vmem>>) attributes {dimension_semantics = [#tpu.dimension_semantics<arbitrary>], iteration_bounds = array<i64: 2>, scalar_prefetch = 0 : i64, scratch_operands = 0 : i64, tpu.core_type = #tpu.core_type<tc>, window_params = [{transform_indices = @transform_0, window_bounds = array<i64: 1, 2048, 512>}, {pipeline_mode = #tpu.pipeline_mode<synchronous>, transform_indices = @transform_1, window_bounds = array<i64: 512, 16>}, {transform_indices = @transform_2, window_bounds = array<i64: 1, 1, 2048>}]} {
    %get3A = arith.constant 0 : index
    %get3A_0 = arith.constant 0 : index
    %get3A_1 = arith.constant 0 : index
    %get3A_2 = vector.load %arg1[%get3A, %get3A_0, %get3A_1] : memref<1x2048x512xf32, #tpu.memory_space<vmem>>, vector<1x2048x512xf32>
    %get3A_3 = vector.shape_cast %get3A_2 : vector<1x2048x512xf32> to vector<2048x512xf32>
    %get3A_4 = arith.constant 0 : index
    %get3A_5 = arith.constant 0 : index
    %get3A_6 = vector.load %arg2[%get3A_4, %get3A_5] : memref<512x16xf32, #tpu.memory_space<vmem>>, vector<512x16xf32>
    %dot_general3A = arith.constant dense<0.000000e+00> : vector<2048x16xf32>
    %dot_general3A_7 = tpu.matmul %get3A_3, %get3A_6, %dot_general3A {dimension_numbers = #tpu.dot_dimension_numbers<[1], [0], [0], [1], [0, 0, 1, 1], [], []>, transpose_lhs_hint = false} : vector<2048x512xf32>, vector<512x16xf32>, vector<2048x16xf32> -> vector<2048x16xf32>
    %iota3A = tpu.iota {dimensions = array<i32: 1>} : vector<2048x16xi32>
    %reduce_max3A = arith.constant dense<0xFF800000> : vector<2048xf32>
    %reduce_max3A_8 = vector.multi_reduction <maximumf>, %dot_general3A_7, %reduce_max3A [1] : vector<2048x16xf32> to vector<2048xf32>
    %broadcast_in_dim3A = vector.shape_cast %reduce_max3A_8 : vector<2048xf32> to vector<2048x1xf32>
    %eq3A = vector.broadcast %broadcast_in_dim3A : vector<2048x1xf32> to vector<2048x16xf32>
    %eq3A_9 = arith.cmpf oeq, %dot_general3A_7, %eq3A : vector<2048x16xf32>
    %jit3A = arith.constant 16 : i32
    %broadcast_in_dim3A_10 = vector.broadcast %jit3A : i32 to vector<2048x16xi32>
    %select_n3A = arith.select %eq3A_9, %iota3A, %broadcast_in_dim3A_10 : vector<2048x16xi1>, vector<2048x16xi32>
    %reduce_min3A = arith.constant dense<2147483647> : vector<2048xi32>
    %reduce_min3A_11 = vector.multi_reduction <minsi>, %select_n3A, %reduce_min3A [1] : vector<2048x16xi32> to vector<2048xi32>
    %broadcast_in_dim3A_12 = vector.shape_cast %reduce_min3A_11 : vector<2048xi32> to vector<2048x1xi32>
    %eq3A_13 = vector.broadcast %broadcast_in_dim3A_12 : vector<2048x1xi32> to vector<2048x16xi32>
    %eq3A_14 = arith.cmpi eq, %iota3A, %eq3A_13 : vector<2048x16xi32>
    %convert_element_type3A = arith.extui %eq3A_14 : vector<2048x16xi1> to vector<2048x16xi32>
    %convert_element_type3A_15 = arith.sitofp %convert_element_type3A : vector<2048x16xi32> to vector<2048x16xf32>
    %iota3A_16 = tpu.iota {dimensions = array<i32: 0>} : vector<128x128xi32>
    %iota3A_17 = tpu.iota {dimensions = array<i32: 1>} : vector<128x128xi32>
    %lt3A = arith.cmpi slt, %iota3A_17, %iota3A_16 : vector<128x128xi32>
    %convert_element_type3A_18 = arith.extui %lt3A : vector<128x128xi1> to vector<128x128xi32>
    %convert_element_type3A_19 = arith.sitofp %convert_element_type3A_18 : vector<128x128xi32> to vector<128x128xf32>
    %broadcast_in_dim3A_20 = arith.constant 0.000000e+00 : f32
    %broadcast_in_dim3A_21 = vector.broadcast %broadcast_in_dim3A_20 : f32 to vector<1x16xf32>
    %slice3A = vector.extract_strided_slice %convert_element_type3A_15 {offsets = [0, 0], sizes = [128, 16], strides = [1, 1]} : vector<2048x16xf32> to vector<128x16xf32>
    %dot_general3A_22 = arith.constant dense<0.000000e+00> : vector<128x16xf32>
    %dot_general3A_23 = tpu.matmul %convert_element_type3A_19, %slice3A, %dot_general3A_22 {dimension_numbers = #tpu.dot_dimension_numbers<[1], [0], [0], [1], [0, 0, 1, 1], [], []>, precision = #tpu.contract_precision<fp32>, transpose_lhs_hint = false} : vector<128x128xf32>, vector<128x16xf32>, vector<128x16xf32> -> vector<128x16xf32>
    %add3A = vector.broadcast %broadcast_in_dim3A_21 : vector<1x16xf32> to vector<128x16xf32>
    %add3A_24 = arith.addf %dot_general3A_23, %add3A : vector<128x16xf32>
    %mul3A = arith.mulf %add3A_24, %slice3A : vector<128x16xf32>
    %reduce_sum3A = arith.constant dense<0.000000e+00> : vector<128xf32>
    %reduce_sum3A_25 = vector.multi_reduction <add>, %mul3A, %reduce_sum3A [1] : vector<128x16xf32> to vector<128xf32>
    %broadcast_in_dim3A_26 = vector.shape_cast %reduce_sum3A_25 : vector<128xf32> to vector<128x1xf32>
    %reduce_sum3A_27 = arith.constant dense<0.000000e+00> : vector<16xf32>
    %reduce_sum3A_28 = vector.multi_reduction <add>, %slice3A, %reduce_sum3A_27 [0] : vector<128x16xf32> to vector<16xf32>
    %broadcast_in_dim3A_29 = vector.shape_cast %reduce_sum3A_28 : vector<16xf32> to vector<1x16xf32>
    %add3A_30 = arith.addf %broadcast_in_dim3A_21, %broadcast_in_dim3A_29 : vector<1x16xf32>
    %slice3A_31 = vector.extract_strided_slice %convert_element_type3A_15 {offsets = [128, 0], sizes = [128, 16], strides = [1, 1]} : vector<2048x16xf32> to vector<128x16xf32>
    %dot_general3A_32 = arith.constant dense<0.000000e+00> : vector<128x16xf32>
    %dot_general3A_33 = tpu.matmul %convert_element_type3A_19, %slice3A_31, %dot_general3A_32 {dimension_numbers = #tpu.dot_dimension_numbers<[1], [0], [0], [1], [0, 0, 1, 1], [], []>, precision = #tpu.contract_precision<fp32>, transpose_lhs_hint = false} : vector<128x128xf32>, vector<128x16xf32>, vector<128x16xf32> -> vector<128x16xf32>
    %add3A_34 = vector.broadcast %add3A_30 : vector<1x16xf32> to vector<128x16xf32>
    %add3A_35 = arith.addf %dot_general3A_33, %add3A_34 : vector<128x16xf32>
    %mul3A_36 = arith.mulf %add3A_35, %slice3A_31 : vector<128x16xf32>
    %reduce_sum3A_37 = arith.constant dense<0.000000e+00> : vector<128xf32>
    %reduce_sum3A_38 = vector.multi_reduction <add>, %mul3A_36, %reduce_sum3A_37 [1] : vector<128x16xf32> to vector<128xf32>
    %broadcast_in_dim3A_39 = vector.shape_cast %reduce_sum3A_38 : vector<128xf32> to vector<128x1xf32>
    %reduce_sum3A_40 = arith.constant dense<0.000000e+00> : vector<16xf32>
    %reduce_sum3A_41 = vector.multi_reduction <add>, %slice3A_31, %reduce_sum3A_40 [0] : vector<128x16xf32> to vector<16xf32>
    %broadcast_in_dim3A_42 = vector.shape_cast %reduce_sum3A_41 : vector<16xf32> to vector<1x16xf32>
    %add3A_43 = arith.addf %add3A_30, %broadcast_in_dim3A_42 : vector<1x16xf32>
    %slice3A_44 = vector.extract_strided_slice %convert_element_type3A_15 {offsets = [256, 0], sizes = [128, 16], strides = [1, 1]} : vector<2048x16xf32> to vector<128x16xf32>
    %dot_general3A_45 = arith.constant dense<0.000000e+00> : vector<128x16xf32>
    %dot_general3A_46 = tpu.matmul %convert_element_type3A_19, %slice3A_44, %dot_general3A_45 {dimension_numbers = #tpu.dot_dimension_numbers<[1], [0], [0], [1], [0, 0, 1, 1], [], []>, precision = #tpu.contract_precision<fp32>, transpose_lhs_hint = false} : vector<128x128xf32>, vector<128x16xf32>, vector<128x16xf32> -> vector<128x16xf32>
    %add3A_47 = vector.broadcast %add3A_43 : vector<1x16xf32> to vector<128x16xf32>
    %add3A_48 = arith.addf %dot_general3A_46, %add3A_47 : vector<128x16xf32>
    %mul3A_49 = arith.mulf %add3A_48, %slice3A_44 : vector<128x16xf32>
    %reduce_sum3A_50 = arith.constant dense<0.000000e+00> : vector<128xf32>
    %reduce_sum3A_51 = vector.multi_reduction <add>, %mul3A_49, %reduce_sum3A_50 [1] : vector<128x16xf32> to vector<128xf32>
    %broadcast_in_dim3A_52 = vector.shape_cast %reduce_sum3A_51 : vector<128xf32> to vector<128x1xf32>
    %reduce_sum3A_53 = arith.constant dense<0.000000e+00> : vector<16xf32>
    %reduce_sum3A_54 = vector.multi_reduction <add>, %slice3A_44, %reduce_sum3A_53 [0] : vector<128x16xf32> to vector<16xf32>
    %broadcast_in_dim3A_55 = vector.shape_cast %reduce_sum3A_54 : vector<16xf32> to vector<1x16xf32>
    %add3A_56 = arith.addf %add3A_43, %broadcast_in_dim3A_55 : vector<1x16xf32>
    %slice3A_57 = vector.extract_strided_slice %convert_element_type3A_15 {offsets = [384, 0], sizes = [128, 16], strides = [1, 1]} : vector<2048x16xf32> to vector<128x16xf32>
    %dot_general3A_58 = arith.constant dense<0.000000e+00> : vector<128x16xf32>
    %dot_general3A_59 = tpu.matmul %convert_element_type3A_19, %slice3A_57, %dot_general3A_58 {dimension_numbers = #tpu.dot_dimension_numbers<[1], [0], [0], [1], [0, 0, 1, 1], [], []>, precision = #tpu.contract_precision<fp32>, transpose_lhs_hint = false} : vector<128x128xf32>, vector<128x16xf32>, vector<128x16xf32> -> vector<128x16xf32>
    %add3A_60 = vector.broadcast %add3A_56 : vector<1x16xf32> to vector<128x16xf32>
    %add3A_61 = arith.addf %dot_general3A_59, %add3A_60 : vector<128x16xf32>
    %mul3A_62 = arith.mulf %add3A_61, %slice3A_57 : vector<128x16xf32>
    %reduce_sum3A_63 = arith.constant dense<0.000000e+00> : vector<128xf32>
    %reduce_sum3A_64 = vector.multi_reduction <add>, %mul3A_62, %reduce_sum3A_63 [1] : vector<128x16xf32> to vector<128xf32>
    %broadcast_in_dim3A_65 = vector.shape_cast %reduce_sum3A_64 : vector<128xf32> to vector<128x1xf32>
    %reduce_sum3A_66 = arith.constant dense<0.000000e+00> : vector<16xf32>
    %reduce_sum3A_67 = vector.multi_reduction <add>, %slice3A_57, %reduce_sum3A_66 [0] : vector<128x16xf32> to vector<16xf32>
    %broadcast_in_dim3A_68 = vector.shape_cast %reduce_sum3A_67 : vector<16xf32> to vector<1x16xf32>
    %add3A_69 = arith.addf %add3A_56, %broadcast_in_dim3A_68 : vector<1x16xf32>
    %slice3A_70 = vector.extract_strided_slice %convert_element_type3A_15 {offsets = [512, 0], sizes = [128, 16], strides = [1, 1]} : vector<2048x16xf32> to vector<128x16xf32>
    %dot_general3A_71 = arith.constant dense<0.000000e+00> : vector<128x16xf32>
    %dot_general3A_72 = tpu.matmul %convert_element_type3A_19, %slice3A_70, %dot_general3A_71 {dimension_numbers = #tpu.dot_dimension_numbers<[1], [0], [0], [1], [0, 0, 1, 1], [], []>, precision = #tpu.contract_precision<fp32>, transpose_lhs_hint = false} : vector<128x128xf32>, vector<128x16xf32>, vector<128x16xf32> -> vector<128x16xf32>
    %add3A_73 = vector.broadcast %add3A_69 : vector<1x16xf32> to vector<128x16xf32>
    %add3A_74 = arith.addf %dot_general3A_72, %add3A_73 : vector<128x16xf32>
    %mul3A_75 = arith.mulf %add3A_74, %slice3A_70 : vector<128x16xf32>
    %reduce_sum3A_76 = arith.constant dense<0.000000e+00> : vector<128xf32>
    %reduce_sum3A_77 = vector.multi_reduction <add>, %mul3A_75, %reduce_sum3A_76 [1] : vector<128x16xf32> to vector<128xf32>
    %broadcast_in_dim3A_78 = vector.shape_cast %reduce_sum3A_77 : vector<128xf32> to vector<128x1xf32>
    %reduce_sum3A_79 = arith.constant dense<0.000000e+00> : vector<16xf32>
    %reduce_sum3A_80 = vector.multi_reduction <add>, %slice3A_70, %reduce_sum3A_79 [0] : vector<128x16xf32> to vector<16xf32>
    %broadcast_in_dim3A_81 = vector.shape_cast %reduce_sum3A_80 : vector<16xf32> to vector<1x16xf32>
    %add3A_82 = arith.addf %add3A_69, %broadcast_in_dim3A_81 : vector<1x16xf32>
    %slice3A_83 = vector.extract_strided_slice %convert_element_type3A_15 {offsets = [640, 0], sizes = [128, 16], strides = [1, 1]} : vector<2048x16xf32> to vector<128x16xf32>
    %dot_general3A_84 = arith.constant dense<0.000000e+00> : vector<128x16xf32>
    %dot_general3A_85 = tpu.matmul %convert_element_type3A_19, %slice3A_83, %dot_general3A_84 {dimension_numbers = #tpu.dot_dimension_numbers<[1], [0], [0], [1], [0, 0, 1, 1], [], []>, precision = #tpu.contract_precision<fp32>, transpose_lhs_hint = false} : vector<128x128xf32>, vector<128x16xf32>, vector<128x16xf32> -> vector<128x16xf32>
    %add3A_86 = vector.broadcast %add3A_82 : vector<1x16xf32> to vector<128x16xf32>
    %add3A_87 = arith.addf %dot_general3A_85, %add3A_86 : vector<128x16xf32>
    %mul3A_88 = arith.mulf %add3A_87, %slice3A_83 : vector<128x16xf32>
    %reduce_sum3A_89 = arith.constant dense<0.000000e+00> : vector<128xf32>
    %reduce_sum3A_90 = vector.multi_reduction <add>, %mul3A_88, %reduce_sum3A_89 [1] : vector<128x16xf32> to vector<128xf32>
    %broadcast_in_dim3A_91 = vector.shape_cast %reduce_sum3A_90 : vector<128xf32> to vector<128x1xf32>
    %reduce_sum3A_92 = arith.constant dense<0.000000e+00> : vector<16xf32>
    %reduce_sum3A_93 = vector.multi_reduction <add>, %slice3A_83, %reduce_sum3A_92 [0] : vector<128x16xf32> to vector<16xf32>
    %broadcast_in_dim3A_94 = vector.shape_cast %reduce_sum3A_93 : vector<16xf32> to vector<1x16xf32>
    %add3A_95 = arith.addf %add3A_82, %broadcast_in_dim3A_94 : vector<1x16xf32>
    %slice3A_96 = vector.extract_strided_slice %convert_element_type3A_15 {offsets = [768, 0], sizes = [128, 16], strides = [1, 1]} : vector<2048x16xf32> to vector<128x16xf32>
    %dot_general3A_97 = arith.constant dense<0.000000e+00> : vector<128x16xf32>
    %dot_general3A_98 = tpu.matmul %convert_element_type3A_19, %slice3A_96, %dot_general3A_97 {dimension_numbers = #tpu.dot_dimension_numbers<[1], [0], [0], [1], [0, 0, 1, 1], [], []>, precision = #tpu.contract_precision<fp32>, transpose_lhs_hint = false} : vector<128x128xf32>, vector<128x16xf32>, vector<128x16xf32> -> vector<128x16xf32>
    %add3A_99 = vector.broadcast %add3A_95 : vector<1x16xf32> to vector<128x16xf32>
    %add3A_100 = arith.addf %dot_general3A_98, %add3A_99 : vector<128x16xf32>
    %mul3A_101 = arith.mulf %add3A_100, %slice3A_96 : vector<128x16xf32>
    %reduce_sum3A_102 = arith.constant dense<0.000000e+00> : vector<128xf32>
    %reduce_sum3A_103 = vector.multi_reduction <add>, %mul3A_101, %reduce_sum3A_102 [1] : vector<128x16xf32> to vector<128xf32>
    %broadcast_in_dim3A_104 = vector.shape_cast %reduce_sum3A_103 : vector<128xf32> to vector<128x1xf32>
    %reduce_sum3A_105 = arith.constant dense<0.000000e+00> : vector<16xf32>
    %reduce_sum3A_106 = vector.multi_reduction <add>, %slice3A_96, %reduce_sum3A_105 [0] : vector<128x16xf32> to vector<16xf32>
    %broadcast_in_dim3A_107 = vector.shape_cast %reduce_sum3A_106 : vector<16xf32> to vector<1x16xf32>
    %add3A_108 = arith.addf %add3A_95, %broadcast_in_dim3A_107 : vector<1x16xf32>
    %slice3A_109 = vector.extract_strided_slice %convert_element_type3A_15 {offsets = [896, 0], sizes = [128, 16], strides = [1, 1]} : vector<2048x16xf32> to vector<128x16xf32>
    %dot_general3A_110 = arith.constant dense<0.000000e+00> : vector<128x16xf32>
    %dot_general3A_111 = tpu.matmul %convert_element_type3A_19, %slice3A_109, %dot_general3A_110 {dimension_numbers = #tpu.dot_dimension_numbers<[1], [0], [0], [1], [0, 0, 1, 1], [], []>, precision = #tpu.contract_precision<fp32>, transpose_lhs_hint = false} : vector<128x128xf32>, vector<128x16xf32>, vector<128x16xf32> -> vector<128x16xf32>
    %add3A_112 = vector.broadcast %add3A_108 : vector<1x16xf32> to vector<128x16xf32>
    %add3A_113 = arith.addf %dot_general3A_111, %add3A_112 : vector<128x16xf32>
    %mul3A_114 = arith.mulf %add3A_113, %slice3A_109 : vector<128x16xf32>
    %reduce_sum3A_115 = arith.constant dense<0.000000e+00> : vector<128xf32>
    %reduce_sum3A_116 = vector.multi_reduction <add>, %mul3A_114, %reduce_sum3A_115 [1] : vector<128x16xf32> to vector<128xf32>
    %broadcast_in_dim3A_117 = vector.shape_cast %reduce_sum3A_116 : vector<128xf32> to vector<128x1xf32>
    %reduce_sum3A_118 = arith.constant dense<0.000000e+00> : vector<16xf32>
    %reduce_sum3A_119 = vector.multi_reduction <add>, %slice3A_109, %reduce_sum3A_118 [0] : vector<128x16xf32> to vector<16xf32>
    %broadcast_in_dim3A_120 = vector.shape_cast %reduce_sum3A_119 : vector<16xf32> to vector<1x16xf32>
    %add3A_121 = arith.addf %add3A_108, %broadcast_in_dim3A_120 : vector<1x16xf32>
    %slice3A_122 = vector.extract_strided_slice %convert_element_type3A_15 {offsets = [1024, 0], sizes = [128, 16], strides = [1, 1]} : vector<2048x16xf32> to vector<128x16xf32>
    %dot_general3A_123 = arith.constant dense<0.000000e+00> : vector<128x16xf32>
    %dot_general3A_124 = tpu.matmul %convert_element_type3A_19, %slice3A_122, %dot_general3A_123 {dimension_numbers = #tpu.dot_dimension_numbers<[1], [0], [0], [1], [0, 0, 1, 1], [], []>, precision = #tpu.contract_precision<fp32>, transpose_lhs_hint = false} : vector<128x128xf32>, vector<128x16xf32>, vector<128x16xf32> -> vector<128x16xf32>
    %add3A_125 = vector.broadcast %add3A_121 : vector<1x16xf32> to vector<128x16xf32>
    %add3A_126 = arith.addf %dot_general3A_124, %add3A_125 : vector<128x16xf32>
    %mul3A_127 = arith.mulf %add3A_126, %slice3A_122 : vector<128x16xf32>
    %reduce_sum3A_128 = arith.constant dense<0.000000e+00> : vector<128xf32>
    %reduce_sum3A_129 = vector.multi_reduction <add>, %mul3A_127, %reduce_sum3A_128 [1] : vector<128x16xf32> to vector<128xf32>
    %broadcast_in_dim3A_130 = vector.shape_cast %reduce_sum3A_129 : vector<128xf32> to vector<128x1xf32>
    %reduce_sum3A_131 = arith.constant dense<0.000000e+00> : vector<16xf32>
    %reduce_sum3A_132 = vector.multi_reduction <add>, %slice3A_122, %reduce_sum3A_131 [0] : vector<128x16xf32> to vector<16xf32>
    %broadcast_in_dim3A_133 = vector.shape_cast %reduce_sum3A_132 : vector<16xf32> to vector<1x16xf32>
    %add3A_134 = arith.addf %add3A_121, %broadcast_in_dim3A_133 : vector<1x16xf32>
    %slice3A_135 = vector.extract_strided_slice %convert_element_type3A_15 {offsets = [1152, 0], sizes = [128, 16], strides = [1, 1]} : vector<2048x16xf32> to vector<128x16xf32>
    %dot_general3A_136 = arith.constant dense<0.000000e+00> : vector<128x16xf32>
    %dot_general3A_137 = tpu.matmul %convert_element_type3A_19, %slice3A_135, %dot_general3A_136 {dimension_numbers = #tpu.dot_dimension_numbers<[1], [0], [0], [1], [0, 0, 1, 1], [], []>, precision = #tpu.contract_precision<fp32>, transpose_lhs_hint = false} : vector<128x128xf32>, vector<128x16xf32>, vector<128x16xf32> -> vector<128x16xf32>
    %add3A_138 = vector.broadcast %add3A_134 : vector<1x16xf32> to vector<128x16xf32>
    %add3A_139 = arith.addf %dot_general3A_137, %add3A_138 : vector<128x16xf32>
    %mul3A_140 = arith.mulf %add3A_139, %slice3A_135 : vector<128x16xf32>
    %reduce_sum3A_141 = arith.constant dense<0.000000e+00> : vector<128xf32>
    %reduce_sum3A_142 = vector.multi_reduction <add>, %mul3A_140, %reduce_sum3A_141 [1] : vector<128x16xf32> to vector<128xf32>
    %broadcast_in_dim3A_143 = vector.shape_cast %reduce_sum3A_142 : vector<128xf32> to vector<128x1xf32>
    %reduce_sum3A_144 = arith.constant dense<0.000000e+00> : vector<16xf32>
    %reduce_sum3A_145 = vector.multi_reduction <add>, %slice3A_135, %reduce_sum3A_144 [0] : vector<128x16xf32> to vector<16xf32>
    %broadcast_in_dim3A_146 = vector.shape_cast %reduce_sum3A_145 : vector<16xf32> to vector<1x16xf32>
    %add3A_147 = arith.addf %add3A_134, %broadcast_in_dim3A_146 : vector<1x16xf32>
    %slice3A_148 = vector.extract_strided_slice %convert_element_type3A_15 {offsets = [1280, 0], sizes = [128, 16], strides = [1, 1]} : vector<2048x16xf32> to vector<128x16xf32>
    %dot_general3A_149 = arith.constant dense<0.000000e+00> : vector<128x16xf32>
    %dot_general3A_150 = tpu.matmul %convert_element_type3A_19, %slice3A_148, %dot_general3A_149 {dimension_numbers = #tpu.dot_dimension_numbers<[1], [0], [0], [1], [0, 0, 1, 1], [], []>, precision = #tpu.contract_precision<fp32>, transpose_lhs_hint = false} : vector<128x128xf32>, vector<128x16xf32>, vector<128x16xf32> -> vector<128x16xf32>
    %add3A_151 = vector.broadcast %add3A_147 : vector<1x16xf32> to vector<128x16xf32>
    %add3A_152 = arith.addf %dot_general3A_150, %add3A_151 : vector<128x16xf32>
    %mul3A_153 = arith.mulf %add3A_152, %slice3A_148 : vector<128x16xf32>
    %reduce_sum3A_154 = arith.constant dense<0.000000e+00> : vector<128xf32>
    %reduce_sum3A_155 = vector.multi_reduction <add>, %mul3A_153, %reduce_sum3A_154 [1] : vector<128x16xf32> to vector<128xf32>
    %broadcast_in_dim3A_156 = vector.shape_cast %reduce_sum3A_155 : vector<128xf32> to vector<128x1xf32>
    %reduce_sum3A_157 = arith.constant dense<0.000000e+00> : vector<16xf32>
    %reduce_sum3A_158 = vector.multi_reduction <add>, %slice3A_148, %reduce_sum3A_157 [0] : vector<128x16xf32> to vector<16xf32>
    %broadcast_in_dim3A_159 = vector.shape_cast %reduce_sum3A_158 : vector<16xf32> to vector<1x16xf32>
    %add3A_160 = arith.addf %add3A_147, %broadcast_in_dim3A_159 : vector<1x16xf32>
    %slice3A_161 = vector.extract_strided_slice %convert_element_type3A_15 {offsets = [1408, 0], sizes = [128, 16], strides = [1, 1]} : vector<2048x16xf32> to vector<128x16xf32>
    %dot_general3A_162 = arith.constant dense<0.000000e+00> : vector<128x16xf32>
    %dot_general3A_163 = tpu.matmul %convert_element_type3A_19, %slice3A_161, %dot_general3A_162 {dimension_numbers = #tpu.dot_dimension_numbers<[1], [0], [0], [1], [0, 0, 1, 1], [], []>, precision = #tpu.contract_precision<fp32>, transpose_lhs_hint = false} : vector<128x128xf32>, vector<128x16xf32>, vector<128x16xf32> -> vector<128x16xf32>
    %add3A_164 = vector.broadcast %add3A_160 : vector<1x16xf32> to vector<128x16xf32>
    %add3A_165 = arith.addf %dot_general3A_163, %add3A_164 : vector<128x16xf32>
    %mul3A_166 = arith.mulf %add3A_165, %slice3A_161 : vector<128x16xf32>
    %reduce_sum3A_167 = arith.constant dense<0.000000e+00> : vector<128xf32>
    %reduce_sum3A_168 = vector.multi_reduction <add>, %mul3A_166, %reduce_sum3A_167 [1] : vector<128x16xf32> to vector<128xf32>
    %broadcast_in_dim3A_169 = vector.shape_cast %reduce_sum3A_168 : vector<128xf32> to vector<128x1xf32>
    %reduce_sum3A_170 = arith.constant dense<0.000000e+00> : vector<16xf32>
    %reduce_sum3A_171 = vector.multi_reduction <add>, %slice3A_161, %reduce_sum3A_170 [0] : vector<128x16xf32> to vector<16xf32>
    %broadcast_in_dim3A_172 = vector.shape_cast %reduce_sum3A_171 : vector<16xf32> to vector<1x16xf32>
    %add3A_173 = arith.addf %add3A_160, %broadcast_in_dim3A_172 : vector<1x16xf32>
    %slice3A_174 = vector.extract_strided_slice %convert_element_type3A_15 {offsets = [1536, 0], sizes = [128, 16], strides = [1, 1]} : vector<2048x16xf32> to vector<128x16xf32>
    %dot_general3A_175 = arith.constant dense<0.000000e+00> : vector<128x16xf32>
    %dot_general3A_176 = tpu.matmul %convert_element_type3A_19, %slice3A_174, %dot_general3A_175 {dimension_numbers = #tpu.dot_dimension_numbers<[1], [0], [0], [1], [0, 0, 1, 1], [], []>, precision = #tpu.contract_precision<fp32>, transpose_lhs_hint = false} : vector<128x128xf32>, vector<128x16xf32>, vector<128x16xf32> -> vector<128x16xf32>
    %add3A_177 = vector.broadcast %add3A_173 : vector<1x16xf32> to vector<128x16xf32>
    %add3A_178 = arith.addf %dot_general3A_176, %add3A_177 : vector<128x16xf32>
    %mul3A_179 = arith.mulf %add3A_178, %slice3A_174 : vector<128x16xf32>
    %reduce_sum3A_180 = arith.constant dense<0.000000e+00> : vector<128xf32>
    %reduce_sum3A_181 = vector.multi_reduction <add>, %mul3A_179, %reduce_sum3A_180 [1] : vector<128x16xf32> to vector<128xf32>
    %broadcast_in_dim3A_182 = vector.shape_cast %reduce_sum3A_181 : vector<128xf32> to vector<128x1xf32>
    %reduce_sum3A_183 = arith.constant dense<0.000000e+00> : vector<16xf32>
    %reduce_sum3A_184 = vector.multi_reduction <add>, %slice3A_174, %reduce_sum3A_183 [0] : vector<128x16xf32> to vector<16xf32>
    %broadcast_in_dim3A_185 = vector.shape_cast %reduce_sum3A_184 : vector<16xf32> to vector<1x16xf32>
    %add3A_186 = arith.addf %add3A_173, %broadcast_in_dim3A_185 : vector<1x16xf32>
    %slice3A_187 = vector.extract_strided_slice %convert_element_type3A_15 {offsets = [1664, 0], sizes = [128, 16], strides = [1, 1]} : vector<2048x16xf32> to vector<128x16xf32>
    %dot_general3A_188 = arith.constant dense<0.000000e+00> : vector<128x16xf32>
    %dot_general3A_189 = tpu.matmul %convert_element_type3A_19, %slice3A_187, %dot_general3A_188 {dimension_numbers = #tpu.dot_dimension_numbers<[1], [0], [0], [1], [0, 0, 1, 1], [], []>, precision = #tpu.contract_precision<fp32>, transpose_lhs_hint = false} : vector<128x128xf32>, vector<128x16xf32>, vector<128x16xf32> -> vector<128x16xf32>
    %add3A_190 = vector.broadcast %add3A_186 : vector<1x16xf32> to vector<128x16xf32>
    %add3A_191 = arith.addf %dot_general3A_189, %add3A_190 : vector<128x16xf32>
    %mul3A_192 = arith.mulf %add3A_191, %slice3A_187 : vector<128x16xf32>
    %reduce_sum3A_193 = arith.constant dense<0.000000e+00> : vector<128xf32>
    %reduce_sum3A_194 = vector.multi_reduction <add>, %mul3A_192, %reduce_sum3A_193 [1] : vector<128x16xf32> to vector<128xf32>
    %broadcast_in_dim3A_195 = vector.shape_cast %reduce_sum3A_194 : vector<128xf32> to vector<128x1xf32>
    %reduce_sum3A_196 = arith.constant dense<0.000000e+00> : vector<16xf32>
    %reduce_sum3A_197 = vector.multi_reduction <add>, %slice3A_187, %reduce_sum3A_196 [0] : vector<128x16xf32> to vector<16xf32>
    %broadcast_in_dim3A_198 = vector.shape_cast %reduce_sum3A_197 : vector<16xf32> to vector<1x16xf32>
    %add3A_199 = arith.addf %add3A_186, %broadcast_in_dim3A_198 : vector<1x16xf32>
    %slice3A_200 = vector.extract_strided_slice %convert_element_type3A_15 {offsets = [1792, 0], sizes = [128, 16], strides = [1, 1]} : vector<2048x16xf32> to vector<128x16xf32>
    %dot_general3A_201 = arith.constant dense<0.000000e+00> : vector<128x16xf32>
    %dot_general3A_202 = tpu.matmul %convert_element_type3A_19, %slice3A_200, %dot_general3A_201 {dimension_numbers = #tpu.dot_dimension_numbers<[1], [0], [0], [1], [0, 0, 1, 1], [], []>, precision = #tpu.contract_precision<fp32>, transpose_lhs_hint = false} : vector<128x128xf32>, vector<128x16xf32>, vector<128x16xf32> -> vector<128x16xf32>
    %add3A_203 = vector.broadcast %add3A_199 : vector<1x16xf32> to vector<128x16xf32>
    %add3A_204 = arith.addf %dot_general3A_202, %add3A_203 : vector<128x16xf32>
    %mul3A_205 = arith.mulf %add3A_204, %slice3A_200 : vector<128x16xf32>
    %reduce_sum3A_206 = arith.constant dense<0.000000e+00> : vector<128xf32>
    %reduce_sum3A_207 = vector.multi_reduction <add>, %mul3A_205, %reduce_sum3A_206 [1] : vector<128x16xf32> to vector<128xf32>
    %broadcast_in_dim3A_208 = vector.shape_cast %reduce_sum3A_207 : vector<128xf32> to vector<128x1xf32>
    %reduce_sum3A_209 = arith.constant dense<0.000000e+00> : vector<16xf32>
    %reduce_sum3A_210 = vector.multi_reduction <add>, %slice3A_200, %reduce_sum3A_209 [0] : vector<128x16xf32> to vector<16xf32>
    %broadcast_in_dim3A_211 = vector.shape_cast %reduce_sum3A_210 : vector<16xf32> to vector<1x16xf32>
    %add3A_212 = arith.addf %add3A_199, %broadcast_in_dim3A_211 : vector<1x16xf32>
    %slice3A_213 = vector.extract_strided_slice %convert_element_type3A_15 {offsets = [1920, 0], sizes = [128, 16], strides = [1, 1]} : vector<2048x16xf32> to vector<128x16xf32>
    %dot_general3A_214 = arith.constant dense<0.000000e+00> : vector<128x16xf32>
    %dot_general3A_215 = tpu.matmul %convert_element_type3A_19, %slice3A_213, %dot_general3A_214 {dimension_numbers = #tpu.dot_dimension_numbers<[1], [0], [0], [1], [0, 0, 1, 1], [], []>, precision = #tpu.contract_precision<fp32>, transpose_lhs_hint = false} : vector<128x128xf32>, vector<128x16xf32>, vector<128x16xf32> -> vector<128x16xf32>
    %add3A_216 = vector.broadcast %add3A_212 : vector<1x16xf32> to vector<128x16xf32>
    %add3A_217 = arith.addf %dot_general3A_215, %add3A_216 : vector<128x16xf32>
    %mul3A_218 = arith.mulf %add3A_217, %slice3A_213 : vector<128x16xf32>
    %reduce_sum3A_219 = arith.constant dense<0.000000e+00> : vector<128xf32>
    %reduce_sum3A_220 = vector.multi_reduction <add>, %mul3A_218, %reduce_sum3A_219 [1] : vector<128x16xf32> to vector<128xf32>
    %broadcast_in_dim3A_221 = vector.shape_cast %reduce_sum3A_220 : vector<128xf32> to vector<128x1xf32>
    %reduce_sum3A_222 = arith.constant dense<0.000000e+00> : vector<16xf32>
    %reduce_sum3A_223 = vector.multi_reduction <add>, %slice3A_213, %reduce_sum3A_222 [0] : vector<128x16xf32> to vector<16xf32>
    %broadcast_in_dim3A_224 = vector.shape_cast %reduce_sum3A_223 : vector<16xf32> to vector<1x16xf32>
    %add3A_225 = arith.addf %add3A_212, %broadcast_in_dim3A_224 : vector<1x16xf32>
    %concatenate3A = tpu.concatenate %broadcast_in_dim3A_26, %broadcast_in_dim3A_39, %broadcast_in_dim3A_52, %broadcast_in_dim3A_65, %broadcast_in_dim3A_78, %broadcast_in_dim3A_91, %broadcast_in_dim3A_104, %broadcast_in_dim3A_117, %broadcast_in_dim3A_130, %broadcast_in_dim3A_143, %broadcast_in_dim3A_156, %broadcast_in_dim3A_169, %broadcast_in_dim3A_182, %broadcast_in_dim3A_195, %broadcast_in_dim3A_208, %broadcast_in_dim3A_221 in 0 : vector<128x1xf32>, vector<128x1xf32>, vector<128x1xf32>, vector<128x1xf32>, vector<128x1xf32>, vector<128x1xf32>, vector<128x1xf32>, vector<128x1xf32>, vector<128x1xf32>, vector<128x1xf32>, vector<128x1xf32>, vector<128x1xf32>, vector<128x1xf32>, vector<128x1xf32>, vector<128x1xf32>, vector<128x1xf32> -> vector<2048x1xf32>
    %lt3A_226 = vector.broadcast %broadcast_in_dim3A_12 : vector<2048x1xi32> to vector<2048x16xi32>
    %lt3A_227 = arith.cmpi slt, %iota3A, %lt3A_226 : vector<2048x16xi32>
    %convert_element_type3A_228 = arith.extui %lt3A_227 : vector<2048x16xi1> to vector<2048x16xi32>
    %convert_element_type3A_229 = arith.sitofp %convert_element_type3A_228 : vector<2048x16xi32> to vector<2048x16xf32>
    %mul3A_230 = vector.broadcast %add3A_225 : vector<1x16xf32> to vector<2048x16xf32>
    %mul3A_231 = arith.mulf %convert_element_type3A_229, %mul3A_230 : vector<2048x16xf32>
    %reduce_sum3A_232 = arith.constant dense<0.000000e+00> : vector<2048xf32>
    %reduce_sum3A_233 = vector.multi_reduction <add>, %mul3A_231, %reduce_sum3A_232 [1] : vector<2048x16xf32> to vector<2048xf32>
    %broadcast_in_dim3A_234 = vector.shape_cast %reduce_sum3A_233 : vector<2048xf32> to vector<2048x1xf32>
    %add3A_235 = arith.addf %broadcast_in_dim3A_234, %concatenate3A : vector<2048x1xf32>
    %convert_element_type3A_236 = arith.fptosi %add3A_235 : vector<2048x1xf32> to vector<2048x1xi32>
    %add3A_237 = arith.constant 0 : i32
    %add3A_238 = arith.addi %arg0, %add3A_237 : i32
    %mul3A_239 = arith.constant 2048 : i32
    %mul3A_240 = arith.muli %add3A_238, %mul3A_239 : i32
    %iota3A_241 = tpu.iota {dimensions = array<i32: 1>} : vector<2048x256xi32>
    %add3A_242 = arith.constant 0 : i32
    %add3A_243 = vector.broadcast %add3A_242 : i32 to vector<2048x256xi32>
    %add3A_244 = arith.addi %iota3A_241, %add3A_243 : vector<2048x256xi32>
    %eq3A_245 = vector.broadcast %convert_element_type3A_236 : vector<2048x1xi32> to vector<2048x256xi32>
    %eq3A_246 = arith.cmpi eq, %eq3A_245, %add3A_244 : vector<2048x256xi32>
    %iota3A_247 = tpu.iota {dimensions = array<i32: 0>} : vector<2048x256xi32>
    %convert_element_type3A_248 = arith.sitofp %iota3A_247 : vector<2048x256xi32> to vector<2048x256xf32>
    %jit3A_249 = arith.constant 0.000000e+00 : f32
    %broadcast_in_dim3A_250 = vector.broadcast %jit3A_249 : f32 to vector<2048x256xf32>
    %select_n3A_251 = arith.select %eq3A_246, %convert_element_type3A_248, %broadcast_in_dim3A_250 : vector<2048x256xi1>, vector<2048x256xf32>
    %reduce_sum3A_252 = arith.constant dense<0.000000e+00> : vector<256xf32>
    %reduce_sum3A_253 = vector.multi_reduction <add>, %select_n3A_251, %reduce_sum3A_252 [0] : vector<2048x256xf32> to vector<256xf32>
    %broadcast_in_dim3A_254 = vector.shape_cast %reduce_sum3A_253 : vector<256xf32> to vector<1x256xf32>
    %convert_element_type3A_255 = arith.fptosi %broadcast_in_dim3A_254 : vector<1x256xf32> to vector<1x256xi32>
    %add3A_256 = vector.broadcast %mul3A_240 : i32 to vector<1x256xi32>
    %add3A_257 = arith.addi %convert_element_type3A_255, %add3A_256 : vector<1x256xi32>
    %swap3A = arith.constant 0 : index
    %swap3A_258 = arith.constant 0 : index
    %swap3A_259 = arith.constant 0 : index
    %swap3A_260 = vector.load %arg3[%swap3A, %swap3A_258, %swap3A_259] : memref<1x1x2048xi32, #tpu.memory_space<vmem>>, vector<1x1x256xi32>
    %swap3A_261 = vector.shape_cast %swap3A_260 : vector<1x1x256xi32> to vector<1x256xi32>
    %swap3A_262 = vector.shape_cast %add3A_257 : vector<1x256xi32> to vector<1x1x256xi32>
    tpu.vector_store %arg3[%swap3A, %swap3A_258, %swap3A_259], %swap3A_262 {strides = array<i32>} : memref<1x1x2048xi32, #tpu.memory_space<vmem>>, vector<1x1x256xi32>,
    %iota3A_263 = tpu.iota {dimensions = array<i32: 1>} : vector<2048x256xi32>
    %add3A_264 = arith.constant 256 : i32
    %add3A_265 = vector.broadcast %add3A_264 : i32 to vector<2048x256xi32>
    %add3A_266 = arith.addi %iota3A_263, %add3A_265 : vector<2048x256xi32>
    %eq3A_267 = vector.broadcast %convert_element_type3A_236 : vector<2048x1xi32> to vector<2048x256xi32>
    %eq3A_268 = arith.cmpi eq, %eq3A_267, %add3A_266 : vector<2048x256xi32>
    %iota3A_269 = tpu.iota {dimensions = array<i32: 0>} : vector<2048x256xi32>
    %convert_element_type3A_270 = arith.sitofp %iota3A_269 : vector<2048x256xi32> to vector<2048x256xf32>
    %jit3A_271 = arith.constant 0.000000e+00 : f32
    %broadcast_in_dim3A_272 = vector.broadcast %jit3A_271 : f32 to vector<2048x256xf32>
    %select_n3A_273 = arith.select %eq3A_268, %convert_element_type3A_270, %broadcast_in_dim3A_272 : vector<2048x256xi1>, vector<2048x256xf32>
    %reduce_sum3A_274 = arith.constant dense<0.000000e+00> : vector<256xf32>
    %reduce_sum3A_275 = vector.multi_reduction <add>, %select_n3A_273, %reduce_sum3A_274 [0] : vector<2048x256xf32> to vector<256xf32>
    %broadcast_in_dim3A_276 = vector.shape_cast %reduce_sum3A_275 : vector<256xf32> to vector<1x256xf32>
    %convert_element_type3A_277 = arith.fptosi %broadcast_in_dim3A_276 : vector<1x256xf32> to vector<1x256xi32>
    %add3A_278 = vector.broadcast %mul3A_240 : i32 to vector<1x256xi32>
    %add3A_279 = arith.addi %convert_element_type3A_277, %add3A_278 : vector<1x256xi32>
    %swap3A_280 = arith.constant 0 : index
    %swap3A_281 = arith.constant 0 : index
    %swap3A_282 = arith.constant 256 : index
    %swap3A_283 = vector.load %arg3[%swap3A_280, %swap3A_281, %swap3A_282] : memref<1x1x2048xi32, #tpu.memory_space<vmem>>, vector<1x1x256xi32>
    %swap3A_284 = vector.shape_cast %swap3A_283 : vector<1x1x256xi32> to vector<1x256xi32>
    %swap3A_285 = vector.shape_cast %add3A_279 : vector<1x256xi32> to vector<1x1x256xi32>
    tpu.vector_store %arg3[%swap3A_280, %swap3A_281, %swap3A_282], %swap3A_285 {strides = array<i32>} : memref<1x1x2048xi32, #tpu.memory_space<vmem>>, vector<1x1x256xi32>,
    %iota3A_286 = tpu.iota {dimensions = array<i32: 1>} : vector<2048x256xi32>
    %add3A_287 = arith.constant 512 : i32
    %add3A_288 = vector.broadcast %add3A_287 : i32 to vector<2048x256xi32>
    %add3A_289 = arith.addi %iota3A_286, %add3A_288 : vector<2048x256xi32>
    %eq3A_290 = vector.broadcast %convert_element_type3A_236 : vector<2048x1xi32> to vector<2048x256xi32>
    %eq3A_291 = arith.cmpi eq, %eq3A_290, %add3A_289 : vector<2048x256xi32>
    %iota3A_292 = tpu.iota {dimensions = array<i32: 0>} : vector<2048x256xi32>
    %convert_element_type3A_293 = arith.sitofp %iota3A_292 : vector<2048x256xi32> to vector<2048x256xf32>
    %jit3A_294 = arith.constant 0.000000e+00 : f32
    %broadcast_in_dim3A_295 = vector.broadcast %jit3A_294 : f32 to vector<2048x256xf32>
    %select_n3A_296 = arith.select %eq3A_291, %convert_element_type3A_293, %broadcast_in_dim3A_295 : vector<2048x256xi1>, vector<2048x256xf32>
    %reduce_sum3A_297 = arith.constant dense<0.000000e+00> : vector<256xf32>
    %reduce_sum3A_298 = vector.multi_reduction <add>, %select_n3A_296, %reduce_sum3A_297 [0] : vector<2048x256xf32> to vector<256xf32>
    %broadcast_in_dim3A_299 = vector.shape_cast %reduce_sum3A_298 : vector<256xf32> to vector<1x256xf32>
    %convert_element_type3A_300 = arith.fptosi %broadcast_in_dim3A_299 : vector<1x256xf32> to vector<1x256xi32>
    %add3A_301 = vector.broadcast %mul3A_240 : i32 to vector<1x256xi32>
    %add3A_302 = arith.addi %convert_element_type3A_300, %add3A_301 : vector<1x256xi32>
    %swap3A_303 = arith.constant 0 : index
    %swap3A_304 = arith.constant 0 : index
    %swap3A_305 = arith.constant 512 : index
    %swap3A_306 = vector.load %arg3[%swap3A_303, %swap3A_304, %swap3A_305] : memref<1x1x2048xi32, #tpu.memory_space<vmem>>, vector<1x1x256xi32>
    %swap3A_307 = vector.shape_cast %swap3A_306 : vector<1x1x256xi32> to vector<1x256xi32>
    %swap3A_308 = vector.shape_cast %add3A_302 : vector<1x256xi32> to vector<1x1x256xi32>
    tpu.vector_store %arg3[%swap3A_303, %swap3A_304, %swap3A_305], %swap3A_308 {strides = array<i32>} : memref<1x1x2048xi32, #tpu.memory_space<vmem>>, vector<1x1x256xi32>,
    %iota3A_309 = tpu.iota {dimensions = array<i32: 1>} : vector<2048x256xi32>
    %add3A_310 = arith.constant 768 : i32
    %add3A_311 = vector.broadcast %add3A_310 : i32 to vector<2048x256xi32>
    %add3A_312 = arith.addi %iota3A_309, %add3A_311 : vector<2048x256xi32>
    %eq3A_313 = vector.broadcast %convert_element_type3A_236 : vector<2048x1xi32> to vector<2048x256xi32>
    %eq3A_314 = arith.cmpi eq, %eq3A_313, %add3A_312 : vector<2048x256xi32>
    %iota3A_315 = tpu.iota {dimensions = array<i32: 0>} : vector<2048x256xi32>
    %convert_element_type3A_316 = arith.sitofp %iota3A_315 : vector<2048x256xi32> to vector<2048x256xf32>
    %jit3A_317 = arith.constant 0.000000e+00 : f32
    %broadcast_in_dim3A_318 = vector.broadcast %jit3A_317 : f32 to vector<2048x256xf32>
    %select_n3A_319 = arith.select %eq3A_314, %convert_element_type3A_316, %broadcast_in_dim3A_318 : vector<2048x256xi1>, vector<2048x256xf32>
    %reduce_sum3A_320 = arith.constant dense<0.000000e+00> : vector<256xf32>
    %reduce_sum3A_321 = vector.multi_reduction <add>, %select_n3A_319, %reduce_sum3A_320 [0] : vector<2048x256xf32> to vector<256xf32>
    %broadcast_in_dim3A_322 = vector.shape_cast %reduce_sum3A_321 : vector<256xf32> to vector<1x256xf32>
    %convert_element_type3A_323 = arith.fptosi %broadcast_in_dim3A_322 : vector<1x256xf32> to vector<1x256xi32>
    %add3A_324 = vector.broadcast %mul3A_240 : i32 to vector<1x256xi32>
    %add3A_325 = arith.addi %convert_element_type3A_323, %add3A_324 : vector<1x256xi32>
    %swap3A_326 = arith.constant 0 : index
    %swap3A_327 = arith.constant 0 : index
    %swap3A_328 = arith.constant 768 : index
    %swap3A_329 = vector.load %arg3[%swap3A_326, %swap3A_327, %swap3A_328] : memref<1x1x2048xi32, #tpu.memory_space<vmem>>, vector<1x1x256xi32>
    %swap3A_330 = vector.shape_cast %swap3A_329 : vector<1x1x256xi32> to vector<1x256xi32>
    %swap3A_331 = vector.shape_cast %add3A_325 : vector<1x256xi32> to vector<1x1x256xi32>
    tpu.vector_store %arg3[%swap3A_326, %swap3A_327, %swap3A_328], %swap3A_331 {strides = array<i32>} : memref<1x1x2048xi32, #tpu.memory_space<vmem>>, vector<1x1x256xi32>,
    %iota3A_332 = tpu.iota {dimensions = array<i32: 1>} : vector<2048x256xi32>
    %add3A_333 = arith.constant 1024 : i32
    %add3A_334 = vector.broadcast %add3A_333 : i32 to vector<2048x256xi32>
    %add3A_335 = arith.addi %iota3A_332, %add3A_334 : vector<2048x256xi32>
    %eq3A_336 = vector.broadcast %convert_element_type3A_236 : vector<2048x1xi32> to vector<2048x256xi32>
    %eq3A_337 = arith.cmpi eq, %eq3A_336, %add3A_335 : vector<2048x256xi32>
    %iota3A_338 = tpu.iota {dimensions = array<i32: 0>} : vector<2048x256xi32>
    %convert_element_type3A_339 = arith.sitofp %iota3A_338 : vector<2048x256xi32> to vector<2048x256xf32>
    %jit3A_340 = arith.constant 0.000000e+00 : f32
    %broadcast_in_dim3A_341 = vector.broadcast %jit3A_340 : f32 to vector<2048x256xf32>
    %select_n3A_342 = arith.select %eq3A_337, %convert_element_type3A_339, %broadcast_in_dim3A_341 : vector<2048x256xi1>, vector<2048x256xf32>
    %reduce_sum3A_343 = arith.constant dense<0.000000e+00> : vector<256xf32>
    %reduce_sum3A_344 = vector.multi_reduction <add>, %select_n3A_342, %reduce_sum3A_343 [0] : vector<2048x256xf32> to vector<256xf32>
    %broadcast_in_dim3A_345 = vector.shape_cast %reduce_sum3A_344 : vector<256xf32> to vector<1x256xf32>
    %convert_element_type3A_346 = arith.fptosi %broadcast_in_dim3A_345 : vector<1x256xf32> to vector<1x256xi32>
    %add3A_347 = vector.broadcast %mul3A_240 : i32 to vector<1x256xi32>
    %add3A_348 = arith.addi %convert_element_type3A_346, %add3A_347 : vector<1x256xi32>
    %swap3A_349 = arith.constant 0 : index
    %swap3A_350 = arith.constant 0 : index
    %swap3A_351 = arith.constant 1024 : index
    %swap3A_352 = vector.load %arg3[%swap3A_349, %swap3A_350, %swap3A_351] : memref<1x1x2048xi32, #tpu.memory_space<vmem>>, vector<1x1x256xi32>
    %swap3A_353 = vector.shape_cast %swap3A_352 : vector<1x1x256xi32> to vector<1x256xi32>
    %swap3A_354 = vector.shape_cast %add3A_348 : vector<1x256xi32> to vector<1x1x256xi32>
    tpu.vector_store %arg3[%swap3A_349, %swap3A_350, %swap3A_351], %swap3A_354 {strides = array<i32>} : memref<1x1x2048xi32, #tpu.memory_space<vmem>>, vector<1x1x256xi32>,
    %iota3A_355 = tpu.iota {dimensions = array<i32: 1>} : vector<2048x256xi32>
    %add3A_356 = arith.constant 1280 : i32
    %add3A_357 = vector.broadcast %add3A_356 : i32 to vector<2048x256xi32>
    %add3A_358 = arith.addi %iota3A_355, %add3A_357 : vector<2048x256xi32>
    %eq3A_359 = vector.broadcast %convert_element_type3A_236 : vector<2048x1xi32> to vector<2048x256xi32>
    %eq3A_360 = arith.cmpi eq, %eq3A_359, %add3A_358 : vector<2048x256xi32>
    %iota3A_361 = tpu.iota {dimensions = array<i32: 0>} : vector<2048x256xi32>
    %convert_element_type3A_362 = arith.sitofp %iota3A_361 : vector<2048x256xi32> to vector<2048x256xf32>
    %jit3A_363 = arith.constant 0.000000e+00 : f32
    %broadcast_in_dim3A_364 = vector.broadcast %jit3A_363 : f32 to vector<2048x256xf32>
    %select_n3A_365 = arith.select %eq3A_360, %convert_element_type3A_362, %broadcast_in_dim3A_364 : vector<2048x256xi1>, vector<2048x256xf32>
    %reduce_sum3A_366 = arith.constant dense<0.000000e+00> : vector<256xf32>
    %reduce_sum3A_367 = vector.multi_reduction <add>, %select_n3A_365, %reduce_sum3A_366 [0] : vector<2048x256xf32> to vector<256xf32>
    %broadcast_in_dim3A_368 = vector.shape_cast %reduce_sum3A_367 : vector<256xf32> to vector<1x256xf32>
    %convert_element_type3A_369 = arith.fptosi %broadcast_in_dim3A_368 : vector<1x256xf32> to vector<1x256xi32>
    %add3A_370 = vector.broadcast %mul3A_240 : i32 to vector<1x256xi32>
    %add3A_371 = arith.addi %convert_element_type3A_369, %add3A_370 : vector<1x256xi32>
    %swap3A_372 = arith.constant 0 : index
    %swap3A_373 = arith.constant 0 : index
    %swap3A_374 = arith.constant 1280 : index
    %swap3A_375 = vector.load %arg3[%swap3A_372, %swap3A_373, %swap3A_374] : memref<1x1x2048xi32, #tpu.memory_space<vmem>>, vector<1x1x256xi32>
    %swap3A_376 = vector.shape_cast %swap3A_375 : vector<1x1x256xi32> to vector<1x256xi32>
    %swap3A_377 = vector.shape_cast %add3A_371 : vector<1x256xi32> to vector<1x1x256xi32>
    tpu.vector_store %arg3[%swap3A_372, %swap3A_373, %swap3A_374], %swap3A_377 {strides = array<i32>} : memref<1x1x2048xi32, #tpu.memory_space<vmem>>, vector<1x1x256xi32>,
    %iota3A_378 = tpu.iota {dimensions = array<i32: 1>} : vector<2048x256xi32>
    %add3A_379 = arith.constant 1536 : i32
    %add3A_380 = vector.broadcast %add3A_379 : i32 to vector<2048x256xi32>
    %add3A_381 = arith.addi %iota3A_378, %add3A_380 : vector<2048x256xi32>
    %eq3A_382 = vector.broadcast %convert_element_type3A_236 : vector<2048x1xi32> to vector<2048x256xi32>
    %eq3A_383 = arith.cmpi eq, %eq3A_382, %add3A_381 : vector<2048x256xi32>
    %iota3A_384 = tpu.iota {dimensions = array<i32: 0>} : vector<2048x256xi32>
    %convert_element_type3A_385 = arith.sitofp %iota3A_384 : vector<2048x256xi32> to vector<2048x256xf32>
    %jit3A_386 = arith.constant 0.000000e+00 : f32
    %broadcast_in_dim3A_387 = vector.broadcast %jit3A_386 : f32 to vector<2048x256xf32>
    %select_n3A_388 = arith.select %eq3A_383, %convert_element_type3A_385, %broadcast_in_dim3A_387 : vector<2048x256xi1>, vector<2048x256xf32>
    %reduce_sum3A_389 = arith.constant dense<0.000000e+00> : vector<256xf32>
    %reduce_sum3A_390 = vector.multi_reduction <add>, %select_n3A_388, %reduce_sum3A_389 [0] : vector<2048x256xf32> to vector<256xf32>
    %broadcast_in_dim3A_391 = vector.shape_cast %reduce_sum3A_390 : vector<256xf32> to vector<1x256xf32>
    %convert_element_type3A_392 = arith.fptosi %broadcast_in_dim3A_391 : vector<1x256xf32> to vector<1x256xi32>
    %add3A_393 = vector.broadcast %mul3A_240 : i32 to vector<1x256xi32>
    %add3A_394 = arith.addi %convert_element_type3A_392, %add3A_393 : vector<1x256xi32>
    %swap3A_395 = arith.constant 0 : index
    %swap3A_396 = arith.constant 0 : index
    %swap3A_397 = arith.constant 1536 : index
    %swap3A_398 = vector.load %arg3[%swap3A_395, %swap3A_396, %swap3A_397] : memref<1x1x2048xi32, #tpu.memory_space<vmem>>, vector<1x1x256xi32>
    %swap3A_399 = vector.shape_cast %swap3A_398 : vector<1x1x256xi32> to vector<1x256xi32>
    %swap3A_400 = vector.shape_cast %add3A_394 : vector<1x256xi32> to vector<1x1x256xi32>
    tpu.vector_store %arg3[%swap3A_395, %swap3A_396, %swap3A_397], %swap3A_400 {strides = array<i32>} : memref<1x1x2048xi32, #tpu.memory_space<vmem>>, vector<1x1x256xi32>,
    %iota3A_401 = tpu.iota {dimensions = array<i32: 1>} : vector<2048x256xi32>
    %add3A_402 = arith.constant 1792 : i32
    %add3A_403 = vector.broadcast %add3A_402 : i32 to vector<2048x256xi32>
    %add3A_404 = arith.addi %iota3A_401, %add3A_403 : vector<2048x256xi32>
    %eq3A_405 = vector.broadcast %convert_element_type3A_236 : vector<2048x1xi32> to vector<2048x256xi32>
    %eq3A_406 = arith.cmpi eq, %eq3A_405, %add3A_404 : vector<2048x256xi32>
    %iota3A_407 = tpu.iota {dimensions = array<i32: 0>} : vector<2048x256xi32>
    %convert_element_type3A_408 = arith.sitofp %iota3A_407 : vector<2048x256xi32> to vector<2048x256xf32>
    %jit3A_409 = arith.constant 0.000000e+00 : f32
    %broadcast_in_dim3A_410 = vector.broadcast %jit3A_409 : f32 to vector<2048x256xf32>
    %select_n3A_411 = arith.select %eq3A_406, %convert_element_type3A_408, %broadcast_in_dim3A_410 : vector<2048x256xi1>, vector<2048x256xf32>
    %reduce_sum3A_412 = arith.constant dense<0.000000e+00> : vector<256xf32>
    %reduce_sum3A_413 = vector.multi_reduction <add>, %select_n3A_411, %reduce_sum3A_412 [0] : vector<2048x256xf32> to vector<256xf32>
    %broadcast_in_dim3A_414 = vector.shape_cast %reduce_sum3A_413 : vector<256xf32> to vector<1x256xf32>
    %convert_element_type3A_415 = arith.fptosi %broadcast_in_dim3A_414 : vector<1x256xf32> to vector<1x256xi32>
    %add3A_416 = vector.broadcast %mul3A_240 : i32 to vector<1x256xi32>
    %add3A_417 = arith.addi %convert_element_type3A_415, %add3A_416 : vector<1x256xi32>
    %swap3A_418 = arith.constant 0 : index
    %swap3A_419 = arith.constant 0 : index
    %swap3A_420 = arith.constant 1792 : index
    %swap3A_421 = vector.load %arg3[%swap3A_418, %swap3A_419, %swap3A_420] : memref<1x1x2048xi32, #tpu.memory_space<vmem>>, vector<1x1x256xi32>
    %swap3A_422 = vector.shape_cast %swap3A_421 : vector<1x1x256xi32> to vector<1x256xi32>
    %swap3A_423 = vector.shape_cast %add3A_417 : vector<1x256xi32> to vector<1x1x256xi32>
    tpu.vector_store %arg3[%swap3A_418, %swap3A_419, %swap3A_420], %swap3A_423 {strides = array<i32>} : memref<1x1x2048xi32, #tpu.memory_space<vmem>>, vector<1x1x256xi32>,
    return
  }
  func.func @transform_0(%arg0: i32) -> (i32, i32, i32) {
    %add3A = arith.constant 0 : i32
    %add3A_0 = arith.addi %arg0, %add3A : i32
    %c0_i32 = arith.constant 0 : i32
    %c0_i32_1 = arith.constant 0 : i32
    %c0_i32_2 = arith.constant 0 : i32
    return %add3A_0, %c0_i32, %c0_i32_1 : i32, i32, i32
  }
  func.func @transform_1(%arg0: i32) -> (i32, i32) {
    %c0_i32 = arith.constant 0 : i32
    %c0_i32_0 = arith.constant 0 : i32
    %c0_i32_1 = arith.constant 0 : i32
    return %c0_i32, %c0_i32_0 : i32, i32
  }
  func.func @transform_2(%arg0: i32) -> (i32, i32, i32) {
    %c0_i32 = arith.constant 0 : i32
    %c0_i32_0 = arith.constant 0 : i32
    %c0_i32_1 = arith.constant 0 : i32
    return %arg0, %c0_i32, %c0_i32_0 : i32, i32, i32
  }
}

module attributes {stable_mosaic.version = 14 : i64} {
  func.func @_attn_kernel(%arg0: i32, %arg1: memref<2048x512xf32, #tpu.memory_space<vmem>>, %arg2: memref<16x128x8xi32, #tpu.memory_space<vmem>>, %arg3: memref<16x128x8xf32, #tpu.memory_space<vmem>>) attributes {dimension_semantics = [#tpu.dimension_semantics<arbitrary>], iteration_bounds = array<i64: 2>, scalar_prefetch = 0 : i64, scratch_operands = 0 : i64, tpu.core_type = #tpu.core_type<tc>, window_params = [{transform_indices = @transform_0, window_bounds = array<i64: 2048, 512>}, {transform_indices = @transform_1, window_bounds = array<i64: 16, 128, 8>}, {transform_indices = @transform_2, window_bounds = array<i64: 16, 128, 8>}]} {
    %get3A = arith.constant 0 : index
    %get3A_0 = arith.constant 0 : index
    %get3A_1 = vector.load %arg1[%get3A, %get3A_0] : memref<2048x512xf32, #tpu.memory_space<vmem>>, vector<128x512xf32>
    %mul3A = arith.mulf %get3A_1, %get3A_1 : vector<128x512xf32>
    %reduce_sum3A = arith.constant dense<0.000000e+00> : vector<128xf32>
    %reduce_sum3A_2 = vector.multi_reduction <add>, %mul3A, %reduce_sum3A [1] : vector<128x512xf32> to vector<128xf32>
    %broadcast_in_dim3A = vector.shape_cast %reduce_sum3A_2 : vector<128xf32> to vector<128x1xf32>
    %max3A = arith.constant 9.99999996E-13 : f32
    %max3A_3 = vector.broadcast %max3A : f32 to vector<128x1xf32>
    %max3A_4 = arith.maximumf %broadcast_in_dim3A, %max3A_3 : vector<128x1xf32>
    %rsqrt3A = math.rsqrt %max3A_4 : vector<128x1xf32>
    %mul3A_5 = vector.broadcast %rsqrt3A : vector<128x1xf32> to vector<128x512xf32>
    %mul3A_6 = arith.mulf %get3A_1, %mul3A_5 : vector<128x512xf32>
    %dot_general3A = arith.constant dense<0.000000e+00> : vector<128x128xf32>
    %dot_general3A_7 = tpu.matmul %mul3A_6, %mul3A_6, %dot_general3A {dimension_numbers = #tpu.dot_dimension_numbers<[1], [1], [0], [0], [0, 0, 1, 0], [], []>, transpose_lhs_hint = false} : vector<128x512xf32>, vector<128x512xf32>, vector<128x128xf32> -> vector<128x128xf32>
    %get3A_8 = arith.constant 128 : index
    %get3A_9 = arith.constant 0 : index
    %get3A_10 = vector.load %arg1[%get3A_8, %get3A_9] : memref<2048x512xf32, #tpu.memory_space<vmem>>, vector<128x512xf32>
    %mul3A_11 = arith.mulf %get3A_10, %get3A_10 : vector<128x512xf32>
    %reduce_sum3A_12 = arith.constant dense<0.000000e+00> : vector<128xf32>
    %reduce_sum3A_13 = vector.multi_reduction <add>, %mul3A_11, %reduce_sum3A_12 [1] : vector<128x512xf32> to vector<128xf32>
    %broadcast_in_dim3A_14 = vector.shape_cast %reduce_sum3A_13 : vector<128xf32> to vector<128x1xf32>
    %max3A_15 = arith.constant 9.99999996E-13 : f32
    %max3A_16 = vector.broadcast %max3A_15 : f32 to vector<128x1xf32>
    %max3A_17 = arith.maximumf %broadcast_in_dim3A_14, %max3A_16 : vector<128x1xf32>
    %rsqrt3A_18 = math.rsqrt %max3A_17 : vector<128x1xf32>
    %mul3A_19 = vector.broadcast %rsqrt3A_18 : vector<128x1xf32> to vector<128x512xf32>
    %mul3A_20 = arith.mulf %get3A_10, %mul3A_19 : vector<128x512xf32>
    %dot_general3A_21 = arith.constant dense<0.000000e+00> : vector<128x128xf32>
    %dot_general3A_22 = tpu.matmul %mul3A_20, %mul3A_20, %dot_general3A_21 {dimension_numbers = #tpu.dot_dimension_numbers<[1], [1], [0], [0], [0, 0, 1, 0], [], []>, transpose_lhs_hint = false} : vector<128x512xf32>, vector<128x512xf32>, vector<128x128xf32> -> vector<128x128xf32>
    %get3A_23 = arith.constant 256 : index
    %get3A_24 = arith.constant 0 : index
    %get3A_25 = vector.load %arg1[%get3A_23, %get3A_24] : memref<2048x512xf32, #tpu.memory_space<vmem>>, vector<128x512xf32>
    %mul3A_26 = arith.mulf %get3A_25, %get3A_25 : vector<128x512xf32>
    %reduce_sum3A_27 = arith.constant dense<0.000000e+00> : vector<128xf32>
    %reduce_sum3A_28 = vector.multi_reduction <add>, %mul3A_26, %reduce_sum3A_27 [1] : vector<128x512xf32> to vector<128xf32>
    %broadcast_in_dim3A_29 = vector.shape_cast %reduce_sum3A_28 : vector<128xf32> to vector<128x1xf32>
    %max3A_30 = arith.constant 9.99999996E-13 : f32
    %max3A_31 = vector.broadcast %max3A_30 : f32 to vector<128x1xf32>
    %max3A_32 = arith.maximumf %broadcast_in_dim3A_29, %max3A_31 : vector<128x1xf32>
    %rsqrt3A_33 = math.rsqrt %max3A_32 : vector<128x1xf32>
    %mul3A_34 = vector.broadcast %rsqrt3A_33 : vector<128x1xf32> to vector<128x512xf32>
    %mul3A_35 = arith.mulf %get3A_25, %mul3A_34 : vector<128x512xf32>
    %dot_general3A_36 = arith.constant dense<0.000000e+00> : vector<128x128xf32>
    %dot_general3A_37 = tpu.matmul %mul3A_35, %mul3A_35, %dot_general3A_36 {dimension_numbers = #tpu.dot_dimension_numbers<[1], [1], [0], [0], [0, 0, 1, 0], [], []>, transpose_lhs_hint = false} : vector<128x512xf32>, vector<128x512xf32>, vector<128x128xf32> -> vector<128x128xf32>
    %get3A_38 = arith.constant 384 : index
    %get3A_39 = arith.constant 0 : index
    %get3A_40 = vector.load %arg1[%get3A_38, %get3A_39] : memref<2048x512xf32, #tpu.memory_space<vmem>>, vector<128x512xf32>
    %mul3A_41 = arith.mulf %get3A_40, %get3A_40 : vector<128x512xf32>
    %reduce_sum3A_42 = arith.constant dense<0.000000e+00> : vector<128xf32>
    %reduce_sum3A_43 = vector.multi_reduction <add>, %mul3A_41, %reduce_sum3A_42 [1] : vector<128x512xf32> to vector<128xf32>
    %broadcast_in_dim3A_44 = vector.shape_cast %reduce_sum3A_43 : vector<128xf32> to vector<128x1xf32>
    %max3A_45 = arith.constant 9.99999996E-13 : f32
    %max3A_46 = vector.broadcast %max3A_45 : f32 to vector<128x1xf32>
    %max3A_47 = arith.maximumf %broadcast_in_dim3A_44, %max3A_46 : vector<128x1xf32>
    %rsqrt3A_48 = math.rsqrt %max3A_47 : vector<128x1xf32>
    %mul3A_49 = vector.broadcast %rsqrt3A_48 : vector<128x1xf32> to vector<128x512xf32>
    %mul3A_50 = arith.mulf %get3A_40, %mul3A_49 : vector<128x512xf32>
    %dot_general3A_51 = arith.constant dense<0.000000e+00> : vector<128x128xf32>
    %dot_general3A_52 = tpu.matmul %mul3A_50, %mul3A_50, %dot_general3A_51 {dimension_numbers = #tpu.dot_dimension_numbers<[1], [1], [0], [0], [0, 0, 1, 0], [], []>, transpose_lhs_hint = false} : vector<128x512xf32>, vector<128x512xf32>, vector<128x128xf32> -> vector<128x128xf32>
    %get3A_53 = arith.constant 512 : index
    %get3A_54 = arith.constant 0 : index
    %get3A_55 = vector.load %arg1[%get3A_53, %get3A_54] : memref<2048x512xf32, #tpu.memory_space<vmem>>, vector<128x512xf32>
    %mul3A_56 = arith.mulf %get3A_55, %get3A_55 : vector<128x512xf32>
    %reduce_sum3A_57 = arith.constant dense<0.000000e+00> : vector<128xf32>
    %reduce_sum3A_58 = vector.multi_reduction <add>, %mul3A_56, %reduce_sum3A_57 [1] : vector<128x512xf32> to vector<128xf32>
    %broadcast_in_dim3A_59 = vector.shape_cast %reduce_sum3A_58 : vector<128xf32> to vector<128x1xf32>
    %max3A_60 = arith.constant 9.99999996E-13 : f32
    %max3A_61 = vector.broadcast %max3A_60 : f32 to vector<128x1xf32>
    %max3A_62 = arith.maximumf %broadcast_in_dim3A_59, %max3A_61 : vector<128x1xf32>
    %rsqrt3A_63 = math.rsqrt %max3A_62 : vector<128x1xf32>
    %mul3A_64 = vector.broadcast %rsqrt3A_63 : vector<128x1xf32> to vector<128x512xf32>
    %mul3A_65 = arith.mulf %get3A_55, %mul3A_64 : vector<128x512xf32>
    %dot_general3A_66 = arith.constant dense<0.000000e+00> : vector<128x128xf32>
    %dot_general3A_67 = tpu.matmul %mul3A_65, %mul3A_65, %dot_general3A_66 {dimension_numbers = #tpu.dot_dimension_numbers<[1], [1], [0], [0], [0, 0, 1, 0], [], []>, transpose_lhs_hint = false} : vector<128x512xf32>, vector<128x512xf32>, vector<128x128xf32> -> vector<128x128xf32>
    %get3A_68 = arith.constant 640 : index
    %get3A_69 = arith.constant 0 : index
    %get3A_70 = vector.load %arg1[%get3A_68, %get3A_69] : memref<2048x512xf32, #tpu.memory_space<vmem>>, vector<128x512xf32>
    %mul3A_71 = arith.mulf %get3A_70, %get3A_70 : vector<128x512xf32>
    %reduce_sum3A_72 = arith.constant dense<0.000000e+00> : vector<128xf32>
    %reduce_sum3A_73 = vector.multi_reduction <add>, %mul3A_71, %reduce_sum3A_72 [1] : vector<128x512xf32> to vector<128xf32>
    %broadcast_in_dim3A_74 = vector.shape_cast %reduce_sum3A_73 : vector<128xf32> to vector<128x1xf32>
    %max3A_75 = arith.constant 9.99999996E-13 : f32
    %max3A_76 = vector.broadcast %max3A_75 : f32 to vector<128x1xf32>
    %max3A_77 = arith.maximumf %broadcast_in_dim3A_74, %max3A_76 : vector<128x1xf32>
    %rsqrt3A_78 = math.rsqrt %max3A_77 : vector<128x1xf32>
    %mul3A_79 = vector.broadcast %rsqrt3A_78 : vector<128x1xf32> to vector<128x512xf32>
    %mul3A_80 = arith.mulf %get3A_70, %mul3A_79 : vector<128x512xf32>
    %dot_general3A_81 = arith.constant dense<0.000000e+00> : vector<128x128xf32>
    %dot_general3A_82 = tpu.matmul %mul3A_80, %mul3A_80, %dot_general3A_81 {dimension_numbers = #tpu.dot_dimension_numbers<[1], [1], [0], [0], [0, 0, 1, 0], [], []>, transpose_lhs_hint = false} : vector<128x512xf32>, vector<128x512xf32>, vector<128x128xf32> -> vector<128x128xf32>
    %get3A_83 = arith.constant 768 : index
    %get3A_84 = arith.constant 0 : index
    %get3A_85 = vector.load %arg1[%get3A_83, %get3A_84] : memref<2048x512xf32, #tpu.memory_space<vmem>>, vector<128x512xf32>
    %mul3A_86 = arith.mulf %get3A_85, %get3A_85 : vector<128x512xf32>
    %reduce_sum3A_87 = arith.constant dense<0.000000e+00> : vector<128xf32>
    %reduce_sum3A_88 = vector.multi_reduction <add>, %mul3A_86, %reduce_sum3A_87 [1] : vector<128x512xf32> to vector<128xf32>
    %broadcast_in_dim3A_89 = vector.shape_cast %reduce_sum3A_88 : vector<128xf32> to vector<128x1xf32>
    %max3A_90 = arith.constant 9.99999996E-13 : f32
    %max3A_91 = vector.broadcast %max3A_90 : f32 to vector<128x1xf32>
    %max3A_92 = arith.maximumf %broadcast_in_dim3A_89, %max3A_91 : vector<128x1xf32>
    %rsqrt3A_93 = math.rsqrt %max3A_92 : vector<128x1xf32>
    %mul3A_94 = vector.broadcast %rsqrt3A_93 : vector<128x1xf32> to vector<128x512xf32>
    %mul3A_95 = arith.mulf %get3A_85, %mul3A_94 : vector<128x512xf32>
    %dot_general3A_96 = arith.constant dense<0.000000e+00> : vector<128x128xf32>
    %dot_general3A_97 = tpu.matmul %mul3A_95, %mul3A_95, %dot_general3A_96 {dimension_numbers = #tpu.dot_dimension_numbers<[1], [1], [0], [0], [0, 0, 1, 0], [], []>, transpose_lhs_hint = false} : vector<128x512xf32>, vector<128x512xf32>, vector<128x128xf32> -> vector<128x128xf32>
    %get3A_98 = arith.constant 896 : index
    %get3A_99 = arith.constant 0 : index
    %get3A_100 = vector.load %arg1[%get3A_98, %get3A_99] : memref<2048x512xf32, #tpu.memory_space<vmem>>, vector<128x512xf32>
    %mul3A_101 = arith.mulf %get3A_100, %get3A_100 : vector<128x512xf32>
    %reduce_sum3A_102 = arith.constant dense<0.000000e+00> : vector<128xf32>
    %reduce_sum3A_103 = vector.multi_reduction <add>, %mul3A_101, %reduce_sum3A_102 [1] : vector<128x512xf32> to vector<128xf32>
    %broadcast_in_dim3A_104 = vector.shape_cast %reduce_sum3A_103 : vector<128xf32> to vector<128x1xf32>
    %max3A_105 = arith.constant 9.99999996E-13 : f32
    %max3A_106 = vector.broadcast %max3A_105 : f32 to vector<128x1xf32>
    %max3A_107 = arith.maximumf %broadcast_in_dim3A_104, %max3A_106 : vector<128x1xf32>
    %rsqrt3A_108 = math.rsqrt %max3A_107 : vector<128x1xf32>
    %mul3A_109 = vector.broadcast %rsqrt3A_108 : vector<128x1xf32> to vector<128x512xf32>
    %mul3A_110 = arith.mulf %get3A_100, %mul3A_109 : vector<128x512xf32>
    %dot_general3A_111 = arith.constant dense<0.000000e+00> : vector<128x128xf32>
    %dot_general3A_112 = tpu.matmul %mul3A_110, %mul3A_110, %dot_general3A_111 {dimension_numbers = #tpu.dot_dimension_numbers<[1], [1], [0], [0], [0, 0, 1, 0], [], []>, transpose_lhs_hint = false} : vector<128x512xf32>, vector<128x512xf32>, vector<128x128xf32> -> vector<128x128xf32>
    %get3A_113 = arith.constant 1024 : index
    %get3A_114 = arith.constant 0 : index
    %get3A_115 = vector.load %arg1[%get3A_113, %get3A_114] : memref<2048x512xf32, #tpu.memory_space<vmem>>, vector<128x512xf32>
    %mul3A_116 = arith.mulf %get3A_115, %get3A_115 : vector<128x512xf32>
    %reduce_sum3A_117 = arith.constant dense<0.000000e+00> : vector<128xf32>
    %reduce_sum3A_118 = vector.multi_reduction <add>, %mul3A_116, %reduce_sum3A_117 [1] : vector<128x512xf32> to vector<128xf32>
    %broadcast_in_dim3A_119 = vector.shape_cast %reduce_sum3A_118 : vector<128xf32> to vector<128x1xf32>
    %max3A_120 = arith.constant 9.99999996E-13 : f32
    %max3A_121 = vector.broadcast %max3A_120 : f32 to vector<128x1xf32>
    %max3A_122 = arith.maximumf %broadcast_in_dim3A_119, %max3A_121 : vector<128x1xf32>
    %rsqrt3A_123 = math.rsqrt %max3A_122 : vector<128x1xf32>
    %mul3A_124 = vector.broadcast %rsqrt3A_123 : vector<128x1xf32> to vector<128x512xf32>
    %mul3A_125 = arith.mulf %get3A_115, %mul3A_124 : vector<128x512xf32>
    %dot_general3A_126 = arith.constant dense<0.000000e+00> : vector<128x128xf32>
    %dot_general3A_127 = tpu.matmul %mul3A_125, %mul3A_125, %dot_general3A_126 {dimension_numbers = #tpu.dot_dimension_numbers<[1], [1], [0], [0], [0, 0, 1, 0], [], []>, transpose_lhs_hint = false} : vector<128x512xf32>, vector<128x512xf32>, vector<128x128xf32> -> vector<128x128xf32>
    %get3A_128 = arith.constant 1152 : index
    %get3A_129 = arith.constant 0 : index
    %get3A_130 = vector.load %arg1[%get3A_128, %get3A_129] : memref<2048x512xf32, #tpu.memory_space<vmem>>, vector<128x512xf32>
    %mul3A_131 = arith.mulf %get3A_130, %get3A_130 : vector<128x512xf32>
    %reduce_sum3A_132 = arith.constant dense<0.000000e+00> : vector<128xf32>
    %reduce_sum3A_133 = vector.multi_reduction <add>, %mul3A_131, %reduce_sum3A_132 [1] : vector<128x512xf32> to vector<128xf32>
    %broadcast_in_dim3A_134 = vector.shape_cast %reduce_sum3A_133 : vector<128xf32> to vector<128x1xf32>
    %max3A_135 = arith.constant 9.99999996E-13 : f32
    %max3A_136 = vector.broadcast %max3A_135 : f32 to vector<128x1xf32>
    %max3A_137 = arith.maximumf %broadcast_in_dim3A_134, %max3A_136 : vector<128x1xf32>
    %rsqrt3A_138 = math.rsqrt %max3A_137 : vector<128x1xf32>
    %mul3A_139 = vector.broadcast %rsqrt3A_138 : vector<128x1xf32> to vector<128x512xf32>
    %mul3A_140 = arith.mulf %get3A_130, %mul3A_139 : vector<128x512xf32>
    %dot_general3A_141 = arith.constant dense<0.000000e+00> : vector<128x128xf32>
    %dot_general3A_142 = tpu.matmul %mul3A_140, %mul3A_140, %dot_general3A_141 {dimension_numbers = #tpu.dot_dimension_numbers<[1], [1], [0], [0], [0, 0, 1, 0], [], []>, transpose_lhs_hint = false} : vector<128x512xf32>, vector<128x512xf32>, vector<128x128xf32> -> vector<128x128xf32>
    %get3A_143 = arith.constant 1280 : index
    %get3A_144 = arith.constant 0 : index
    %get3A_145 = vector.load %arg1[%get3A_143, %get3A_144] : memref<2048x512xf32, #tpu.memory_space<vmem>>, vector<128x512xf32>
    %mul3A_146 = arith.mulf %get3A_145, %get3A_145 : vector<128x512xf32>
    %reduce_sum3A_147 = arith.constant dense<0.000000e+00> : vector<128xf32>
    %reduce_sum3A_148 = vector.multi_reduction <add>, %mul3A_146, %reduce_sum3A_147 [1] : vector<128x512xf32> to vector<128xf32>
    %broadcast_in_dim3A_149 = vector.shape_cast %reduce_sum3A_148 : vector<128xf32> to vector<128x1xf32>
    %max3A_150 = arith.constant 9.99999996E-13 : f32
    %max3A_151 = vector.broadcast %max3A_150 : f32 to vector<128x1xf32>
    %max3A_152 = arith.maximumf %broadcast_in_dim3A_149, %max3A_151 : vector<128x1xf32>
    %rsqrt3A_153 = math.rsqrt %max3A_152 : vector<128x1xf32>
    %mul3A_154 = vector.broadcast %rsqrt3A_153 : vector<128x1xf32> to vector<128x512xf32>
    %mul3A_155 = arith.mulf %get3A_145, %mul3A_154 : vector<128x512xf32>
    %dot_general3A_156 = arith.constant dense<0.000000e+00> : vector<128x128xf32>
    %dot_general3A_157 = tpu.matmul %mul3A_155, %mul3A_155, %dot_general3A_156 {dimension_numbers = #tpu.dot_dimension_numbers<[1], [1], [0], [0], [0, 0, 1, 0], [], []>, transpose_lhs_hint = false} : vector<128x512xf32>, vector<128x512xf32>, vector<128x128xf32> -> vector<128x128xf32>
    %get3A_158 = arith.constant 1408 : index
    %get3A_159 = arith.constant 0 : index
    %get3A_160 = vector.load %arg1[%get3A_158, %get3A_159] : memref<2048x512xf32, #tpu.memory_space<vmem>>, vector<128x512xf32>
    %mul3A_161 = arith.mulf %get3A_160, %get3A_160 : vector<128x512xf32>
    %reduce_sum3A_162 = arith.constant dense<0.000000e+00> : vector<128xf32>
    %reduce_sum3A_163 = vector.multi_reduction <add>, %mul3A_161, %reduce_sum3A_162 [1] : vector<128x512xf32> to vector<128xf32>
    %broadcast_in_dim3A_164 = vector.shape_cast %reduce_sum3A_163 : vector<128xf32> to vector<128x1xf32>
    %max3A_165 = arith.constant 9.99999996E-13 : f32
    %max3A_166 = vector.broadcast %max3A_165 : f32 to vector<128x1xf32>
    %max3A_167 = arith.maximumf %broadcast_in_dim3A_164, %max3A_166 : vector<128x1xf32>
    %rsqrt3A_168 = math.rsqrt %max3A_167 : vector<128x1xf32>
    %mul3A_169 = vector.broadcast %rsqrt3A_168 : vector<128x1xf32> to vector<128x512xf32>
    %mul3A_170 = arith.mulf %get3A_160, %mul3A_169 : vector<128x512xf32>
    %dot_general3A_171 = arith.constant dense<0.000000e+00> : vector<128x128xf32>
    %dot_general3A_172 = tpu.matmul %mul3A_170, %mul3A_170, %dot_general3A_171 {dimension_numbers = #tpu.dot_dimension_numbers<[1], [1], [0], [0], [0, 0, 1, 0], [], []>, transpose_lhs_hint = false} : vector<128x512xf32>, vector<128x512xf32>, vector<128x128xf32> -> vector<128x128xf32>
    %get3A_173 = arith.constant 1536 : index
    %get3A_174 = arith.constant 0 : index
    %get3A_175 = vector.load %arg1[%get3A_173, %get3A_174] : memref<2048x512xf32, #tpu.memory_space<vmem>>, vector<128x512xf32>
    %mul3A_176 = arith.mulf %get3A_175, %get3A_175 : vector<128x512xf32>
    %reduce_sum3A_177 = arith.constant dense<0.000000e+00> : vector<128xf32>
    %reduce_sum3A_178 = vector.multi_reduction <add>, %mul3A_176, %reduce_sum3A_177 [1] : vector<128x512xf32> to vector<128xf32>
    %broadcast_in_dim3A_179 = vector.shape_cast %reduce_sum3A_178 : vector<128xf32> to vector<128x1xf32>
    %max3A_180 = arith.constant 9.99999996E-13 : f32
    %max3A_181 = vector.broadcast %max3A_180 : f32 to vector<128x1xf32>
    %max3A_182 = arith.maximumf %broadcast_in_dim3A_179, %max3A_181 : vector<128x1xf32>
    %rsqrt3A_183 = math.rsqrt %max3A_182 : vector<128x1xf32>
    %mul3A_184 = vector.broadcast %rsqrt3A_183 : vector<128x1xf32> to vector<128x512xf32>
    %mul3A_185 = arith.mulf %get3A_175, %mul3A_184 : vector<128x512xf32>
    %dot_general3A_186 = arith.constant dense<0.000000e+00> : vector<128x128xf32>
    %dot_general3A_187 = tpu.matmul %mul3A_185, %mul3A_185, %dot_general3A_186 {dimension_numbers = #tpu.dot_dimension_numbers<[1], [1], [0], [0], [0, 0, 1, 0], [], []>, transpose_lhs_hint = false} : vector<128x512xf32>, vector<128x512xf32>, vector<128x128xf32> -> vector<128x128xf32>
    %get3A_188 = arith.constant 1664 : index
    %get3A_189 = arith.constant 0 : index
    %get3A_190 = vector.load %arg1[%get3A_188, %get3A_189] : memref<2048x512xf32, #tpu.memory_space<vmem>>, vector<128x512xf32>
    %mul3A_191 = arith.mulf %get3A_190, %get3A_190 : vector<128x512xf32>
    %reduce_sum3A_192 = arith.constant dense<0.000000e+00> : vector<128xf32>
    %reduce_sum3A_193 = vector.multi_reduction <add>, %mul3A_191, %reduce_sum3A_192 [1] : vector<128x512xf32> to vector<128xf32>
    %broadcast_in_dim3A_194 = vector.shape_cast %reduce_sum3A_193 : vector<128xf32> to vector<128x1xf32>
    %max3A_195 = arith.constant 9.99999996E-13 : f32
    %max3A_196 = vector.broadcast %max3A_195 : f32 to vector<128x1xf32>
    %max3A_197 = arith.maximumf %broadcast_in_dim3A_194, %max3A_196 : vector<128x1xf32>
    %rsqrt3A_198 = math.rsqrt %max3A_197 : vector<128x1xf32>
    %mul3A_199 = vector.broadcast %rsqrt3A_198 : vector<128x1xf32> to vector<128x512xf32>
    %mul3A_200 = arith.mulf %get3A_190, %mul3A_199 : vector<128x512xf32>
    %dot_general3A_201 = arith.constant dense<0.000000e+00> : vector<128x128xf32>
    %dot_general3A_202 = tpu.matmul %mul3A_200, %mul3A_200, %dot_general3A_201 {dimension_numbers = #tpu.dot_dimension_numbers<[1], [1], [0], [0], [0, 0, 1, 0], [], []>, transpose_lhs_hint = false} : vector<128x512xf32>, vector<128x512xf32>, vector<128x128xf32> -> vector<128x128xf32>
    %get3A_203 = arith.constant 1792 : index
    %get3A_204 = arith.constant 0 : index
    %get3A_205 = vector.load %arg1[%get3A_203, %get3A_204] : memref<2048x512xf32, #tpu.memory_space<vmem>>, vector<128x512xf32>
    %mul3A_206 = arith.mulf %get3A_205, %get3A_205 : vector<128x512xf32>
    %reduce_sum3A_207 = arith.constant dense<0.000000e+00> : vector<128xf32>
    %reduce_sum3A_208 = vector.multi_reduction <add>, %mul3A_206, %reduce_sum3A_207 [1] : vector<128x512xf32> to vector<128xf32>
    %broadcast_in_dim3A_209 = vector.shape_cast %reduce_sum3A_208 : vector<128xf32> to vector<128x1xf32>
    %max3A_210 = arith.constant 9.99999996E-13 : f32
    %max3A_211 = vector.broadcast %max3A_210 : f32 to vector<128x1xf32>
    %max3A_212 = arith.maximumf %broadcast_in_dim3A_209, %max3A_211 : vector<128x1xf32>
    %rsqrt3A_213 = math.rsqrt %max3A_212 : vector<128x1xf32>
    %mul3A_214 = vector.broadcast %rsqrt3A_213 : vector<128x1xf32> to vector<128x512xf32>
    %mul3A_215 = arith.mulf %get3A_205, %mul3A_214 : vector<128x512xf32>
    %dot_general3A_216 = arith.constant dense<0.000000e+00> : vector<128x128xf32>
    %dot_general3A_217 = tpu.matmul %mul3A_215, %mul3A_215, %dot_general3A_216 {dimension_numbers = #tpu.dot_dimension_numbers<[1], [1], [0], [0], [0, 0, 1, 0], [], []>, transpose_lhs_hint = false} : vector<128x512xf32>, vector<128x512xf32>, vector<128x128xf32> -> vector<128x128xf32>
    %get3A_218 = arith.constant 1920 : index
    %get3A_219 = arith.constant 0 : index
    %get3A_220 = vector.load %arg1[%get3A_218, %get3A_219] : memref<2048x512xf32, #tpu.memory_space<vmem>>, vector<128x512xf32>
    %mul3A_221 = arith.mulf %get3A_220, %get3A_220 : vector<128x512xf32>
    %reduce_sum3A_222 = arith.constant dense<0.000000e+00> : vector<128xf32>
    %reduce_sum3A_223 = vector.multi_reduction <add>, %mul3A_221, %reduce_sum3A_222 [1] : vector<128x512xf32> to vector<128xf32>
    %broadcast_in_dim3A_224 = vector.shape_cast %reduce_sum3A_223 : vector<128xf32> to vector<128x1xf32>
    %max3A_225 = arith.constant 9.99999996E-13 : f32
    %max3A_226 = vector.broadcast %max3A_225 : f32 to vector<128x1xf32>
    %max3A_227 = arith.maximumf %broadcast_in_dim3A_224, %max3A_226 : vector<128x1xf32>
    %rsqrt3A_228 = math.rsqrt %max3A_227 : vector<128x1xf32>
    %mul3A_229 = vector.broadcast %rsqrt3A_228 : vector<128x1xf32> to vector<128x512xf32>
    %mul3A_230 = arith.mulf %get3A_220, %mul3A_229 : vector<128x512xf32>
    %dot_general3A_231 = arith.constant dense<0.000000e+00> : vector<128x128xf32>
    %dot_general3A_232 = tpu.matmul %mul3A_230, %mul3A_230, %dot_general3A_231 {dimension_numbers = #tpu.dot_dimension_numbers<[1], [1], [0], [0], [0, 0, 1, 0], [], []>, transpose_lhs_hint = false} : vector<128x512xf32>, vector<128x512xf32>, vector<128x128xf32> -> vector<128x128xf32>
    %concatenate3A = tpu.concatenate %dot_general3A_7, %dot_general3A_22, %dot_general3A_37, %dot_general3A_52, %dot_general3A_67, %dot_general3A_82, %dot_general3A_97, %dot_general3A_112, %dot_general3A_127, %dot_general3A_142, %dot_general3A_157, %dot_general3A_172, %dot_general3A_187, %dot_general3A_202, %dot_general3A_217, %dot_general3A_232 in 0 : vector<128x128xf32>, vector<128x128xf32>, vector<128x128xf32>, vector<128x128xf32>, vector<128x128xf32>, vector<128x128xf32>, vector<128x128xf32>, vector<128x128xf32>, vector<128x128xf32>, vector<128x128xf32>, vector<128x128xf32>, vector<128x128xf32>, vector<128x128xf32>, vector<128x128xf32>, vector<128x128xf32>, vector<128x128xf32> -> vector<2048x128xf32>
    %reduce_max3A = arith.constant dense<0xFF800000> : vector<2048xf32>
    %reduce_max3A_233 = vector.multi_reduction <maximumf>, %concatenate3A, %reduce_max3A [1] : vector<2048x128xf32> to vector<2048xf32>
    %broadcast_in_dim3A_234 = vector.shape_cast %reduce_max3A_233 : vector<2048xf32> to vector<2048x1xf32>
    %sub3A = vector.broadcast %broadcast_in_dim3A_234 : vector<2048x1xf32> to vector<2048x128xf32>
    %sub3A_235 = arith.subf %concatenate3A, %sub3A : vector<2048x128xf32>
    %exp3A = math.exp %sub3A_235 : vector<2048x128xf32>
    %reduce_sum3A_236 = arith.constant dense<0.000000e+00> : vector<2048xf32>
    %reduce_sum3A_237 = vector.multi_reduction <add>, %exp3A, %reduce_sum3A_236 [1] : vector<2048x128xf32> to vector<2048xf32>
    %broadcast_in_dim3A_238 = vector.shape_cast %reduce_sum3A_237 : vector<2048xf32> to vector<2048x1xf32>
    %div3A = vector.broadcast %broadcast_in_dim3A_238 : vector<2048x1xf32> to vector<2048x128xf32>
    %div3A_239 = arith.divf %exp3A, %div3A : vector<2048x128xf32>
    %iota3A = tpu.iota {dimensions = array<i32: 1>} : vector<2048x128xi32>
    %reduce_max3A_240 = arith.constant dense<0xFF800000> : vector<2048xf32>
    %reduce_max3A_241 = vector.multi_reduction <maximumf>, %div3A_239, %reduce_max3A_240 [1] : vector<2048x128xf32> to vector<2048xf32>
    %broadcast_in_dim3A_242 = vector.shape_cast %reduce_max3A_241 : vector<2048xf32> to vector<2048x1xf32>
    %eq3A = vector.broadcast %broadcast_in_dim3A_242 : vector<2048x1xf32> to vector<2048x128xf32>
    %eq3A_243 = arith.cmpf oeq, %div3A_239, %eq3A : vector<2048x128xf32>
    %jit3A = arith.constant 128 : i32
    %broadcast_in_dim3A_244 = vector.broadcast %jit3A : i32 to vector<2048x128xi32>
    %select_n3A = arith.select %eq3A_243, %iota3A, %broadcast_in_dim3A_244 : vector<2048x128xi1>, vector<2048x128xi32>
    %reduce_min3A = arith.constant dense<2147483647> : vector<2048xi32>
    %reduce_min3A_245 = vector.multi_reduction <minsi>, %select_n3A, %reduce_min3A [1] : vector<2048x128xi32> to vector<2048xi32>
    %broadcast_in_dim3A_246 = vector.shape_cast %reduce_min3A_245 : vector<2048xi32> to vector<2048x1xi32>
    %eq3A_247 = vector.broadcast %broadcast_in_dim3A_246 : vector<2048x1xi32> to vector<2048x128xi32>
    %eq3A_248 = arith.cmpi eq, %iota3A, %eq3A_247 : vector<2048x128xi32>
    %jit3A_249 = arith.constant -1.000000e+00 : f32
    %broadcast_in_dim3A_250 = vector.broadcast %jit3A_249 : f32 to vector<2048x128xf32>
    %select_n3A_251 = arith.select %eq3A_248, %broadcast_in_dim3A_250, %div3A_239 : vector<2048x128xi1>, vector<2048x128xf32>
    %reduce_max3A_252 = arith.constant dense<0xFF800000> : vector<2048xf32>
    %reduce_max3A_253 = vector.multi_reduction <maximumf>, %select_n3A_251, %reduce_max3A_252 [1] : vector<2048x128xf32> to vector<2048xf32>
    %broadcast_in_dim3A_254 = vector.shape_cast %reduce_max3A_253 : vector<2048xf32> to vector<2048x1xf32>
    %eq3A_255 = vector.broadcast %broadcast_in_dim3A_254 : vector<2048x1xf32> to vector<2048x128xf32>
    %eq3A_256 = arith.cmpf oeq, %select_n3A_251, %eq3A_255 : vector<2048x128xf32>
    %jit3A_257 = arith.constant 128 : i32
    %broadcast_in_dim3A_258 = vector.broadcast %jit3A_257 : i32 to vector<2048x128xi32>
    %select_n3A_259 = arith.select %eq3A_256, %iota3A, %broadcast_in_dim3A_258 : vector<2048x128xi1>, vector<2048x128xi32>
    %reduce_min3A_260 = arith.constant dense<2147483647> : vector<2048xi32>
    %reduce_min3A_261 = vector.multi_reduction <minsi>, %select_n3A_259, %reduce_min3A_260 [1] : vector<2048x128xi32> to vector<2048xi32>
    %broadcast_in_dim3A_262 = vector.shape_cast %reduce_min3A_261 : vector<2048xi32> to vector<2048x1xi32>
    %eq3A_263 = vector.broadcast %broadcast_in_dim3A_262 : vector<2048x1xi32> to vector<2048x128xi32>
    %eq3A_264 = arith.cmpi eq, %iota3A, %eq3A_263 : vector<2048x128xi32>
    %jit3A_265 = arith.constant -1.000000e+00 : f32
    %broadcast_in_dim3A_266 = vector.broadcast %jit3A_265 : f32 to vector<2048x128xf32>
    %select_n3A_267 = arith.select %eq3A_264, %broadcast_in_dim3A_266, %select_n3A_251 : vector<2048x128xi1>, vector<2048x128xf32>
    %reduce_max3A_268 = arith.constant dense<0xFF800000> : vector<2048xf32>
    %reduce_max3A_269 = vector.multi_reduction <maximumf>, %select_n3A_267, %reduce_max3A_268 [1] : vector<2048x128xf32> to vector<2048xf32>
    %broadcast_in_dim3A_270 = vector.shape_cast %reduce_max3A_269 : vector<2048xf32> to vector<2048x1xf32>
    %eq3A_271 = vector.broadcast %broadcast_in_dim3A_270 : vector<2048x1xf32> to vector<2048x128xf32>
    %eq3A_272 = arith.cmpf oeq, %select_n3A_267, %eq3A_271 : vector<2048x128xf32>
    %jit3A_273 = arith.constant 128 : i32
    %broadcast_in_dim3A_274 = vector.broadcast %jit3A_273 : i32 to vector<2048x128xi32>
    %select_n3A_275 = arith.select %eq3A_272, %iota3A, %broadcast_in_dim3A_274 : vector<2048x128xi1>, vector<2048x128xi32>
    %reduce_min3A_276 = arith.constant dense<2147483647> : vector<2048xi32>
    %reduce_min3A_277 = vector.multi_reduction <minsi>, %select_n3A_275, %reduce_min3A_276 [1] : vector<2048x128xi32> to vector<2048xi32>
    %broadcast_in_dim3A_278 = vector.shape_cast %reduce_min3A_277 : vector<2048xi32> to vector<2048x1xi32>
    %eq3A_279 = vector.broadcast %broadcast_in_dim3A_278 : vector<2048x1xi32> to vector<2048x128xi32>
    %eq3A_280 = arith.cmpi eq, %iota3A, %eq3A_279 : vector<2048x128xi32>
    %jit3A_281 = arith.constant -1.000000e+00 : f32
    %broadcast_in_dim3A_282 = vector.broadcast %jit3A_281 : f32 to vector<2048x128xf32>
    %select_n3A_283 = arith.select %eq3A_280, %broadcast_in_dim3A_282, %select_n3A_267 : vector<2048x128xi1>, vector<2048x128xf32>
    %reduce_max3A_284 = arith.constant dense<0xFF800000> : vector<2048xf32>
    %reduce_max3A_285 = vector.multi_reduction <maximumf>, %select_n3A_283, %reduce_max3A_284 [1] : vector<2048x128xf32> to vector<2048xf32>
    %broadcast_in_dim3A_286 = vector.shape_cast %reduce_max3A_285 : vector<2048xf32> to vector<2048x1xf32>
    %eq3A_287 = vector.broadcast %broadcast_in_dim3A_286 : vector<2048x1xf32> to vector<2048x128xf32>
    %eq3A_288 = arith.cmpf oeq, %select_n3A_283, %eq3A_287 : vector<2048x128xf32>
    %jit3A_289 = arith.constant 128 : i32
    %broadcast_in_dim3A_290 = vector.broadcast %jit3A_289 : i32 to vector<2048x128xi32>
    %select_n3A_291 = arith.select %eq3A_288, %iota3A, %broadcast_in_dim3A_290 : vector<2048x128xi1>, vector<2048x128xi32>
    %reduce_min3A_292 = arith.constant dense<2147483647> : vector<2048xi32>
    %reduce_min3A_293 = vector.multi_reduction <minsi>, %select_n3A_291, %reduce_min3A_292 [1] : vector<2048x128xi32> to vector<2048xi32>
    %broadcast_in_dim3A_294 = vector.shape_cast %reduce_min3A_293 : vector<2048xi32> to vector<2048x1xi32>
    %eq3A_295 = vector.broadcast %broadcast_in_dim3A_294 : vector<2048x1xi32> to vector<2048x128xi32>
    %eq3A_296 = arith.cmpi eq, %iota3A, %eq3A_295 : vector<2048x128xi32>
    %jit3A_297 = arith.constant -1.000000e+00 : f32
    %broadcast_in_dim3A_298 = vector.broadcast %jit3A_297 : f32 to vector<2048x128xf32>
    %select_n3A_299 = arith.select %eq3A_296, %broadcast_in_dim3A_298, %select_n3A_283 : vector<2048x128xi1>, vector<2048x128xf32>
    %reduce_max3A_300 = arith.constant dense<0xFF800000> : vector<2048xf32>
    %reduce_max3A_301 = vector.multi_reduction <maximumf>, %select_n3A_299, %reduce_max3A_300 [1] : vector<2048x128xf32> to vector<2048xf32>
    %broadcast_in_dim3A_302 = vector.shape_cast %reduce_max3A_301 : vector<2048xf32> to vector<2048x1xf32>
    %eq3A_303 = vector.broadcast %broadcast_in_dim3A_302 : vector<2048x1xf32> to vector<2048x128xf32>
    %eq3A_304 = arith.cmpf oeq, %select_n3A_299, %eq3A_303 : vector<2048x128xf32>
    %jit3A_305 = arith.constant 128 : i32
    %broadcast_in_dim3A_306 = vector.broadcast %jit3A_305 : i32 to vector<2048x128xi32>
    %select_n3A_307 = arith.select %eq3A_304, %iota3A, %broadcast_in_dim3A_306 : vector<2048x128xi1>, vector<2048x128xi32>
    %reduce_min3A_308 = arith.constant dense<2147483647> : vector<2048xi32>
    %reduce_min3A_309 = vector.multi_reduction <minsi>, %select_n3A_307, %reduce_min3A_308 [1] : vector<2048x128xi32> to vector<2048xi32>
    %broadcast_in_dim3A_310 = vector.shape_cast %reduce_min3A_309 : vector<2048xi32> to vector<2048x1xi32>
    %eq3A_311 = vector.broadcast %broadcast_in_dim3A_310 : vector<2048x1xi32> to vector<2048x128xi32>
    %eq3A_312 = arith.cmpi eq, %iota3A, %eq3A_311 : vector<2048x128xi32>
    %jit3A_313 = arith.constant -1.000000e+00 : f32
    %broadcast_in_dim3A_314 = vector.broadcast %jit3A_313 : f32 to vector<2048x128xf32>
    %select_n3A_315 = arith.select %eq3A_312, %broadcast_in_dim3A_314, %select_n3A_299 : vector<2048x128xi1>, vector<2048x128xf32>
    %reduce_max3A_316 = arith.constant dense<0xFF800000> : vector<2048xf32>
    %reduce_max3A_317 = vector.multi_reduction <maximumf>, %select_n3A_315, %reduce_max3A_316 [1] : vector<2048x128xf32> to vector<2048xf32>
    %broadcast_in_dim3A_318 = vector.shape_cast %reduce_max3A_317 : vector<2048xf32> to vector<2048x1xf32>
    %eq3A_319 = vector.broadcast %broadcast_in_dim3A_318 : vector<2048x1xf32> to vector<2048x128xf32>
    %eq3A_320 = arith.cmpf oeq, %select_n3A_315, %eq3A_319 : vector<2048x128xf32>
    %jit3A_321 = arith.constant 128 : i32
    %broadcast_in_dim3A_322 = vector.broadcast %jit3A_321 : i32 to vector<2048x128xi32>
    %select_n3A_323 = arith.select %eq3A_320, %iota3A, %broadcast_in_dim3A_322 : vector<2048x128xi1>, vector<2048x128xi32>
    %reduce_min3A_324 = arith.constant dense<2147483647> : vector<2048xi32>
    %reduce_min3A_325 = vector.multi_reduction <minsi>, %select_n3A_323, %reduce_min3A_324 [1] : vector<2048x128xi32> to vector<2048xi32>
    %broadcast_in_dim3A_326 = vector.shape_cast %reduce_min3A_325 : vector<2048xi32> to vector<2048x1xi32>
    %eq3A_327 = vector.broadcast %broadcast_in_dim3A_326 : vector<2048x1xi32> to vector<2048x128xi32>
    %eq3A_328 = arith.cmpi eq, %iota3A, %eq3A_327 : vector<2048x128xi32>
    %jit3A_329 = arith.constant -1.000000e+00 : f32
    %broadcast_in_dim3A_330 = vector.broadcast %jit3A_329 : f32 to vector<2048x128xf32>
    %select_n3A_331 = arith.select %eq3A_328, %broadcast_in_dim3A_330, %select_n3A_315 : vector<2048x128xi1>, vector<2048x128xf32>
    %reduce_max3A_332 = arith.constant dense<0xFF800000> : vector<2048xf32>
    %reduce_max3A_333 = vector.multi_reduction <maximumf>, %select_n3A_331, %reduce_max3A_332 [1] : vector<2048x128xf32> to vector<2048xf32>
    %broadcast_in_dim3A_334 = vector.shape_cast %reduce_max3A_333 : vector<2048xf32> to vector<2048x1xf32>
    %eq3A_335 = vector.broadcast %broadcast_in_dim3A_334 : vector<2048x1xf32> to vector<2048x128xf32>
    %eq3A_336 = arith.cmpf oeq, %select_n3A_331, %eq3A_335 : vector<2048x128xf32>
    %jit3A_337 = arith.constant 128 : i32
    %broadcast_in_dim3A_338 = vector.broadcast %jit3A_337 : i32 to vector<2048x128xi32>
    %select_n3A_339 = arith.select %eq3A_336, %iota3A, %broadcast_in_dim3A_338 : vector<2048x128xi1>, vector<2048x128xi32>
    %reduce_min3A_340 = arith.constant dense<2147483647> : vector<2048xi32>
    %reduce_min3A_341 = vector.multi_reduction <minsi>, %select_n3A_339, %reduce_min3A_340 [1] : vector<2048x128xi32> to vector<2048xi32>
    %broadcast_in_dim3A_342 = vector.shape_cast %reduce_min3A_341 : vector<2048xi32> to vector<2048x1xi32>
    %eq3A_343 = vector.broadcast %broadcast_in_dim3A_342 : vector<2048x1xi32> to vector<2048x128xi32>
    %eq3A_344 = arith.cmpi eq, %iota3A, %eq3A_343 : vector<2048x128xi32>
    %jit3A_345 = arith.constant -1.000000e+00 : f32
    %broadcast_in_dim3A_346 = vector.broadcast %jit3A_345 : f32 to vector<2048x128xf32>
    %select_n3A_347 = arith.select %eq3A_344, %broadcast_in_dim3A_346, %select_n3A_331 : vector<2048x128xi1>, vector<2048x128xf32>
    %reduce_max3A_348 = arith.constant dense<0xFF800000> : vector<2048xf32>
    %reduce_max3A_349 = vector.multi_reduction <maximumf>, %select_n3A_347, %reduce_max3A_348 [1] : vector<2048x128xf32> to vector<2048xf32>
    %broadcast_in_dim3A_350 = vector.shape_cast %reduce_max3A_349 : vector<2048xf32> to vector<2048x1xf32>
    %eq3A_351 = vector.broadcast %broadcast_in_dim3A_350 : vector<2048x1xf32> to vector<2048x128xf32>
    %eq3A_352 = arith.cmpf oeq, %select_n3A_347, %eq3A_351 : vector<2048x128xf32>
    %jit3A_353 = arith.constant 128 : i32
    %broadcast_in_dim3A_354 = vector.broadcast %jit3A_353 : i32 to vector<2048x128xi32>
    %select_n3A_355 = arith.select %eq3A_352, %iota3A, %broadcast_in_dim3A_354 : vector<2048x128xi1>, vector<2048x128xi32>
    %reduce_min3A_356 = arith.constant dense<2147483647> : vector<2048xi32>
    %reduce_min3A_357 = vector.multi_reduction <minsi>, %select_n3A_355, %reduce_min3A_356 [1] : vector<2048x128xi32> to vector<2048xi32>
    %broadcast_in_dim3A_358 = vector.shape_cast %reduce_min3A_357 : vector<2048xi32> to vector<2048x1xi32>
    %concatenate3A_359 = tpu.concatenate %broadcast_in_dim3A_246, %broadcast_in_dim3A_262, %broadcast_in_dim3A_278, %broadcast_in_dim3A_294, %broadcast_in_dim3A_310, %broadcast_in_dim3A_326, %broadcast_in_dim3A_342, %broadcast_in_dim3A_358 in 1 : vector<2048x1xi32>, vector<2048x1xi32>, vector<2048x1xi32>, vector<2048x1xi32>, vector<2048x1xi32>, vector<2048x1xi32>, vector<2048x1xi32>, vector<2048x1xi32> -> vector<2048x8xi32>
    %reshape3A = vector.shape_cast %concatenate3A_359 : vector<2048x8xi32> to vector<16x128x8xi32>
    %swap3A = arith.constant 0 : index
    %swap3A_360 = arith.constant 0 : index
    %swap3A_361 = arith.constant 0 : index
    %swap3A_362 = vector.load %arg2[%swap3A, %swap3A_360, %swap3A_361] : memref<16x128x8xi32, #tpu.memory_space<vmem>>, vector<16x128x8xi32>
    tpu.vector_store %arg2[%swap3A, %swap3A_360, %swap3A_361], %reshape3A {strides = array<i32>} : memref<16x128x8xi32, #tpu.memory_space<vmem>>, vector<16x128x8xi32>,
    %concatenate3A_363 = tpu.concatenate %broadcast_in_dim3A_242, %broadcast_in_dim3A_254, %broadcast_in_dim3A_270, %broadcast_in_dim3A_286, %broadcast_in_dim3A_302, %broadcast_in_dim3A_318, %broadcast_in_dim3A_334, %broadcast_in_dim3A_350 in 1 : vector<2048x1xf32>, vector<2048x1xf32>, vector<2048x1xf32>, vector<2048x1xf32>, vector<2048x1xf32>, vector<2048x1xf32>, vector<2048x1xf32>, vector<2048x1xf32> -> vector<2048x8xf32>
    %reshape3A_364 = vector.shape_cast %concatenate3A_363 : vector<2048x8xf32> to vector<16x128x8xf32>
    %swap3A_365 = arith.constant 0 : index
    %swap3A_366 = arith.constant 0 : index
    %swap3A_367 = arith.constant 0 : index
    %swap3A_368 = vector.load %arg3[%swap3A_365, %swap3A_366, %swap3A_367] : memref<16x128x8xf32, #tpu.memory_space<vmem>>, vector<16x128x8xf32>
    tpu.vector_store %arg3[%swap3A_365, %swap3A_366, %swap3A_367], %reshape3A_364 {strides = array<i32>} : memref<16x128x8xf32, #tpu.memory_space<vmem>>, vector<16x128x8xf32>,
    return
  }
  func.func @transform_0(%arg0: i32) -> (i32, i32) {
    %c0_i32 = arith.constant 0 : i32
    %c0_i32_0 = arith.constant 0 : i32
    return %arg0, %c0_i32 : i32, i32
  }
  func.func @transform_1(%arg0: i32) -> (i32, i32, i32) {
    %c0_i32 = arith.constant 0 : i32
    %c0_i32_0 = arith.constant 0 : i32
    %c0_i32_1 = arith.constant 0 : i32
    return %arg0, %c0_i32, %c0_i32_0 : i32, i32, i32
  }
  func.func @transform_2(%arg0: i32) -> (i32, i32, i32) {
    %c0_i32 = arith.constant 0 : i32
    %c0_i32_0 = arith.constant 0 : i32
    %c0_i32_1 = arith.constant 0 : i32
    return %arg0, %c0_i32, %c0_i32_0 : i32, i32, i32
  }
}

</mosaic_0001>

<sc_bundles>
// kernel: kernel.12.cloned.1.call-start
scs
__scs_entry_jumppad:
0x0: {  	(pc) =	sbr.rel $0x88, $3  }
0x1: {  	(tag) =	ssettag $0x0;
	lr =	simm.s32 $0x1  }
0x2: {  	[smem:$0x3F9F] =	sst lr;
	_ =	strace $0xD0000000  }
0x3: {  	_ = 	snop  }
0x4: {  	_ = 	snop  }
0x5: {  	_ = 	snop  }
0x6: {  	_ = 	snop  }
0x7: {  	_ = 	snop  }
__scs_overlays_trampoline_lowered:
0x8: {  	[smem:$0x3FAE] =	sst s0  }
0x9: {  	[smem:$0x3FAF] =	sst s1  }
0xa: {  	[smem:$0x3FB0] =	sst s2  }
0xb: {  	[smem:$0x3FB1] =	sst s3  }
0xc: {  	[smem:$0x3FB2] =	sst s4  }
0xd: {  	[smem:$0x3FB3] =	sst s5  }
0xe: {  	[smem:$0x3FB4] =	sst s6  }
0xf: {  	[smem:$0x3FB5] =	sst s7  }
0x10: {  	[smem:$0x3FB6] =	sst s8  }
0x11: {  	[smem:$0x3FB7] =	sst s9;
	s0 =	simm.s32 @!p0 $0x0  }
0x12: {  	s1 =	sld [smem:$0x3F9D];
	s0 =	simm.s32 @p0 $0x1  }
0x13: {  	[smem:$0x3FB8] =	sst s0;
	s0 =	simm.s32 @!p1 $0x0  }
0x14: {  	s2 =	sld [smem:$0x3F9C];
	s0 =	simm.s32 @p1 $0x1  }
0x15: {  	[smem:$0x3FB9] =	sst s0;
	s0 =	simm.s32 @!p2 $0x0  }
0x16: {  	s3 =	sld [smem:$0x3FDB];
	s0 =	simm.s32 @p2 $0x1  }
0x17: {  	s4 =	simm.s32 $0x1BF5;
	[smem:$0x3FBB] =	sst s0  }
0x18: {  	s0 =	sld [smem:$0x3F9E];
	_ =	swait.ge [sflag:s4], $0x0  }
0x19: {  	s7 =	sld [smem:$0x3F9F]  }
0x1a: {  	s8 =	sadd.s32 $0xFFFFE003, lr  }
0x1b: {  	s9 =	sadd.s32 $0xFFFFFEF7, lr;
	s5 =	simm.s32 $0xFFFFFFFF;
	p2 =	slt.u32 s8, $0xFFFFF086  }
0x1c: {  	p1 =	slt.u32 s9, $0xF7A;
	s5 =	simm.s32 @!p2 $0x0  }
0x1d: {  	s5 =	simm.s32 @p1 $0x1;
	p0 =	seq.s32 s7, s2  }
0x1e: {  	s7 =	smul.u32 @!p0 $0xF7A, s2;
	p2 =	seq.s32 @!p0 s5, $0x0  }
0x1f: {  	s9 =	smul.u32 $0xF7A, s1;
	s8 =	simm.s32 @!p0 $0x1BF5;
	p2 =	por !p2, p0  }
0x20: {  	[sflag:s8] =	ssyncset.s32 @!p0 $0xFFFFF086;
	s6 =	sadd.s32 @!p0 s3, s7;
	s7 =	simm.s32 @!p0 $0x108  }
0x21: {  	s3 =	sadd.s32 s3, s9;
	s6 =	sadd.s32 @!p0 $0x88, s6;
	s7 =	simm.s32 @p2 $0x1082  }
0x22: {  	[simem:s7], [sflag:s8] =	dma.local @!p0 [hbm:s6], $0xF7A  }
0x23: {  	s9 =	sor.u32 $0xD0000000, s2;
	s6 =	simm.s32 $0x108;
	_ =	swait.ge @!p0 [sflag:s8], $0x0  }
0x24: {  	s3 =	sadd.s32 $0x88, s3;
	s6 =	simm.s32 @!p1 $0x1082;
	[sflag:s4] =	ssyncset.s32 $0xFFFFF086  }
0x25: {  	[simem:s6], [sflag:s4] =	dma.local [hbm:s3], $0xF7A  }
0x26: {  	[smem:$0x3F9F] =	sst s1;
	(tag) =	ssettag s2;
	_ =	strace s9  }
0x27: {  	s1 =	sld [smem:$0x3FAF]  }
0x28: {  	s2 =	sld [smem:$0x3FB0]  }
0x29: {  	s4 =	sld [smem:$0x3FB2]  }
0x2a: {  	p0 =	seq.s32 s5, $0x0;
	s5 =	sld [smem:$0x3FB3]  }
0x2b: {  	s6 =	sld [smem:$0x3FB4]  }
0x2c: {  	s7 =	sld [smem:$0x3FB5]  }
0x2d: {  	s3 =	simm.s32 $0x108;
	s8 =	sld [smem:$0x3FB6]  }
0x2e: {  	s3 =	simm.s32 @!p0 $0x1082;
	s9 =	sld [smem:$0x3FB7]  }
0x2f: {  	lr =	sadd.s32 s0, s3;
	s0 =	sld [smem:$0x3FAE]  }
0x30: {  	s3 =	sld [smem:$0x3FB1]  }
0x31: {  	[smem:$0x3FBA] =	sst s10  }
0x32: {  	s10 =	sld [smem:$0x3FB8];
	_ =	sdelay $0x3  }
0x33: {  	p0 =	seq.s32 s10, $0x1;
	s10 =	sld [smem:$0x3FBA];
	_ =	sdelay $0x3  }
0x34: {  	[smem:$0x3FBA] =	sst s10  }
0x35: {  	s10 =	sld [smem:$0x3FB9];
	_ =	sdelay $0x3  }
0x36: {  	p1 =	seq.s32 s10, $0x1;
	s10 =	sld [smem:$0x3FBA];
	_ =	sdelay $0x3  }
0x37: {  	[smem:$0x3FBA] =	sst s10  }
0x38: {  	s10 =	sld [smem:$0x3FBB]  }
0x39: {  	_ = 	snop;
	(pc) =	sbr.ind lr, $3  }
0x3a: {  	_ = 	snop  }
0x3b: {  	_ = 	snop  }
0x3c: {  	p2 =	seq.s32 s10, $0x1;
	s10 =	sld [smem:$0x3FBA]  }
0x3d: {  	_ =	shalt  }
0x3e: {  	_ =	shalt  }
0x3f: {  	_ =	shalt  }
0x40: {  	_ =	shalt  }
0x41: {  	_ =	shalt  }
0x42: {  	_ =	shalt  }
0x43: {  	_ =	shalt  }
0x44: {  	_ =	shalt  }
0x45: {  	_ =	shalt  }
0x46: {  	_ =	shalt  }
0x47: {  	_ =	shalt  }
0x48: {  	_ =	shalt  }
0x49: {  	_ =	shalt  }
0x4a: {  	_ =	shalt  }
0x4b: {  	_ =	shalt  }
0x4c: {  	_ =	shalt  }
0x4d: {  	_ =	shalt  }
0x4e: {  	_ =	shalt  }
0x4f: {  	_ =	shalt  }
0x50: {  	_ =	shalt  }
0x51: {  	_ =	shalt  }
0x52: {  	_ =	shalt  }
0x53: {  	_ =	shalt  }
0x54: {  	_ =	shalt  }
0x55: {  	_ =	shalt  }
0x56: {  	_ =	shalt  }
0x57: {  	_ =	shalt  }
0x58: {  	_ =	shalt  }
0x59: {  	_ =	shalt  }
0x5a: {  	_ =	shalt  }
0x5b: {  	_ =	shalt  }
0x5c: {  	_ =	shalt  }
0x5d: {  	_ =	shalt  }
0x5e: {  	_ =	shalt  }
0x5f: {  	_ =	shalt  }
0x60: {  	_ =	shalt  }
0x61: {  	_ =	shalt  }
0x62: {  	_ =	shalt  }
0x63: {  	_ =	shalt  }
0x64: {  	_ =	shalt  }
0x65: {  	_ =	shalt  }
0x66: {  	_ =	shalt  }
0x67: {  	_ =	shalt  }
0x68: {  	_ =	shalt  }
0x69: {  	_ =	shalt  }
0x6a: {  	_ =	shalt  }
0x6b: {  	_ =	shalt  }
0x6c: {  	_ =	shalt  }
0x6d: {  	_ =	shalt  }
0x6e: {  	_ =	shalt  }
0x6f: {  	_ =	shalt  }
0x70: {  	_ =	shalt  }
0x71: {  	_ =	shalt  }
0x72: {  	_ =	shalt  }
0x73: {  	_ =	shalt  }
0x74: {  	_ =	shalt  }
0x75: {  	_ =	shalt  }
0x76: {  	_ =	shalt  }
0x77: {  	_ =	shalt  }
0x78: {  	_ =	shalt  }
0x79: {  	_ =	shalt  }
0x7a: {  	_ =	shalt  }
0x7b: {  	_ =	shalt  }
0x7c: {  	_ =	shalt  }
0x7d: {  	_ =	shalt  }
0x7e: {  	_ =	shalt  }
0x7f: {  	_ =	shalt  }
0x80: {  	_ =	shalt  }
0x81: {  	_ =	shalt  }
0x82: {  	_ =	shalt  }
0x83: {  	_ =	shalt  }
0x84: {  	_ =	shalt  }
0x85: {  	_ =	shalt  }
0x86: {  	_ =	shalt  }
0x87: {  	_ =	shalt  }
.Lfunc_end0:
.L_simem_size_0:
called_computation.1_lowered:
.L_overlay_start_0:
0x88: {  	s2 =	sld [smem:$0x3FD9]  }
0x89: {  	s3 =	sld [smem:$0x3FFE];
	_ =	sdelay $0x1  }
0x8a: {  	s1 =	srdreg.scid  }
0x8b: {  	s0 =	sand.u32 $0x1, s1  }
0x8c: {  	s17 =	sshll.u32 s0, $0xA;
	s2 =	sadd.s32 s3, s2  }
0x8d: {  	s2 =	sadd.s32 s2, s17  }
0x8e: {  	[smem:$0x3FC6] =	sst s2  }
0x8f: {  	_ = 	snop  }
0x90: {  	s2 =	sld [smem:$0x3FC9];
	(tm) =	ssettm $0x1  }
0x91: {  	s18 =	sld [smem:$0x3FFB];
	_ =	sdelay $0x3  }
0x92: {  	_ =	strace s18  }
0x93: {  	s3 =	sld [smem:$0x3FFC];
	_ =	sdelay $0x3  }
0x94: {  	_ =	strace s3  }
0x95: {  	s3 =	sld [smem:$0x3FFD];
	_ =	sdelay $0x3  }
0x96: {  	_ =	strace s3  }
0x97: {  	_ =	strace $0x8FFFFFFF  }
0x98: {  	s19 =	sld [smem:$0x3FDB];
	_ =	sdelay $0x1  }
0x99: {  	s4 =	simm.s32 $_scs_section_size  }
0x9a: {  	s5 =	simm.s32 $_size__tile_overlayer_lowered;
	s6 =	simm.s32 $_tile_overlayer_lowered  }
0x9b: {  	s22 =	simm.s32 $0x1BFF;
	s21 =	sshll.u32 s6, $0x1;
	s3 =	sadd.s32 s4, s19  }
0x9c: {  	s7 =	simm.s32 $0x0;
	s20 =	sshll.u32 s5, $0x1;
	s5 =	sadd.s32 s21, s3  }
0x9d: {  	[timem:s7], [sflag:s22] =	dma.local [hbm:s5], s20  }
0x9e: {  	_ =	swait.ge [sflag:s22], s20  }
0x9f: {  	s4 =	ssub.s32 $0x0, s20;
	[sflag:s22] =	ssyncset.done $0x0  }
0xa0: {  	[sflag:s22] =	ssyncadd.s32 s4;
	_ =	sdelay $0x1  }
0xa1: {  	s23 =	simm.s32 $0x1B8B  }
0xa2: {  	_ =	swait.ge [sflag:s23], $0x1  }
0xa3: {  	[sflag:s23] =	ssyncset.done $0x0  }
0xa4: {  	s25 =	simm.s32 $0x1B8E;
	s24 =	sld [smem:$0x3FFE];
	[sflag:s23] =	ssyncadd.s32 $0xFFFFFFFF  }
0xa5: {  	s26 =	simm.s32 $execute0_lowered;
	[smem:$0x3FD2] =	sst s25  }
0xa6: {  	s5 =	sshll.u32 s26, $0x1;
	_ =	strace $0x80000046;
	[dreg:$0x1] =	wrdreg $0xFFFFFFFF  }
0xa7: {  	s28 =	simm.s32 $_size_execute0_lowered;
	s3 =	sadd.s32 s3, s5;
	[dreg:$0x0] =	wrdreg $0x0  }
0xa8: {  	s5 =	sshll.u32 s28, $0x1;
	[dreg:$0x2] =	wrdreg s3  }
0xa9: {  	[dreg:$0x3] =	wrdreg s5  }
0xaa: {  	[dreg:$0x4] =	wrdreg $0xC0  }
0xab: {  	_ =	task [dreg:s7], $0x5FFFF  }
0xac: {  	[dreg:$0x1] =	wrdreg $0xFFFFFFFF  }
0xad: {  	[dreg:$0x0] =	wrdreg $0x60  }
0xae: {  	[dreg:$0x2] =	wrdreg s24  }
0xaf: {  	[dreg:$0x3] =	wrdreg s2  }
0xb0: {  	[dreg:$0x4] =	wrdreg $0xA  }
0xb1: {  	_ =	task.clear_ibuf [dreg:s7], $0x5FFFF;
	_ =	strace $0x90000046  }
0xb2: {  	s29 =	simm.s32 $0xA;
	_ =	strace $0x80000048  }
0xb3: {  	_ =	swait.ge [sflag:s29], $0x1  }
0xb4: {  	[sflag:s29] =	ssyncadd.s32 $0xFFFFFFFF  }
0xb5: {  	_ =	strace $0x90000048  }
0xb6: {  	_ =	sfence  }
0xb7: {  	s30 =	sld [smem:$0x0];
	_ =	sdelay $0x2  }
0xb8: {  	s31 =	sshll.u32 s1, $0xD;
	s1 =	sshrl.u32 s1, $0x2  }
0xb9: {  	s3 =	sand.u32 $0x4000, s31;
	s1 =	sadd.s32 s1, s30  }
0xba: {  	s0 =	sor.u32 s3, s0;
	s1 =	sshll.u32 s1, $0x11  }
0xbb: {  	s0 =	sor.u32 s1, s0  }
0xbc: {  	s0 =	sadd.s32 $0x8F2B, s0  }
0xbd: {  	[sflag:s0] =	ssyncadd.remote.s32 $0x1  }
0xbe: {  	_ =	sfence.sel $0xFFFF  }
0xbf: {  	[dreg:$0x0] =	wrdreg $0xFFFFFFFF;
	(pc) =	sbr.abs _section_cstart, $3  }
0xc0: {  	[dreg:$0x1] =	wrdreg $0xFFFFFFFF  }
0xc1: {  	_ =	task.clear_ibuf [dreg:s7], $0x2FFFF;
	_ =	strace $0x9FFFFFFF  }
0xc2: {  	(tm) =	ssettm $0x7FFFFFFF  }
0xc3: {  	_ =	shalt  }
tec
execute0_lowered:
.L_overlay_start_1:
0x0: {  	(tag) =	ssettag $0x1  }
0x1: {  	s1 =	srdreg.scid;
	s4 =	rddreg [dreg:$0x0]  }
0x2: {  	s0 =	stileid.u32;
	s2 =	rddreg [dreg:$0x1];
	s18 =	simm.s32 $0x880  }
0x3: {  	s19 =	simm.s32 $0x1080;
	s20 =	simm.s32 $0x1880;
	s21 =	simm.s32 $0x2080  }
0x4: {  	s23 =	simm.s32 $0x2880;
	s24 =	simm.s32 $0x3080;
	s25 =	simm.s32 $0x3880  }
0x5: {  	s26 =	simm.s32 $0x4080;
	s7 =	simm.s32 $0x80;
	s9 =	simm.s32 $0x5080  }
0x6: {  	s10 =	simm.s32 $0x5880;
	s11 =	simm.s32 $0x6080;
	s1 =	sand.u32 $0x1, s1  }
0x7: {  	s12 =	simm.s32 $0x6880;
	s3 =	sshll.u32 s0, $0x8;
	s5 =	sshll.u32 s1, $0x7  }
0x8: {  	s13 =	simm.s32 $0x7080;
	s5 =	sor.u32 s5, s3;
	s3 =	simm.s32 $0x0  }
0x9: {  	s14 =	simm.s32 $0x7880;
	s15 =	simm.s32 $0x8080;
	[smem:$0x7FF] =	sst s3  }
0xa: {  	s16 =	simm.s32 $0x8880;
	_ =	strace $0x80000047;
	[dreg:$0x5] =	wrdreg s18  }
0xb: {  	s28 =	simm.s32 $0xE080;
	s29 =	simm.s32 $0xE880;
	[dreg:$0x6] =	wrdreg s19  }
0xc: {  	s30 =	simm.s32 $0xF080;
	s1 =	ssub.s32 $0x2, s1;
	[dreg:$0x7] =	wrdreg s20  }
0xd: {  	s31 =	simm.s32 $0xF880;
	s22 =	sshrl.u32 s1, $0x1;
	[dreg:$0x8] =	wrdreg s21  }
0xe: {  	s6 =	sshrl.u32 s5, $0x3;
	s5 =	sshll.u32 s5, $0x6;
	[dreg:$0x9] =	wrdreg s23  }
0xf: {  	s1 =	ssub.s32 s1, s22;
	s22 =	simm.s32 $0xB880;
	[dreg:$0xa] =	wrdreg s24  }
0x10: {  	s6 =	sadd.s32 s6, s4;
	s4 =	sadd.s32 s5, s4;
	[dreg:$0xb] =	wrdreg s25  }
0x11: {  	s5 =	smax.u32 s1, $0x1;
	[dreg:$0xc] =	wrdreg s26;
	s18 =	simm.s32 $0x9880  }
0x12: {  	s19 =	simm.s32 $0xA080;
	s20 =	simm.s32 $0xA880;
	s21 =	simm.s32 $0xB080  }
0x13: {  	s23 =	simm.s32 $0xC080;
	s24 =	simm.s32 $0xC880;
	s25 =	simm.s32 $0xD080  }
0x14: {  	v2 =	vlaneseq.u32;
	s26 =	simm.s32 $0xD880;
	s1 =	simm.s32 $0x1;
	s17 =	sadd.s32 $0x1600, s6  }
0x15: {  	vm0 =	vmmov $0xffff;
	v1 =	vshrl.u32 v2, $0x3;
	s4 =	sadd.s32 $0x1800, s4;
	s6 =	simm.s32 $0x2;
	[dreg:$0x3] =	wrdreg s17  }
0x16: {  	v0 =	vand.u32 $0x7, v2;
	v2 =	vor.u32 $0x8, v2;
	v1 =	vmul.u32 $0x8, v1;
	[dreg:$0x4] =	wrdreg s4;
	s4 =	sadd.s32 $0x100, s2;
	s17 =	simm.s32 $0x9080  }
.LBB2_1:
0x17: {  	s0 =	rddreg [dreg:$0x3]  }
0x18: {  	[tilespmem:s3], [sflag:$0x2] =	stream.linear.gather [hbm4b:s0+s3], $0x80, $0x38;
	[tilespmem:$0x10080] =	vst v63  }
0x19: {  	_ =	swait.ge [sflag:s6], $0x80  }
0x1a: {  	[sflag:s6] =	ssyncset.done $0x0  }
0x1b: {  	[sflag:s6] =	ssyncadd.s32 $0xFFFFFF80  }
0x1c: {  	v3 =	vld [tilespmem:$0x0];
	_ =	sdelay $0x4  }
0x1d: {  	v4 =	vshll.u32 v3, $0x2  }
0x1e: {  	v3 =	vand.u32 $0x7, v3;
	v4 =	vand.u32 $0xFFFFFFE0, v4  }
0x1f: {  	v3 =	vor.u32 v3, v4  }
0x20: {  	v4 =	vperm.xlane v3, v0;
	_ =	sdelay $0x1  }
0x21: {  	v4 =	vadd.s32 v1, v4;
	_ =	sdelay $0x1  }
0x22: {  	v3 =	vperm.xlane v3, v2;
	_ =	sdelay $0x1  }
0x23: {  	v3 =	vadd.s32 v1, v3  }
0x24: {  	[tilespmem:s7], [sflag:$0x1] =	stream.indirect_vreg.gather [hbm4b:s2+s3], $0x80, v4, vm0, $0xb8;
	[tilespmem:$0x10080] =	vst v63  }
0x25: {  	s0 =	rddreg [dreg:$0x5]  }
0x26: {  	[tilespmem:s0], [sflag:$0x1] =	stream.indirect_vreg.gather [hbm4b:s4+s3], $0x80, v4, vm0, $0xb8;
	[tilespmem:$0x10080] =	vst v63  }
0x27: {  	s8 =	rddreg [dreg:$0x6]  }
0x28: {  	[tilespmem:s8], [sflag:$0x1] =	stream.indirect_vreg.gather [hbm4b:s2+s3], $0x80, v3, vm0, $0xb8;
	[tilespmem:$0x10080] =	vst v63  }
0x29: {  	s0 =	rddreg [dreg:$0x7]  }
0x2a: {  	[tilespmem:s0], [sflag:$0x1] =	stream.indirect_vreg.gather [hbm4b:s4+s3], $0x80, v3, vm0, $0xb8;
	[tilespmem:$0x10080] =	vst v63  }
0x2b: {  	v3 =	vld [tilespmem:$0x10];
	_ =	sdelay $0x4  }
0x2c: {  	v57 =	vshll.u32 v3, $0x2  }
0x2d: {  	v3 =	vand.u32 $0x7, v3;
	v4 =	vand.u32 $0xFFFFFFE0, v57  }
0x2e: {  	v3 =	vor.u32 v3, v4  }
0x2f: {  	v4 =	vperm.xlane v3, v0;
	_ =	sdelay $0x1  }
0x30: {  	v4 =	vadd.s32 v1, v4;
	_ =	sdelay $0x1  }
0x31: {  	v3 =	vperm.xlane v3, v2;
	_ =	sdelay $0x1  }
0x32: {  	s0 =	rddreg [dreg:$0x8];
	v3 =	vadd.s32 v1, v3  }
0x33: {  	[tilespmem:s0], [sflag:$0x1] =	stream.indirect_vreg.gather [hbm4b:s2+s3], $0x80, v4, vm0, $0xb8;
	[tilespmem:$0x10080] =	vst v63  }
0x34: {  	s8 =	rddreg [dreg:$0x9]  }
0x35: {  	[tilespmem:s8], [sflag:$0x1] =	stream.indirect_vreg.gather [hbm4b:s4+s3], $0x80, v4, vm0, $0xb8;
	[tilespmem:$0x10080] =	vst v63  }
0x36: {  	s0 =	rddreg [dreg:$0xa]  }
0x37: {  	[tilespmem:s0], [sflag:$0x1] =	stream.indirect_vreg.gather [hbm4b:s2+s3], $0x80, v3, vm0, $0xb8;
	[tilespmem:$0x10080] =	vst v63  }
0x38: {  	s8 =	rddreg [dreg:$0xb]  }
0x39: {  	[tilespmem:s8], [sflag:$0x1] =	stream.indirect_vreg.gather [hbm4b:s4+s3], $0x80, v3, vm0, $0xb8;
	[tilespmem:$0x10080] =	vst v63  }
0x3a: {  	v3 =	vld [tilespmem:$0x20];
	_ =	sdelay $0x4  }
0x3b: {  	v58 =	vshll.u32 v3, $0x2  }
0x3c: {  	v3 =	vand.u32 $0x7, v3;
	v4 =	vand.u32 $0xFFFFFFE0, v58  }
0x3d: {  	v3 =	vor.u32 v3, v4  }
0x3e: {  	v4 =	vperm.xlane v3, v0;
	_ =	sdelay $0x1  }
0x3f: {  	v4 =	vadd.s32 v1, v4;
	_ =	sdelay $0x1  }
0x40: {  	v3 =	vperm.xlane v3, v2;
	_ =	sdelay $0x1  }
0x41: {  	s8 =	rddreg [dreg:$0xc];
	v3 =	vadd.s32 v1, v3  }
0x42: {  	[tilespmem:s8], [sflag:$0x1] =	stream.indirect_vreg.gather [hbm4b:s2+s3], $0x80, v4, vm0, $0xb8;
	[tilespmem:$0x10080] =	vst v63  }
0x43: {  	s8 =	simm.s32 $0x4880  }
0x44: {  	[tilespmem:s8], [sflag:$0x1] =	stream.indirect_vreg.gather [hbm4b:s4+s3], $0x80, v4, vm0, $0xb8;
	[tilespmem:$0x10080] =	vst v63  }
0x45: {  	_ = 	snop  }
0x46: {  	[tilespmem:s9], [sflag:$0x1] =	stream.indirect_vreg.gather [hbm4b:s2+s3], $0x80, v3, vm0, $0xb8;
	[tilespmem:$0x10080] =	vst v63  }
0x47: {  	_ = 	snop  }
0x48: {  	[tilespmem:s10], [sflag:$0x1] =	stream.indirect_vreg.gather [hbm4b:s4+s3], $0x80, v3, vm0, $0xb8;
	[tilespmem:$0x10080] =	vst v63  }
0x49: {  	v3 =	vld [tilespmem:$0x30];
	_ =	sdelay $0x4  }
0x4a: {  	v59 =	vshll.u32 v3, $0x2  }
0x4b: {  	v3 =	vand.u32 $0x7, v3;
	v4 =	vand.u32 $0xFFFFFFE0, v59  }
0x4c: {  	v3 =	vor.u32 v3, v4  }
0x4d: {  	v4 =	vperm.xlane v3, v0;
	_ =	sdelay $0x1  }
0x4e: {  	v4 =	vadd.s32 v1, v4;
	_ =	sdelay $0x1  }
0x4f: {  	v3 =	vperm.xlane v3, v2;
	_ =	sdelay $0x1  }
0x50: {  	v3 =	vadd.s32 v1, v3  }
0x51: {  	[tilespmem:s11], [sflag:$0x1] =	stream.indirect_vreg.gather [hbm4b:s2+s3], $0x80, v4, vm0, $0xb8;
	[tilespmem:$0x10080] =	vst v63  }
0x52: {  	_ = 	snop  }
0x53: {  	[tilespmem:s12], [sflag:$0x1] =	stream.indirect_vreg.gather [hbm4b:s4+s3], $0x80, v4, vm0, $0xb8;
	[tilespmem:$0x10080] =	vst v63  }
0x54: {  	_ = 	snop  }
0x55: {  	[tilespmem:s13], [sflag:$0x1] =	stream.indirect_vreg.gather [hbm4b:s2+s3], $0x80, v3, vm0, $0xb8;
	[tilespmem:$0x10080] =	vst v63  }
0x56: {  	_ = 	snop  }
0x57: {  	[tilespmem:s14], [sflag:$0x1] =	stream.indirect_vreg.gather [hbm4b:s4+s3], $0x80, v3, vm0, $0xb8;
	[tilespmem:$0x10080] =	vst v63  }
0x58: {  	v3 =	vld [tilespmem:$0x40];
	_ =	sdelay $0x4  }
0x59: {  	v60 =	vshll.u32 v3, $0x2  }
0x5a: {  	v3 =	vand.u32 $0x7, v3;
	v4 =	vand.u32 $0xFFFFFFE0, v60  }
0x5b: {  	v3 =	vor.u32 v3, v4  }
0x5c: {  	v4 =	vperm.xlane v3, v0;
	_ =	sdelay $0x1  }
0x5d: {  	v4 =	vadd.s32 v1, v4;
	_ =	sdelay $0x1  }
0x5e: {  	v3 =	vperm.xlane v3, v2;
	_ =	sdelay $0x1  }
0x5f: {  	v3 =	vadd.s32 v1, v3  }
0x60: {  	[tilespmem:s15], [sflag:$0x1] =	stream.indirect_vreg.gather [hbm4b:s2+s3], $0x80, v4, vm0, $0xb8;
	[tilespmem:$0x10080] =	vst v63  }
0x61: {  	_ = 	snop  }
0x62: {  	[tilespmem:s16], [sflag:$0x1] =	stream.indirect_vreg.gather [hbm4b:s4+s3], $0x80, v4, vm0, $0xb8;
	[tilespmem:$0x10080] =	vst v63  }
0x63: {  	_ = 	snop  }
0x64: {  	[tilespmem:s17], [sflag:$0x1] =	stream.indirect_vreg.gather [hbm4b:s2+s3], $0x80, v3, vm0, $0xb8;
	[tilespmem:$0x10080] =	vst v63  }
0x65: {  	_ = 	snop  }
0x66: {  	[tilespmem:s18], [sflag:$0x1] =	stream.indirect_vreg.gather [hbm4b:s4+s3], $0x80, v3, vm0, $0xb8;
	[tilespmem:$0x10080] =	vst v63  }
0x67: {  	v3 =	vld [tilespmem:$0x50];
	_ =	sdelay $0x4  }
0x68: {  	v61 =	vshll.u32 v3, $0x2  }
0x69: {  	v3 =	vand.u32 $0x7, v3;
	v4 =	vand.u32 $0xFFFFFFE0, v61  }
0x6a: {  	v3 =	vor.u32 v3, v4  }
0x6b: {  	v4 =	vperm.xlane v3, v0;
	_ =	sdelay $0x1  }
0x6c: {  	v4 =	vadd.s32 v1, v4;
	_ =	sdelay $0x1  }
0x6d: {  	v3 =	vperm.xlane v3, v2;
	_ =	sdelay $0x1  }
0x6e: {  	v3 =	vadd.s32 v1, v3  }
0x6f: {  	[tilespmem:s19], [sflag:$0x1] =	stream.indirect_vreg.gather [hbm4b:s2+s3], $0x80, v4, vm0, $0xb8;
	[tilespmem:$0x10080] =	vst v63  }
0x70: {  	_ = 	snop  }
0x71: {  	[tilespmem:s20], [sflag:$0x1] =	stream.indirect_vreg.gather [hbm4b:s4+s3], $0x80, v4, vm0, $0xb8;
	[tilespmem:$0x10080] =	vst v63  }
0x72: {  	_ = 	snop  }
0x73: {  	[tilespmem:s21], [sflag:$0x1] =	stream.indirect_vreg.gather [hbm4b:s2+s3], $0x80, v3, vm0, $0xb8;
	[tilespmem:$0x10080] =	vst v63  }
0x74: {  	_ = 	snop  }
0x75: {  	[tilespmem:s22], [sflag:$0x1] =	stream.indirect_vreg.gather [hbm4b:s4+s3], $0x80, v3, vm0, $0xb8;
	[tilespmem:$0x10080] =	vst v63  }
0x76: {  	v3 =	vld [tilespmem:$0x60];
	_ =	sdelay $0x4  }
0x77: {  	v62 =	vshll.u32 v3, $0x2  }
0x78: {  	v3 =	vand.u32 $0x7, v3;
	v4 =	vand.u32 $0xFFFFFFE0, v62  }
0x79: {  	v3 =	vor.u32 v3, v4  }
0x7a: {  	v4 =	vperm.xlane v3, v0;
	_ =	sdelay $0x1  }
0x7b: {  	v4 =	vadd.s32 v1, v4;
	_ =	sdelay $0x1  }
0x7c: {  	v3 =	vperm.xlane v3, v2;
	_ =	sdelay $0x1  }
0x7d: {  	v3 =	vadd.s32 v1, v3  }
0x7e: {  	[tilespmem:s23], [sflag:$0x1] =	stream.indirect_vreg.gather [hbm4b:s2+s3], $0x80, v4, vm0, $0xb8;
	[tilespmem:$0x10080] =	vst v63  }
0x7f: {  	_ = 	snop  }
0x80: {  	[tilespmem:s24], [sflag:$0x1] =	stream.indirect_vreg.gather [hbm4b:s4+s3], $0x80, v4, vm0, $0xb8;
	[tilespmem:$0x10080] =	vst v63  }
0x81: {  	_ = 	snop  }
0x82: {  	[tilespmem:s25], [sflag:$0x1] =	stream.indirect_vreg.gather [hbm4b:s2+s3], $0x80, v3, vm0, $0xb8;
	[tilespmem:$0x10080] =	vst v63  }
0x83: {  	_ = 	snop  }
0x84: {  	[tilespmem:s26], [sflag:$0x1] =	stream.indirect_vreg.gather [hbm4b:s4+s3], $0x80, v3, vm0, $0xb8;
	[tilespmem:$0x10080] =	vst v63  }
0x85: {  	v3 =	vld [tilespmem:$0x70];
	_ =	sdelay $0x4  }
0x86: {  	v63 =	vshll.u32 v3, $0x2  }
0x87: {  	v3 =	vand.u32 $0x7, v3;
	v4 =	vand.u32 $0xFFFFFFE0, v63  }
0x88: {  	v3 =	vor.u32 v3, v4  }
0x89: {  	v4 =	vperm.xlane v3, v0;
	_ =	sdelay $0x1  }
0x8a: {  	v4 =	vadd.s32 v1, v4;
	_ =	sdelay $0x1  }
0x8b: {  	v3 =	vperm.xlane v3, v2;
	_ =	sdelay $0x1  }
0x8c: {  	v3 =	vadd.s32 v1, v3  }
0x8d: {  	[tilespmem:s28], [sflag:$0x1] =	stream.indirect_vreg.gather [hbm4b:s2+s3], $0x80, v4, vm0, $0xb8;
	[tilespmem:$0x10080] =	vst v63  }
0x8e: {  	_ = 	snop  }
0x8f: {  	[tilespmem:s29], [sflag:$0x1] =	stream.indirect_vreg.gather [hbm4b:s4+s3], $0x80, v4, vm0, $0xb8;
	[tilespmem:$0x10080] =	vst v63  }
0x90: {  	_ = 	snop  }
0x91: {  	[tilespmem:s30], [sflag:$0x1] =	stream.indirect_vreg.gather [hbm4b:s2+s3], $0x80, v3, vm0, $0xb8;
	[tilespmem:$0x10080] =	vst v63  }
0x92: {  	_ = 	snop  }
0x93: {  	[tilespmem:s31], [sflag:$0x1] =	stream.indirect_vreg.gather [hbm4b:s4+s3], $0x80, v3, vm0, $0xb8;
	[tilespmem:$0x10080] =	vst v63  }
0x94: {  	_ =	swait.ge [sflag:s1], $0x10000  }
0x95: {  	p0 =	sne.s32 s5, $0x1;
	[sflag:s1] =	ssyncset.done $0x0  }
.Ltmp0:
0x96: {  	s8 =	rddreg [dreg:$0x4];
	[sflag:s1] =	ssyncadd.s32 $0xFFFF0000;
	(pc) =	sbr.rel @p0 .LBB2_1-.Ltmp0, $4  }
0x97: {  	[hbm4b:s8+s3] =	stream.linear.scatter [tilespmem:s7], [sflag:$0x2], $0x10000, $0x38;
	[tilespmem:$0x10080] =	vst v63  }
0x98: {  	_ =	swait.ge [sflag:s6], $0x10000  }
0x99: {  	[sflag:s6] =	ssyncset.done $0x0  }
0x9a: {  	s5 =	sadd.s32 $0xFFFFFFFF, s5;
	[sflag:s6] =	ssyncadd.s32 $0xFFFF0000  }
0x9b: {  	_ =	sfence.sel $0x180000  }
0x9c: {  	[bflag:$0x0] =	sbarrier.arrive $0xFFFF  }
0x9d: {  	_ =	strace $0x90000047  }
0x9e: {  	s0 =	stileid.u32;
	[bflag:$0x2] =	sbarrier.arrive $0xFFFF  }
0x9f: {  	p0 =	sne.s32 s0, $0x0;
	s0 =	rddreg [dreg:$0x2]  }
0xa0: {  	s0 =	sadd.s32 @!p0 $0x100000, s0  }
0xa1: {  	[sflag:s0] =	ssyncadd.tile.s32 @!p0 $0x1;
	_ =	shalt  }
.Lfunc_end2:
_tile_overlayer_lowered:
.L_overlay_start_2:
0xa2: {  	(tag) =	ssettag $0x2  }
0xa3: {  	s0 =	rddreg [dreg:$0x0];
	s2 =	stileid.u32  }
0xa4: {  	s1 =	rddreg [dreg:$0x1];
	p0 =	sne.s32 s2, $0x0  }
0xa5: {  	s3 =	rddreg [dreg:$0x2];
	[bflag:$0x3] =	sbarrier.arrive $0xFFFF;
	s2 =	simm.s32 @!p0 $0x1C02  }
0xa6: {  	[timem:s3], [sflag:s2] =	dma.local @!p0 [hbm:s0], s1  }
0xa7: {  	s0 =	simm.s32 @!p0 $0x2  }
0xa8: {  	_ =	swait.ge @!p0 [sflag:s0], s1  }
0xa9: {  	s1 =	ssub.s32 @!p0 $0x0, s1;
	[sflag:s0] =	ssyncset.done @!p0 $0x0  }
0xaa: {  	[sflag:s0] =	ssyncadd.s32 @!p0 s1  }
0xab: {  	[bflag:$0x3] =	sbarrier.arrive $0xFFFF  }
0xac: {  	_ =	shalt  }

// kernel: kernel.15.cloned.1.call-start
scs
__scs_entry_jumppad:
0x0: {  	(pc) =	sbr.rel $0x88, $3  }
0x1: {  	(tag) =	ssettag $0x0;
	lr =	simm.s32 $0x1  }
0x2: {  	[smem:$0x3F9F] =	sst lr;
	_ =	strace $0xD0000000  }
0x3: {  	_ = 	snop  }
0x4: {  	_ = 	snop  }
0x5: {  	_ = 	snop  }
0x6: {  	_ = 	snop  }
0x7: {  	_ = 	snop  }
__scs_overlays_trampoline_lowered:
0x8: {  	[smem:$0x3FAE] =	sst s0  }
0x9: {  	[smem:$0x3FAF] =	sst s1  }
0xa: {  	[smem:$0x3FB0] =	sst s2  }
0xb: {  	[smem:$0x3FB1] =	sst s3  }
0xc: {  	[smem:$0x3FB2] =	sst s4  }
0xd: {  	[smem:$0x3FB3] =	sst s5  }
0xe: {  	[smem:$0x3FB4] =	sst s6  }
0xf: {  	[smem:$0x3FB5] =	sst s7  }
0x10: {  	[smem:$0x3FB6] =	sst s8  }
0x11: {  	[smem:$0x3FB7] =	sst s9;
	s0 =	simm.s32 @!p0 $0x0  }
0x12: {  	s1 =	sld [smem:$0x3F9D];
	s0 =	simm.s32 @p0 $0x1  }
0x13: {  	[smem:$0x3FB8] =	sst s0;
	s0 =	simm.s32 @!p1 $0x0  }
0x14: {  	s2 =	sld [smem:$0x3F9C];
	s0 =	simm.s32 @p1 $0x1  }
0x15: {  	[smem:$0x3FB9] =	sst s0;
	s0 =	simm.s32 @!p2 $0x0  }
0x16: {  	s3 =	sld [smem:$0x3FDB];
	s0 =	simm.s32 @p2 $0x1  }
0x17: {  	s4 =	simm.s32 $0x1BF5;
	[smem:$0x3FBB] =	sst s0  }
0x18: {  	s0 =	sld [smem:$0x3F9E];
	_ =	swait.ge [sflag:s4], $0x0  }
0x19: {  	s7 =	sld [smem:$0x3F9F]  }
0x1a: {  	s8 =	sadd.s32 $0xFFFFE003, lr  }
0x1b: {  	s9 =	sadd.s32 $0xFFFFFEF7, lr;
	s5 =	simm.s32 $0xFFFFFFFF;
	p2 =	slt.u32 s8, $0xFFFFF086  }
0x1c: {  	p1 =	slt.u32 s9, $0xF7A;
	s5 =	simm.s32 @!p2 $0x0  }
0x1d: {  	s5 =	simm.s32 @p1 $0x1;
	p0 =	seq.s32 s7, s2  }
0x1e: {  	s7 =	smul.u32 @!p0 $0xF7A, s2;
	p2 =	seq.s32 @!p0 s5, $0x0  }
0x1f: {  	s9 =	smul.u32 $0xF7A, s1;
	s8 =	simm.s32 @!p0 $0x1BF5;
	p2 =	por !p2, p0  }
0x20: {  	[sflag:s8] =	ssyncset.s32 @!p0 $0xFFFFF086;
	s6 =	sadd.s32 @!p0 s3, s7;
	s7 =	simm.s32 @!p0 $0x108  }
0x21: {  	s3 =	sadd.s32 s3, s9;
	s6 =	sadd.s32 @!p0 $0x88, s6;
	s7 =	simm.s32 @p2 $0x1082  }
0x22: {  	[simem:s7], [sflag:s8] =	dma.local @!p0 [hbm:s6], $0xF7A  }
0x23: {  	s9 =	sor.u32 $0xD0000000, s2;
	s6 =	simm.s32 $0x108;
	_ =	swait.ge @!p0 [sflag:s8], $0x0  }
0x24: {  	s3 =	sadd.s32 $0x88, s3;
	s6 =	simm.s32 @!p1 $0x1082;
	[sflag:s4] =	ssyncset.s32 $0xFFFFF086  }
0x25: {  	[simem:s6], [sflag:s4] =	dma.local [hbm:s3], $0xF7A  }
0x26: {  	[smem:$0x3F9F] =	sst s1;
	(tag) =	ssettag s2;
	_ =	strace s9  }
0x27: {  	s1 =	sld [smem:$0x3FAF]  }
0x28: {  	s2 =	sld [smem:$0x3FB0]  }
0x29: {  	s4 =	sld [smem:$0x3FB2]  }
0x2a: {  	p0 =	seq.s32 s5, $0x0;
	s5 =	sld [smem:$0x3FB3]  }
0x2b: {  	s6 =	sld [smem:$0x3FB4]  }
0x2c: {  	s7 =	sld [smem:$0x3FB5]  }
0x2d: {  	s3 =	simm.s32 $0x108;
	s8 =	sld [smem:$0x3FB6]  }
0x2e: {  	s3 =	simm.s32 @!p0 $0x1082;
	s9 =	sld [smem:$0x3FB7]  }
0x2f: {  	lr =	sadd.s32 s0, s3;
	s0 =	sld [smem:$0x3FAE]  }
0x30: {  	s3 =	sld [smem:$0x3FB1]  }
0x31: {  	[smem:$0x3FBA] =	sst s10  }
0x32: {  	s10 =	sld [smem:$0x3FB8];
	_ =	sdelay $0x3  }
0x33: {  	p0 =	seq.s32 s10, $0x1;
	s10 =	sld [smem:$0x3FBA];
	_ =	sdelay $0x3  }
0x34: {  	[smem:$0x3FBA] =	sst s10  }
0x35: {  	s10 =	sld [smem:$0x3FB9];
	_ =	sdelay $0x3  }
0x36: {  	p1 =	seq.s32 s10, $0x1;
	s10 =	sld [smem:$0x3FBA];
	_ =	sdelay $0x3  }
0x37: {  	[smem:$0x3FBA] =	sst s10  }
0x38: {  	s10 =	sld [smem:$0x3FBB]  }
0x39: {  	_ = 	snop;
	(pc) =	sbr.ind lr, $3  }
0x3a: {  	_ = 	snop  }
0x3b: {  	_ = 	snop  }
0x3c: {  	p2 =	seq.s32 s10, $0x1;
	s10 =	sld [smem:$0x3FBA]  }
0x3d: {  	_ =	shalt  }
0x3e: {  	_ =	shalt  }
0x3f: {  	_ =	shalt  }
0x40: {  	_ =	shalt  }
0x41: {  	_ =	shalt  }
0x42: {  	_ =	shalt  }
0x43: {  	_ =	shalt  }
0x44: {  	_ =	shalt  }
0x45: {  	_ =	shalt  }
0x46: {  	_ =	shalt  }
0x47: {  	_ =	shalt  }
0x48: {  	_ =	shalt  }
0x49: {  	_ =	shalt  }
0x4a: {  	_ =	shalt  }
0x4b: {  	_ =	shalt  }
0x4c: {  	_ =	shalt  }
0x4d: {  	_ =	shalt  }
0x4e: {  	_ =	shalt  }
0x4f: {  	_ =	shalt  }
0x50: {  	_ =	shalt  }
0x51: {  	_ =	shalt  }
0x52: {  	_ =	shalt  }
0x53: {  	_ =	shalt  }
0x54: {  	_ =	shalt  }
0x55: {  	_ =	shalt  }
0x56: {  	_ =	shalt  }
0x57: {  	_ =	shalt  }
0x58: {  	_ =	shalt  }
0x59: {  	_ =	shalt  }
0x5a: {  	_ =	shalt  }
0x5b: {  	_ =	shalt  }
0x5c: {  	_ =	shalt  }
0x5d: {  	_ =	shalt  }
0x5e: {  	_ =	shalt  }
0x5f: {  	_ =	shalt  }
0x60: {  	_ =	shalt  }
0x61: {  	_ =	shalt  }
0x62: {  	_ =	shalt  }
0x63: {  	_ =	shalt  }
0x64: {  	_ =	shalt  }
0x65: {  	_ =	shalt  }
0x66: {  	_ =	shalt  }
0x67: {  	_ =	shalt  }
0x68: {  	_ =	shalt  }
0x69: {  	_ =	shalt  }
0x6a: {  	_ =	shalt  }
0x6b: {  	_ =	shalt  }
0x6c: {  	_ =	shalt  }
0x6d: {  	_ =	shalt  }
0x6e: {  	_ =	shalt  }
0x6f: {  	_ =	shalt  }
0x70: {  	_ =	shalt  }
0x71: {  	_ =	shalt  }
0x72: {  	_ =	shalt  }
0x73: {  	_ =	shalt  }
0x74: {  	_ =	shalt  }
0x75: {  	_ =	shalt  }
0x76: {  	_ =	shalt  }
0x77: {  	_ =	shalt  }
0x78: {  	_ =	shalt  }
0x79: {  	_ =	shalt  }
0x7a: {  	_ =	shalt  }
0x7b: {  	_ =	shalt  }
0x7c: {  	_ =	shalt  }
0x7d: {  	_ =	shalt  }
0x7e: {  	_ =	shalt  }
0x7f: {  	_ =	shalt  }
0x80: {  	_ =	shalt  }
0x81: {  	_ =	shalt  }
0x82: {  	_ =	shalt  }
0x83: {  	_ =	shalt  }
0x84: {  	_ =	shalt  }
0x85: {  	_ =	shalt  }
0x86: {  	_ =	shalt  }
0x87: {  	_ =	shalt  }
.Lfunc_end0:
.L_simem_size_0:
called_computation.2_lowered:
.L_overlay_start_0:
0x88: {  	s2 =	sld [smem:$0x3FD9]  }
0x89: {  	s3 =	sld [smem:$0x3FFE];
	_ =	sdelay $0x1  }
0x8a: {  	s1 =	srdreg.scid  }
0x8b: {  	s0 =	sand.u32 $0x1, s1  }
0x8c: {  	s17 =	sshll.u32 s0, $0xA;
	s2 =	sadd.s32 s3, s2  }
0x8d: {  	s2 =	sadd.s32 s2, s17  }
0x8e: {  	[smem:$0x3FC6] =	sst s2  }
0x8f: {  	_ = 	snop  }
0x90: {  	s2 =	sld [smem:$0x3FD0];
	(tm) =	ssettm $0x1  }
0x91: {  	s18 =	sld [smem:$0x3FFB];
	_ =	sdelay $0x3  }
0x92: {  	_ =	strace s18  }
0x93: {  	s3 =	sld [smem:$0x3FFC];
	_ =	sdelay $0x3  }
0x94: {  	_ =	strace s3  }
0x95: {  	s3 =	sld [smem:$0x3FFD];
	_ =	sdelay $0x3  }
0x96: {  	_ =	strace s3  }
0x97: {  	_ =	strace $0x8FFFFFFF  }
0x98: {  	s19 =	sld [smem:$0x3FDB];
	_ =	sdelay $0x1  }
0x99: {  	s4 =	simm.s32 $_scs_section_size  }
0x9a: {  	s5 =	simm.s32 $_size__tile_overlayer_lowered;
	s6 =	simm.s32 $_tile_overlayer_lowered  }
0x9b: {  	s22 =	simm.s32 $0x1BFF;
	s21 =	sshll.u32 s6, $0x1;
	s3 =	sadd.s32 s4, s19  }
0x9c: {  	s7 =	simm.s32 $0x0;
	s20 =	sshll.u32 s5, $0x1;
	s5 =	sadd.s32 s21, s3  }
0x9d: {  	[timem:s7], [sflag:s22] =	dma.local [hbm:s5], s20  }
0x9e: {  	_ =	swait.ge [sflag:s22], s20  }
0x9f: {  	s4 =	ssub.s32 $0x0, s20;
	[sflag:s22] =	ssyncset.done $0x0  }
0xa0: {  	[sflag:s22] =	ssyncadd.s32 s4;
	_ =	sdelay $0x1  }
0xa1: {  	s23 =	simm.s32 $0x1B8B  }
0xa2: {  	_ =	swait.ge [sflag:s23], $0x1  }
0xa3: {  	[sflag:s23] =	ssyncset.done $0x0  }
0xa4: {  	s25 =	simm.s32 $0x1B8E;
	s24 =	sld [smem:$0x3FFE];
	[sflag:s23] =	ssyncadd.s32 $0xFFFFFFFF  }
0xa5: {  	s26 =	simm.s32 $execute0_lowered;
	[smem:$0x3FD2] =	sst s25  }
0xa6: {  	s5 =	sshll.u32 s26, $0x1;
	_ =	strace $0x8000004C;
	[dreg:$0x1] =	wrdreg $0xFFFFFFFF  }
0xa7: {  	s28 =	simm.s32 $_size_execute0_lowered;
	s3 =	sadd.s32 s3, s5;
	[dreg:$0x0] =	wrdreg $0x0  }
0xa8: {  	s5 =	sshll.u32 s28, $0x1;
	[dreg:$0x2] =	wrdreg s3  }
0xa9: {  	[dreg:$0x3] =	wrdreg s5  }
0xaa: {  	[dreg:$0x4] =	wrdreg $0xC0  }
0xab: {  	_ =	task [dreg:s7], $0x5FFFF  }
0xac: {  	[dreg:$0x1] =	wrdreg $0xFFFFFFFF  }
0xad: {  	[dreg:$0x0] =	wrdreg $0x60  }
0xae: {  	[dreg:$0x2] =	wrdreg s24  }
0xaf: {  	[dreg:$0x3] =	wrdreg s2  }
0xb0: {  	[dreg:$0x4] =	wrdreg $0x9  }
0xb1: {  	_ =	task.clear_ibuf [dreg:s7], $0x5FFFF;
	_ =	strace $0x9000004C  }
0xb2: {  	s29 =	simm.s32 $0x9;
	_ =	strace $0x8000004E  }
0xb3: {  	_ =	swait.ge [sflag:s29], $0x1  }
0xb4: {  	[sflag:s29] =	ssyncadd.s32 $0xFFFFFFFF  }
0xb5: {  	_ =	strace $0x9000004E  }
0xb6: {  	_ =	sfence  }
0xb7: {  	s30 =	sld [smem:$0x0];
	_ =	sdelay $0x2  }
0xb8: {  	s31 =	sshll.u32 s1, $0xD;
	s1 =	sshrl.u32 s1, $0x2  }
0xb9: {  	s3 =	sand.u32 $0x4000, s31;
	s1 =	sadd.s32 s1, s30  }
0xba: {  	s0 =	sor.u32 s3, s0;
	s1 =	sshll.u32 s1, $0x11  }
0xbb: {  	s0 =	sor.u32 s1, s0  }
0xbc: {  	s0 =	sadd.s32 $0x8F2B, s0  }
0xbd: {  	[sflag:s0] =	ssyncadd.remote.s32 $0x1  }
0xbe: {  	_ =	sfence.sel $0xFFFF  }
0xbf: {  	[dreg:$0x0] =	wrdreg $0xFFFFFFFF;
	(pc) =	sbr.abs _section_cstart, $3  }
0xc0: {  	[dreg:$0x1] =	wrdreg $0xFFFFFFFF  }
0xc1: {  	_ =	task.clear_ibuf [dreg:s7], $0x2FFFF;
	_ =	strace $0x9FFFFFFF  }
0xc2: {  	(tm) =	ssettm $0x7FFFFFFF  }
0xc3: {  	_ =	shalt  }
tec
execute0_lowered:
.L_overlay_start_1:
0x0: {  	(tag) =	ssettag $0x1  }
0x1: {  	s0 =	rddreg [dreg:$0x0]  }
0x2: {  	s1 =	srdreg.scid;
	s7 =	stileid.u32  }
0x3: {  	s2 =	rddreg [dreg:$0x1];
	s3 =	simm.s32 $0x0;
	s22 =	simm.s32 $0x9100  }
0x4: {  	s23 =	simm.s32 $0x9900;
	s15 =	simm.s32 $0x2;
	s24 =	simm.s32 $0xA100  }
0x5: {  	s25 =	simm.s32 $0xA900;
	s26 =	simm.s32 $0xB100;
	s18 =	simm.s32 $0x800  }
0x6: {  	s19 =	simm.s32 $0x8900;
	s28 =	simm.s32 $0xF100;
	s29 =	simm.s32 $0xF900  }
0x7: {  	s30 =	simm.s32 $0x10100;
	s31 =	simm.s32 $0x1;
	s1 =	sand.u32 $0x1, s1  }
0x8: {  	s4 =	sshll.u32 s7, $0x1;
	[smem:$0x7FF] =	sst s3;
	s7 =	sshll.u32 s7, $0x9  }
0x9: {  	s8 =	sadd.s32 $0x200, s2;
	s9 =	sadd.s32 $0x300, s2;
	s10 =	sadd.s32 $0x400, s2  }
0xa: {  	s11 =	sadd.s32 $0x500, s2;
	_ =	strace $0x8000004D;
	[dreg:$0x3] =	wrdreg s22  }
0xb: {  	s12 =	sadd.s32 $0x600, s2;
	s13 =	sadd.s32 $0x700, s2;
	[dreg:$0x4] =	wrdreg s23  }
0xc: {  	s4 =	sor.u32 s1, s4;
	s1 =	ssub.s32 $0x2, s1;
	[dreg:$0x5] =	wrdreg s24  }
0xd: {  	s20 =	sand.u32 $0x1800, s7;
	s7 =	sadd.s32 $0x100, s2;
	[dreg:$0x6] =	wrdreg s25  }
0xe: {  	[dreg:$0x7] =	wrdreg s26;
	s22 =	simm.s32 $0xC900;
	s23 =	simm.s32 $0xD100  }
0xf: {  	v12 =	vlaneseq.u32;
	s24 =	simm.s32 $0xD900;
	s25 =	simm.s32 $0xE100;
	s5 =	sshll.u32 s4, $0x8  }
0x10: {  	v11 =	vshrl.u32 v12, $0x3;
	s26 =	simm.s32 $0xE900;
	s4 =	sshll.u32 s4, $0xB;
	s5 =	sadd.s32 s5, s0  }
0x11: {  	v2 =	vimm.f32 $0.0e+00;
	v0 =	vmul.u32 $0x80, v11;
	s6 =	sshrl.u32 s1, $0x1;
	s0 =	sadd.s32 s4, s0;
	s5 =	sadd.s32 $0x41A00, s5  }
0x12: {  	vm0 =	vmmov $0xffff;
	v10 =	vand.u32 $0x7, v12;
	v12 =	vor.u32 $0x8, v12;
	s1 =	ssub.s32 s1, s6;
	s21 =	sadd.s32 $0x1600, s0;
	[dreg:$0x8] =	wrdreg s5  }
0x13: {  	v11 =	vmul.u32 $0x8, v11;
	s4 =	ssub.s32 $0x0, s20;
	v3 =	vor.u32 $0x100, v0;
	v4 =	vor.u32 $0x200, v0;
	s0 =	sadd.s32 $0x11600, s0;
	[dreg:$0x9] =	wrdreg s21  }
0x14: {  	s20 =	simm.s32 $0xB900;
	v5 =	vor.u32 $0x300, v0;
	v6 =	vor.u32 $0x4000, v0;
	v7 =	vor.u32 $0x4100, v0;
	s1 =	smax.u32 s1, $0x1;
	[dreg:$0xa] =	wrdreg s0  }
0x15: {  	v8 =	vor.u32 $0x4200, v0;
	v9 =	vor.u32 $0x4300, v0;
	v1 =	vmov s4;
	[dreg:$0xb] =	wrdreg s1;
	s21 =	simm.s32 $0xC100;
	s1 =	simm.s32 $0x0  }
.LBB2_1:
0x16: {  	s0 =	rddreg [dreg:$0x8]  }
0x17: {  	[tilespmem:s3], [sflag:$0x2] =	stream.linear.gather [hbm4b:s0+s3], $0x800, $0x38;
	[tilespmem:$0x10900] =	vst v63  }
0x18: {  	_ =	swait.ge [sflag:s15], $0x800  }
0x19: {  	[sflag:s15] =	ssyncset.done $0x0  }
0x1a: {  	s4 =	simm.s32 $0x900;
	s14 =	rddreg [dreg:$0x9];
	[sflag:s15] =	ssyncadd.s32 $0xFFFFF800  }
0x1b: {  	[tilespmem:s4], [sflag:$0x2] =	stream.linear.gather [hbm4b:s14+s3], $0x4000, $0x38;
	[tilespmem:$0x10900] =	vst v63  }
0x1c: {  	_ =	swait.ge [sflag:s15], $0x4000  }
0x1d: {  	[sflag:s15] =	ssyncset.done $0x0  }
0x1e: {  	s17 =	simm.s32 $0x4900;
	s16 =	rddreg [dreg:$0xa];
	[sflag:s15] =	ssyncadd.s32 $0xFFFFC000  }
0x1f: {  	[tilespmem:s17], [sflag:$0x2] =	stream.linear.gather [hbm4b:s16+s3], $0x4000, $0x38;
	[tilespmem:$0x10900] =	vst v63  }
0x20: {  	_ =	swait.ge [sflag:s15], $0x4000  }
0x21: {  	[sflag:s15] =	ssyncset.done $0x0  }
0x22: {  	[sflag:s15] =	ssyncadd.s32 $0xFFFFC000  }
0x23: {  	v13 =	vld [tilespmem:$0x0]  }
0x24: {  	v14 =	vld [tilespmem:$0x80]  }
0x25: {  	v15 =	vld [tilespmem:$0x100]  }
0x26: {  	v16 =	vld [tilespmem:$0x180]  }
0x27: {  	v17 =	vld [tilespmem:$0x200]  }
0x28: {  	v18 =	vld [tilespmem:$0x280];
	v13 =	vadd.s32 v1, v13  }
0x29: {  	[tilespmem:$0x800] =	vst v13;
	v13 =	vadd.s32 v1, v14;
	v14 =	vld [tilespmem:$0x300]  }
0x2a: {  	[tilespmem:$0x810] =	vst v13;
	v13 =	vadd.s32 v1, v15;
	v15 =	vld [tilespmem:$0x380]  }
0x2b: {  	v58 =	vld [tilespmem:$0x400];
	[tilespmem:$0x820] =	vst v13;
	v13 =	vadd.s32 v1, v16  }
0x2c: {  	v59 =	vld [tilespmem:$0x480];
	[tilespmem:$0x830] =	vst v13;
	v13 =	vadd.s32 v1, v17  }
0x2d: {  	v60 =	vld [tilespmem:$0x500];
	[tilespmem:$0x840] =	vst v13;
	v13 =	vadd.s32 v1, v18  }
0x2e: {  	[tilespmem:$0x850] =	vst v13;
	v13 =	vadd.s32 v1, v14;
	v14 =	vld [tilespmem:$0x580]  }
0x2f: {  	[tilespmem:$0x860] =	vst v13;
	v13 =	vadd.s32 v1, v15;
	v15 =	vld [tilespmem:$0x600]  }
0x30: {  	v61 =	vld [tilespmem:$0x680];
	[tilespmem:$0x870] =	vst v13;
	v13 =	vadd.s32 v1, v58  }
0x31: {  	v62 =	vld [tilespmem:$0x700];
	[tilespmem:$0x880] =	vst v13;
	v13 =	vadd.s32 v1, v59  }
0x32: {  	v63 =	vld [tilespmem:$0x780];
	[tilespmem:$0x890] =	vst v13;
	v13 =	vadd.s32 v1, v60  }
0x33: {  	[tilespmem:$0x8A0] =	vst v13;
	v13 =	vadd.s32 v1, v14  }
0x34: {  	[tilespmem:$0x8B0] =	vst v13;
	v13 =	vadd.s32 v1, v15  }
0x35: {  	[tilespmem:$0x8C0] =	vst v13;
	v13 =	vadd.s32 v1, v61  }
0x36: {  	[tilespmem:$0x8D0] =	vst v13;
	v13 =	vadd.s32 v1, v62  }
0x37: {  	[tilespmem:$0x8E0] =	vst v13;
	v13 =	vadd.s32 v1, v63  }
0x38: {  	s5 =	simm.s32 $0x0;
	s0 =	simm.s32 $0x0;
	s4 =	simm.s32 $0x0;
	[tilespmem:$0x8F0] =	vst v13  }
.LBB2_2:
0x39: {  	p0 =	sne.s32 s5, $0x7FF  }
.Ltmp0:
0x3a: {  	s16 =	sand.u32 $0x4000, s4;
	s17 =	sand.u32 $0x3C00, s0;
	(pc) =	sbr.rel @p0 .LBB2_2-.Ltmp0, $4  }
0x3b: {  	s6 =	sand.u32 $0x380, s5;
	s16 =	sor.u32 s17, s16  }
0x3c: {  	s14 =	sand.u32 $0x70, s4;
	s6 =	sor.u32 s6, s16  }
0x3d: {  	s6 =	sor.u32 s14, s6  }
0x3e: {  	s4 =	sadd.s32 $0x10, s4;
	s0 =	sadd.s32 $0x80, s0;
	s5 =	sadd.s32 $0x1, s5;
	[tilespmem:s6+$0x8900] =	vst v2  }
0x3f: {  	s0 =	simm.s32 $0x0  }
0x40: {  	s16 =	simm.s32 $0xB00;
	s17 =	simm.s32 $0x4B00;
	s4 =	simm.s32 $0x0  }
.LBB2_4:
0x41: {  	v13 =	vld [tilespmem:s16+$0xFFFFFE00];
	_ =	sdelay $0x3  }
0x42: {  	s5 =	sand.u32 $0x80, s4  }
0x43: {  	v13 =	vadd.s32 s5, v13;
	_ =	sdelay $0x4  }
0x44: {  	v13 =	vld.idx.msk [tilespmem:v13+s18+$0x0], $0xffff;
	_ =	sdelay $0x4  }
0x45: {  	v14 =	vshll.u32 v13, $0x3  }
0x46: {  	v13 =	vand.u32 $0x7F, v13;
	v14 =	vand.u32 $0xFFFFFC00, v14  }
0x47: {  	v13 =	vor.u32 v14, v13  }
0x48: {  	v14 =	vld [tilespmem:s17+$0xFFFFFE00];
	v13 =	vor.u32 v0, v13;
	_ =	sdelay $0x4  }
0x49: {  	[tilespmem:v13+s19+$0x0] =	vst.idx.msk $0xffff, v14  }
0x4a: {  	v13 =	vld [tilespmem:s16+$0xFFFFFE80];
	_ =	sdelay $0x4  }
0x4b: {  	v13 =	vadd.s32 s5, v13;
	_ =	sdelay $0x4  }
0x4c: {  	v13 =	vld.idx.msk [tilespmem:v13+s18+$0x0], $0xffff;
	_ =	sdelay $0x4  }
0x4d: {  	v14 =	vshll.u32 v13, $0x3  }
0x4e: {  	v13 =	vand.u32 $0x7F, v13;
	v14 =	vand.u32 $0xFFFFFC00, v14  }
0x4f: {  	v13 =	vor.u32 v14, v13  }
0x50: {  	v14 =	vld [tilespmem:s17+$0xFFFFFE80];
	v13 =	vor.u32 v3, v13;
	_ =	sdelay $0x4  }
0x51: {  	[tilespmem:v13+s19+$0x0] =	vst.idx.msk $0xffff, v14  }
0x52: {  	v13 =	vld [tilespmem:s16+$0xFFFFFF00];
	_ =	sdelay $0x4  }
0x53: {  	v13 =	vadd.s32 s5, v13;
	_ =	sdelay $0x4  }
0x54: {  	v13 =	vld.idx.msk [tilespmem:v13+s18+$0x0], $0xffff;
	_ =	sdelay $0x4  }
0x55: {  	v14 =	vshll.u32 v13, $0x3  }
0x56: {  	v13 =	vand.u32 $0x7F, v13;
	v14 =	vand.u32 $0xFFFFFC00, v14  }
0x57: {  	v13 =	vor.u32 v14, v13  }
0x58: {  	v14 =	vld [tilespmem:s17+$0xFFFFFF00];
	v13 =	vor.u32 v4, v13;
	_ =	sdelay $0x4  }
0x59: {  	[tilespmem:v13+s19+$0x0] =	vst.idx.msk $0xffff, v14  }
0x5a: {  	v13 =	vld [tilespmem:s16+$0xFFFFFF80];
	_ =	sdelay $0x4  }
0x5b: {  	v13 =	vadd.s32 s5, v13;
	_ =	sdelay $0x4  }
0x5c: {  	v13 =	vld.idx.msk [tilespmem:v13+s18+$0x0], $0xffff;
	_ =	sdelay $0x4  }
0x5d: {  	v14 =	vshll.u32 v13, $0x3  }
0x5e: {  	v13 =	vand.u32 $0x7F, v13;
	v14 =	vand.u32 $0xFFFFFC00, v14  }
0x5f: {  	v13 =	vor.u32 v14, v13  }
0x60: {  	v14 =	vld [tilespmem:s17+$0xFFFFFF80];
	v13 =	vor.u32 v5, v13;
	_ =	sdelay $0x4  }
0x61: {  	[tilespmem:v13+s19+$0x0] =	vst.idx.msk $0xffff, v14  }
0x62: {  	v13 =	vld [tilespmem:s16+$0x0];
	_ =	sdelay $0x4  }
0x63: {  	v13 =	vadd.s32 s5, v13;
	_ =	sdelay $0x4  }
0x64: {  	v13 =	vld.idx.msk [tilespmem:v13+s18+$0x0], $0xffff;
	_ =	sdelay $0x4  }
0x65: {  	v14 =	vshll.u32 v13, $0x3  }
0x66: {  	v13 =	vand.u32 $0x7F, v13;
	v14 =	vand.u32 $0xFFFFFC00, v14  }
0x67: {  	v13 =	vor.u32 v13, v14  }
0x68: {  	v14 =	vld [tilespmem:s17+$0x0];
	v13 =	vadd.s32 v6, v13;
	_ =	sdelay $0x4  }
0x69: {  	[tilespmem:v13+s19+$0x0] =	vst.idx.msk $0xffff, v14  }
0x6a: {  	v13 =	vld [tilespmem:s16+$0x80];
	_ =	sdelay $0x4  }
0x6b: {  	v13 =	vadd.s32 s5, v13;
	_ =	sdelay $0x4  }
0x6c: {  	v13 =	vld.idx.msk [tilespmem:v13+s18+$0x0], $0xffff;
	_ =	sdelay $0x4  }
0x6d: {  	v14 =	vshll.u32 v13, $0x3  }
0x6e: {  	v13 =	vand.u32 $0x7F, v13;
	v14 =	vand.u32 $0xFFFFFC00, v14  }
0x6f: {  	v13 =	vor.u32 v13, v14  }
0x70: {  	v14 =	vld [tilespmem:s17+$0x80];
	v13 =	vadd.s32 v7, v13;
	_ =	sdelay $0x4  }
0x71: {  	[tilespmem:v13+s19+$0x0] =	vst.idx.msk $0xffff, v14  }
0x72: {  	v13 =	vld [tilespmem:s16+$0x100];
	_ =	sdelay $0x4  }
0x73: {  	v13 =	vadd.s32 s5, v13;
	_ =	sdelay $0x4  }
0x74: {  	v13 =	vld.idx.msk [tilespmem:v13+s18+$0x0], $0xffff;
	_ =	sdelay $0x4  }
0x75: {  	v14 =	vshll.u32 v13, $0x3  }
0x76: {  	v13 =	vand.u32 $0x7F, v13;
	v14 =	vand.u32 $0xFFFFFC00, v14  }
0x77: {  	v13 =	vor.u32 v13, v14  }
0x78: {  	v14 =	vld [tilespmem:s17+$0x100];
	v13 =	vadd.s32 v8, v13;
	_ =	sdelay $0x4  }
0x79: {  	[tilespmem:v13+s19+$0x0] =	vst.idx.msk $0xffff, v14  }
0x7a: {  	v13 =	vld [tilespmem:s16+$0x180];
	_ =	sdelay $0x4  }
0x7b: {  	v13 =	vadd.s32 s5, v13;
	_ =	sdelay $0x4  }
0x7c: {  	v13 =	vld.idx.msk [tilespmem:v13+s18+$0x0], $0xffff;
	_ =	sdelay $0x4  }
0x7d: {  	v14 =	vshll.u32 v13, $0x3  }
0x7e: {  	v13 =	vand.u32 $0x7F, v13;
	v14 =	vand.u32 $0xFFFFFC00, v14  }
0x7f: {  	v13 =	vor.u32 v13, v14  }
0x80: {  	v14 =	vld [tilespmem:s17+$0x180];
	v13 =	vadd.s32 v9, v13;
	_ =	sdelay $0x4  }
0x81: {  	[tilespmem:v13+s19+$0x0] =	vst.idx.msk $0xffff, v14  }
0x82: {  	v13 =	vld [tilespmem:s0+$0x0];
	_ =	sdelay $0x4  }
0x83: {  	v14 =	vshll.u32 v13, $0x4  }
0x84: {  	v13 =	vand.u32 $0x7, v13;
	v14 =	vand.u32 $0xFFFFFF80, v14  }
0x85: {  	v13 =	vor.u32 v13, v14  }
0x86: {  	v14 =	vperm.xlane v13, v10;
	_ =	sdelay $0x1  }
0x87: {  	v14 =	vadd.s32 v11, v14;
	_ =	sdelay $0x4  }
0x88: {  	[hbm4b:s2+s3] =	stream.indirect_vreg.scatter [tilespmem:s19], [sflag:$0x1], $0x80, v14, vm0, $0xb8;
	[tilespmem:$0x10900] =	vst v63  }
0x89: {  	s6 =	rddreg [dreg:$0x3]  }
0x8a: {  	[hbm4b:s7+s3] =	stream.indirect_vreg.scatter [tilespmem:s6], [sflag:$0x1], $0x80, v14, vm0, $0xb8;
	[tilespmem:$0x10900] =	vst v63  }
0x8b: {  	s14 =	rddreg [dreg:$0x4]  }
0x8c: {  	[hbm4b:s8+s3] =	stream.indirect_vreg.scatter [tilespmem:s14], [sflag:$0x1], $0x80, v14, vm0, $0xb8;
	[tilespmem:$0x10900] =	vst v63  }
0x8d: {  	s6 =	rddreg [dreg:$0x5]  }
0x8e: {  	[hbm4b:s9+s3] =	stream.indirect_vreg.scatter [tilespmem:s6], [sflag:$0x1], $0x80, v14, vm0, $0xb8;
	[tilespmem:$0x10900] =	vst v63  }
0x8f: {  	s14 =	rddreg [dreg:$0x6]  }
0x90: {  	[hbm4b:s10+s3] =	stream.indirect_vreg.scatter [tilespmem:s14], [sflag:$0x1], $0x80, v14, vm0, $0xb8;
	[tilespmem:$0x10900] =	vst v63  }
0x91: {  	v13 =	vperm.xlane v13, v12;
	s6 =	rddreg [dreg:$0x7]  }
0x92: {  	[hbm4b:s11+s3] =	stream.indirect_vreg.scatter [tilespmem:s6], [sflag:$0x1], $0x80, v14, vm0, $0xb8;
	[tilespmem:$0x10900] =	vst v63  }
0x93: {  	v13 =	vadd.s32 v11, v13  }
0x94: {  	[hbm4b:s12+s3] =	stream.indirect_vreg.scatter [tilespmem:s20], [sflag:$0x1], $0x80, v14, vm0, $0xb8;
	[tilespmem:$0x10900] =	vst v63  }
0x95: {  	_ = 	snop  }
0x96: {  	[hbm4b:s13+s3] =	stream.indirect_vreg.scatter [tilespmem:s21], [sflag:$0x1], $0x80, v14, vm0, $0xb8;
	[tilespmem:$0x10900] =	vst v63  }
0x97: {  	_ = 	snop  }
0x98: {  	[hbm4b:s2+s3] =	stream.indirect_vreg.scatter [tilespmem:s22], [sflag:$0x1], $0x80, v13, vm0, $0xb8;
	[tilespmem:$0x10900] =	vst v63  }
0x99: {  	_ = 	snop  }
0x9a: {  	[hbm4b:s7+s3] =	stream.indirect_vreg.scatter [tilespmem:s23], [sflag:$0x1], $0x80, v13, vm0, $0xb8;
	[tilespmem:$0x10900] =	vst v63  }
0x9b: {  	_ = 	snop  }
0x9c: {  	[hbm4b:s8+s3] =	stream.indirect_vreg.scatter [tilespmem:s24], [sflag:$0x1], $0x80, v13, vm0, $0xb8;
	[tilespmem:$0x10900] =	vst v63  }
0x9d: {  	_ = 	snop  }
0x9e: {  	[hbm4b:s9+s3] =	stream.indirect_vreg.scatter [tilespmem:s25], [sflag:$0x1], $0x80, v13, vm0, $0xb8;
	[tilespmem:$0x10900] =	vst v63  }
0x9f: {  	_ = 	snop  }
0xa0: {  	[hbm4b:s10+s3] =	stream.indirect_vreg.scatter [tilespmem:s26], [sflag:$0x1], $0x80, v13, vm0, $0xb8;
	[tilespmem:$0x10900] =	vst v63  }
0xa1: {  	_ = 	snop  }
0xa2: {  	[hbm4b:s11+s3] =	stream.indirect_vreg.scatter [tilespmem:s28], [sflag:$0x1], $0x80, v13, vm0, $0xb8;
	[tilespmem:$0x10900] =	vst v63  }
0xa3: {  	_ = 	snop  }
0xa4: {  	[hbm4b:s12+s3] =	stream.indirect_vreg.scatter [tilespmem:s29], [sflag:$0x1], $0x80, v13, vm0, $0xb8;
	[tilespmem:$0x10900] =	vst v63  }
0xa5: {  	_ = 	snop  }
0xa6: {  	[hbm4b:s13+s3] =	stream.indirect_vreg.scatter [tilespmem:s30], [sflag:$0x1], $0x80, v13, vm0, $0xb8;
	[tilespmem:$0x10900] =	vst v63  }
0xa7: {  	_ =	swait.ge [sflag:s31], $0x8000  }
0xa8: {  	[sflag:s31] =	ssyncset.done $0x0  }
0xa9: {  	[sflag:s31] =	ssyncadd.s32 $0xFFFF8000  }
0xaa: {  	v13 =	vld [tilespmem:s16+$0xFFFFFE00];
	_ =	sdelay $0x4  }
0xab: {  	v13 =	vadd.s32 s5, v13;
	_ =	sdelay $0x4  }
0xac: {  	v13 =	vld.idx.msk [tilespmem:v13+s18+$0x0], $0xffff;
	_ =	sdelay $0x4  }
0xad: {  	v14 =	vshll.u32 v13, $0x3  }
0xae: {  	v13 =	vand.u32 $0x7F, v13;
	v14 =	vand.u32 $0xFFFFFC00, v14  }
0xaf: {  	v13 =	vor.u32 v14, v13  }
0xb0: {  	v13 =	vor.u32 v0, v13;
	_ =	sdelay $0x4  }
0xb1: {  	[tilespmem:v13+s19+$0x0] =	vst.idx.msk $0xffff, v2  }
0xb2: {  	v13 =	vld [tilespmem:s16+$0xFFFFFE80];
	_ =	sdelay $0x4  }
0xb3: {  	v13 =	vadd.s32 s5, v13;
	_ =	sdelay $0x4  }
0xb4: {  	v13 =	vld.idx.msk [tilespmem:v13+s18+$0x0], $0xffff;
	_ =	sdelay $0x4  }
0xb5: {  	v14 =	vshll.u32 v13, $0x3  }
0xb6: {  	v13 =	vand.u32 $0x7F, v13;
	v14 =	vand.u32 $0xFFFFFC00, v14  }
0xb7: {  	v13 =	vor.u32 v14, v13  }
0xb8: {  	v13 =	vor.u32 v3, v13;
	_ =	sdelay $0x4  }
0xb9: {  	[tilespmem:v13+s19+$0x0] =	vst.idx.msk $0xffff, v2  }
0xba: {  	v13 =	vld [tilespmem:s16+$0xFFFFFF00];
	_ =	sdelay $0x4  }
0xbb: {  	v13 =	vadd.s32 s5, v13;
	_ =	sdelay $0x4  }
0xbc: {  	v13 =	vld.idx.msk [tilespmem:v13+s18+$0x0], $0xffff;
	_ =	sdelay $0x4  }
0xbd: {  	v14 =	vshll.u32 v13, $0x3  }
0xbe: {  	v13 =	vand.u32 $0x7F, v13;
	v14 =	vand.u32 $0xFFFFFC00, v14  }
0xbf: {  	v13 =	vor.u32 v14, v13  }
0xc0: {  	v13 =	vor.u32 v4, v13;
	_ =	sdelay $0x4  }
0xc1: {  	[tilespmem:v13+s19+$0x0] =	vst.idx.msk $0xffff, v2  }
0xc2: {  	v13 =	vld [tilespmem:s16+$0xFFFFFF80];
	_ =	sdelay $0x4  }
0xc3: {  	v13 =	vadd.s32 s5, v13;
	_ =	sdelay $0x4  }
0xc4: {  	v13 =	vld.idx.msk [tilespmem:v13+s18+$0x0], $0xffff;
	_ =	sdelay $0x4  }
0xc5: {  	v14 =	vshll.u32 v13, $0x3  }
0xc6: {  	v13 =	vand.u32 $0x7F, v13;
	v14 =	vand.u32 $0xFFFFFC00, v14  }
0xc7: {  	v13 =	vor.u32 v14, v13  }
0xc8: {  	v13 =	vor.u32 v5, v13;
	_ =	sdelay $0x4  }
0xc9: {  	[tilespmem:v13+s19+$0x0] =	vst.idx.msk $0xffff, v2  }
0xca: {  	v13 =	vld [tilespmem:s16+$0x0];
	_ =	sdelay $0x4  }
0xcb: {  	v13 =	vadd.s32 s5, v13;
	_ =	sdelay $0x4  }
0xcc: {  	v13 =	vld.idx.msk [tilespmem:v13+s18+$0x0], $0xffff;
	_ =	sdelay $0x4  }
0xcd: {  	v14 =	vshll.u32 v13, $0x3  }
0xce: {  	v13 =	vand.u32 $0x7F, v13;
	v14 =	vand.u32 $0xFFFFFC00, v14  }
0xcf: {  	v13 =	vor.u32 v13, v14  }
0xd0: {  	v13 =	vadd.s32 v6, v13;
	_ =	sdelay $0x4  }
0xd1: {  	[tilespmem:v13+s19+$0x0] =	vst.idx.msk $0xffff, v2  }
0xd2: {  	v13 =	vld [tilespmem:s16+$0x80];
	_ =	sdelay $0x4  }
0xd3: {  	v13 =	vadd.s32 s5, v13;
	_ =	sdelay $0x4  }
0xd4: {  	v13 =	vld.idx.msk [tilespmem:v13+s18+$0x0], $0xffff;
	_ =	sdelay $0x4  }
0xd5: {  	v14 =	vshll.u32 v13, $0x3  }
0xd6: {  	v13 =	vand.u32 $0x7F, v13;
	v14 =	vand.u32 $0xFFFFFC00, v14  }
0xd7: {  	v13 =	vor.u32 v13, v14  }
0xd8: {  	v13 =	vadd.s32 v7, v13;
	_ =	sdelay $0x4  }
0xd9: {  	[tilespmem:v13+s19+$0x0] =	vst.idx.msk $0xffff, v2  }
0xda: {  	v13 =	vld [tilespmem:s16+$0x100];
	_ =	sdelay $0x4  }
0xdb: {  	v13 =	vadd.s32 s5, v13;
	_ =	sdelay $0x4  }
0xdc: {  	v13 =	vld.idx.msk [tilespmem:v13+s18+$0x0], $0xffff;
	_ =	sdelay $0x4  }
0xdd: {  	v14 =	vshll.u32 v13, $0x3  }
0xde: {  	v13 =	vand.u32 $0x7F, v13;
	v14 =	vand.u32 $0xFFFFFC00, v14  }
0xdf: {  	v13 =	vor.u32 v13, v14  }
0xe0: {  	v13 =	vadd.s32 v8, v13;
	_ =	sdelay $0x4  }
0xe1: {  	[tilespmem:v13+s19+$0x0] =	vst.idx.msk $0xffff, v2  }
0xe2: {  	v13 =	vld [tilespmem:s16+$0x180];
	_ =	sdelay $0x4  }
0xe3: {  	v13 =	vadd.s32 s5, v13;
	_ =	sdelay $0x4  }
0xe4: {  	v13 =	vld.idx.msk [tilespmem:v13+s18+$0x0], $0xffff;
	_ =	sdelay $0x4  }
0xe5: {  	v14 =	vshll.u32 v13, $0x3  }
0xe6: {  	v13 =	vand.u32 $0x7F, v13;
	v14 =	vand.u32 $0xFFFFFC00, v14  }
0xe7: {  	v13 =	vor.u32 v13, v14  }
0xe8: {  	p0 =	sne.s32 s4, $0xF0;
	v13 =	vadd.s32 v9, v13  }
.Ltmp1:
0xe9: {  	_ = 	snop;
	(pc) =	sbr.rel @p0 .LBB2_4-.Ltmp1, $3  }
0xea: {  	_ =	sdelay $0x1  }
0xeb: {  	s4 =	sadd.s32 $0x10, s4  }
0xec: {  	s17 =	sadd.s32 $0x400, s17;
	s0 =	sadd.s32 $0x80, s0;
	s16 =	sadd.s32 $0x400, s16;
	[tilespmem:v13+s19+$0x0] =	vst.idx.msk $0xffff, v2  }
0xed: {  	s1 =	sadd.s32 $0x1, s1;
	s0 =	rddreg [dreg:$0xb]  }
0xee: {  	p0 =	sne.s32 s1, s0  }
.Ltmp2:
0xef: {  	_ = 	snop;
	(pc) =	sbr.rel @p0 .LBB2_1-.Ltmp2, $1  }
0xf0: {  	_ =	sdelay $0x3  }
0xf1: {  	_ =	sfence.sel $0x180000  }
0xf2: {  	[bflag:$0x0] =	sbarrier.arrive $0xFFFF  }
0xf3: {  	_ =	strace $0x9000004D  }
0xf4: {  	s0 =	stileid.u32;
	[bflag:$0x2] =	sbarrier.arrive $0xFFFF  }
0xf5: {  	p0 =	sne.s32 s0, $0x0;
	s0 =	rddreg [dreg:$0x2]  }
0xf6: {  	s0 =	sadd.s32 @!p0 $0x100000, s0  }
0xf7: {  	[sflag:s0] =	ssyncadd.tile.s32 @!p0 $0x1;
	_ =	shalt  }
.Lfunc_end2:
_tile_overlayer_lowered:
.L_overlay_start_2:
0xf8: {  	(tag) =	ssettag $0x2  }
0xf9: {  	s0 =	rddreg [dreg:$0x0];
	s2 =	stileid.u32  }
0xfa: {  	s1 =	rddreg [dreg:$0x1];
	p0 =	sne.s32 s2, $0x0  }
0xfb: {  	s3 =	rddreg [dreg:$0x2];
	[bflag:$0x3] =	sbarrier.arrive $0xFFFF;
	s2 =	simm.s32 @!p0 $0x1C02  }
0xfc: {  	[timem:s3], [sflag:s2] =	dma.local @!p0 [hbm:s0], s1  }
0xfd: {  	s0 =	simm.s32 @!p0 $0x2  }
0xfe: {  	_ =	swait.ge @!p0 [sflag:s0], s1  }
0xff: {  	s1 =	ssub.s32 @!p0 $0x0, s1;
	[sflag:s0] =	ssyncset.done @!p0 $0x0  }
0x100: {  	[sflag:s0] =	ssyncadd.s32 @!p0 s1  }
0x101: {  	[bflag:$0x3] =	sbarrier.arrive $0xFFFF  }
0x102: {  	_ =	shalt  }

// kernel: kernel.9.cloned.1.call-start
scs
__scs_entry_jumppad:
0x0: {  	(pc) =	sbr.rel $0x88, $3  }
0x1: {  	(tag) =	ssettag $0x0;
	lr =	simm.s32 $0x1  }
0x2: {  	[smem:$0x3F9F] =	sst lr;
	_ =	strace $0xD0000000  }
0x3: {  	_ = 	snop  }
0x4: {  	_ = 	snop  }
0x5: {  	_ = 	snop  }
0x6: {  	_ = 	snop  }
0x7: {  	_ = 	snop  }
__scs_overlays_trampoline_lowered:
0x8: {  	[smem:$0x3FAE] =	sst s0  }
0x9: {  	[smem:$0x3FAF] =	sst s1  }
0xa: {  	[smem:$0x3FB0] =	sst s2  }
0xb: {  	[smem:$0x3FB1] =	sst s3  }
0xc: {  	[smem:$0x3FB2] =	sst s4  }
0xd: {  	[smem:$0x3FB3] =	sst s5  }
0xe: {  	[smem:$0x3FB4] =	sst s6  }
0xf: {  	[smem:$0x3FB5] =	sst s7  }
0x10: {  	[smem:$0x3FB6] =	sst s8  }
0x11: {  	[smem:$0x3FB7] =	sst s9;
	s0 =	simm.s32 @!p0 $0x0  }
0x12: {  	s1 =	sld [smem:$0x3F9D];
	s0 =	simm.s32 @p0 $0x1  }
0x13: {  	[smem:$0x3FB8] =	sst s0;
	s0 =	simm.s32 @!p1 $0x0  }
0x14: {  	s2 =	sld [smem:$0x3F9C];
	s0 =	simm.s32 @p1 $0x1  }
0x15: {  	[smem:$0x3FB9] =	sst s0;
	s0 =	simm.s32 @!p2 $0x0  }
0x16: {  	s3 =	sld [smem:$0x3FDB];
	s0 =	simm.s32 @p2 $0x1  }
0x17: {  	s4 =	simm.s32 $0x1BF5;
	[smem:$0x3FBB] =	sst s0  }
0x18: {  	s0 =	sld [smem:$0x3F9E];
	_ =	swait.ge [sflag:s4], $0x0  }
0x19: {  	s7 =	sld [smem:$0x3F9F]  }
0x1a: {  	s8 =	sadd.s32 $0xFFFFE003, lr  }
0x1b: {  	s9 =	sadd.s32 $0xFFFFFEF7, lr;
	s5 =	simm.s32 $0xFFFFFFFF;
	p2 =	slt.u32 s8, $0xFFFFF086  }
0x1c: {  	p1 =	slt.u32 s9, $0xF7A;
	s5 =	simm.s32 @!p2 $0x0  }
0x1d: {  	s5 =	simm.s32 @p1 $0x1;
	p0 =	seq.s32 s7, s2  }
0x1e: {  	s7 =	smul.u32 @!p0 $0xF7A, s2;
	p2 =	seq.s32 @!p0 s5, $0x0  }
0x1f: {  	s9 =	smul.u32 $0xF7A, s1;
	s8 =	simm.s32 @!p0 $0x1BF5;
	p2 =	por !p2, p0  }
0x20: {  	[sflag:s8] =	ssyncset.s32 @!p0 $0xFFFFF086;
	s6 =	sadd.s32 @!p0 s3, s7;
	s7 =	simm.s32 @!p0 $0x108  }
0x21: {  	s3 =	sadd.s32 s3, s9;
	s6 =	sadd.s32 @!p0 $0x88, s6;
	s7 =	simm.s32 @p2 $0x1082  }
0x22: {  	[simem:s7], [sflag:s8] =	dma.local @!p0 [hbm:s6], $0xF7A  }
0x23: {  	s9 =	sor.u32 $0xD0000000, s2;
	s6 =	simm.s32 $0x108;
	_ =	swait.ge @!p0 [sflag:s8], $0x0  }
0x24: {  	s3 =	sadd.s32 $0x88, s3;
	s6 =	simm.s32 @!p1 $0x1082;
	[sflag:s4] =	ssyncset.s32 $0xFFFFF086  }
0x25: {  	[simem:s6], [sflag:s4] =	dma.local [hbm:s3], $0xF7A  }
0x26: {  	[smem:$0x3F9F] =	sst s1;
	(tag) =	ssettag s2;
	_ =	strace s9  }
0x27: {  	s1 =	sld [smem:$0x3FAF]  }
0x28: {  	s2 =	sld [smem:$0x3FB0]  }
0x29: {  	s4 =	sld [smem:$0x3FB2]  }
0x2a: {  	p0 =	seq.s32 s5, $0x0;
	s5 =	sld [smem:$0x3FB3]  }
0x2b: {  	s6 =	sld [smem:$0x3FB4]  }
0x2c: {  	s7 =	sld [smem:$0x3FB5]  }
0x2d: {  	s3 =	simm.s32 $0x108;
	s8 =	sld [smem:$0x3FB6]  }
0x2e: {  	s3 =	simm.s32 @!p0 $0x1082;
	s9 =	sld [smem:$0x3FB7]  }
0x2f: {  	lr =	sadd.s32 s0, s3;
	s0 =	sld [smem:$0x3FAE]  }
0x30: {  	s3 =	sld [smem:$0x3FB1]  }
0x31: {  	[smem:$0x3FBA] =	sst s10  }
0x32: {  	s10 =	sld [smem:$0x3FB8];
	_ =	sdelay $0x3  }
0x33: {  	p0 =	seq.s32 s10, $0x1;
	s10 =	sld [smem:$0x3FBA];
	_ =	sdelay $0x3  }
0x34: {  	[smem:$0x3FBA] =	sst s10  }
0x35: {  	s10 =	sld [smem:$0x3FB9];
	_ =	sdelay $0x3  }
0x36: {  	p1 =	seq.s32 s10, $0x1;
	s10 =	sld [smem:$0x3FBA];
	_ =	sdelay $0x3  }
0x37: {  	[smem:$0x3FBA] =	sst s10  }
0x38: {  	s10 =	sld [smem:$0x3FBB]  }
0x39: {  	_ = 	snop;
	(pc) =	sbr.ind lr, $3  }
0x3a: {  	_ = 	snop  }
0x3b: {  	_ = 	snop  }
0x3c: {  	p2 =	seq.s32 s10, $0x1;
	s10 =	sld [smem:$0x3FBA]  }
0x3d: {  	_ =	shalt  }
0x3e: {  	_ =	shalt  }
0x3f: {  	_ =	shalt  }
0x40: {  	_ =	shalt  }
0x41: {  	_ =	shalt  }
0x42: {  	_ =	shalt  }
0x43: {  	_ =	shalt  }
0x44: {  	_ =	shalt  }
0x45: {  	_ =	shalt  }
0x46: {  	_ =	shalt  }
0x47: {  	_ =	shalt  }
0x48: {  	_ =	shalt  }
0x49: {  	_ =	shalt  }
0x4a: {  	_ =	shalt  }
0x4b: {  	_ =	shalt  }
0x4c: {  	_ =	shalt  }
0x4d: {  	_ =	shalt  }
0x4e: {  	_ =	shalt  }
0x4f: {  	_ =	shalt  }
0x50: {  	_ =	shalt  }
0x51: {  	_ =	shalt  }
0x52: {  	_ =	shalt  }
0x53: {  	_ =	shalt  }
0x54: {  	_ =	shalt  }
0x55: {  	_ =	shalt  }
0x56: {  	_ =	shalt  }
0x57: {  	_ =	shalt  }
0x58: {  	_ =	shalt  }
0x59: {  	_ =	shalt  }
0x5a: {  	_ =	shalt  }
0x5b: {  	_ =	shalt  }
0x5c: {  	_ =	shalt  }
0x5d: {  	_ =	shalt  }
0x5e: {  	_ =	shalt  }
0x5f: {  	_ =	shalt  }
0x60: {  	_ =	shalt  }
0x61: {  	_ =	shalt  }
0x62: {  	_ =	shalt  }
0x63: {  	_ =	shalt  }
0x64: {  	_ =	shalt  }
0x65: {  	_ =	shalt  }
0x66: {  	_ =	shalt  }
0x67: {  	_ =	shalt  }
0x68: {  	_ =	shalt  }
0x69: {  	_ =	shalt  }
0x6a: {  	_ =	shalt  }
0x6b: {  	_ =	shalt  }
0x6c: {  	_ =	shalt  }
0x6d: {  	_ =	shalt  }
0x6e: {  	_ =	shalt  }
0x6f: {  	_ =	shalt  }
0x70: {  	_ =	shalt  }
0x71: {  	_ =	shalt  }
0x72: {  	_ =	shalt  }
0x73: {  	_ =	shalt  }
0x74: {  	_ =	shalt  }
0x75: {  	_ =	shalt  }
0x76: {  	_ =	shalt  }
0x77: {  	_ =	shalt  }
0x78: {  	_ =	shalt  }
0x79: {  	_ =	shalt  }
0x7a: {  	_ =	shalt  }
0x7b: {  	_ =	shalt  }
0x7c: {  	_ =	shalt  }
0x7d: {  	_ =	shalt  }
0x7e: {  	_ =	shalt  }
0x7f: {  	_ =	shalt  }
0x80: {  	_ =	shalt  }
0x81: {  	_ =	shalt  }
0x82: {  	_ =	shalt  }
0x83: {  	_ =	shalt  }
0x84: {  	_ =	shalt  }
0x85: {  	_ =	shalt  }
0x86: {  	_ =	shalt  }
0x87: {  	_ =	shalt  }
.Lfunc_end0:
.L_simem_size_0:
called_computation_lowered:
.L_overlay_start_0:
0x88: {  	s2 =	sld [smem:$0x3FD9]  }
0x89: {  	s3 =	sld [smem:$0x3FFE];
	_ =	sdelay $0x1  }
0x8a: {  	s1 =	srdreg.scid  }
0x8b: {  	s0 =	sand.u32 $0x1, s1  }
0x8c: {  	s17 =	sshll.u32 s0, $0xA;
	s2 =	sadd.s32 s3, s2  }
0x8d: {  	s2 =	sadd.s32 s2, s17  }
0x8e: {  	[smem:$0x3FC6] =	sst s2  }
0x8f: {  	_ = 	snop  }
0x90: {  	s18 =	sld [smem:$0x3FC9]  }
0x91: {  	s4 =	sld [smem:$0x3FD0];
	(tm) =	ssettm $0x1  }
0x92: {  	s19 =	sld [smem:$0x3FFB];
	_ =	sdelay $0x3  }
0x93: {  	_ =	strace s19  }
0x94: {  	s2 =	sld [smem:$0x3FFC];
	_ =	sdelay $0x3  }
0x95: {  	_ =	strace s2  }
0x96: {  	s2 =	sld [smem:$0x3FFD];
	_ =	sdelay $0x3  }
0x97: {  	_ =	strace s2  }
0x98: {  	_ =	strace $0x8FFFFFFF  }
0x99: {  	s20 =	sld [smem:$0x3FDB];
	_ =	sdelay $0x1  }
0x9a: {  	s5 =	simm.s32 $_scs_section_size  }
0x9b: {  	s6 =	simm.s32 $_size__tile_overlayer_lowered;
	s7 =	simm.s32 $_tile_overlayer_lowered  }
0x9c: {  	s8 =	simm.s32 $0x1BFF;
	s21 =	sshll.u32 s7, $0x1;
	s5 =	sadd.s32 s5, s20  }
0x9d: {  	s22 =	simm.s32 $0x0;
	s6 =	sshll.u32 s6, $0x1;
	s7 =	sadd.s32 s21, s5  }
0x9e: {  	[timem:s22], [sflag:s8] =	dma.local [hbm:s7], s6  }
0x9f: {  	_ =	swait.ge [sflag:s8], s6  }
0xa0: {  	s6 =	ssub.s32 $0x0, s6;
	[sflag:s8] =	ssyncset.done $0x0  }
0xa1: {  	[sflag:s8] =	ssyncadd.s32 s6;
	_ =	sdelay $0x1  }
0xa2: {  	s23 =	simm.s32 $0x1B8B  }
0xa3: {  	_ =	swait.ge [sflag:s23], $0x1  }
0xa4: {  	[sflag:s23] =	ssyncset.done $0x0  }
0xa5: {  	[sflag:s23] =	ssyncadd.s32 $0xFFFFFFFF  }
0xa6: {  	s6 =	sld [smem:$0x0]  }
0xa7: {  	s7 =	sand.u32 $0xFFFFFFFE, s1  }
0xa8: {  	p0 =	sne.s32 s1, s7  }
0xa9: {  	s7 =	sshll.u32 @p0 s7, $0xE  }
0xaa: {  	s7 =	sadd.s32 @p0 $0x11B8D, s7;
	s8 =	sshll.u32 @p0 s6, $0x11  }
0xab: {  	s7 =	sor.u32 @p0 s8, s7  }
0xac: {  	[sflag:s7] =	ssyncadd.remote.s32 @p0 $0x1;
	_ =	sdelay $0x1  }
0xad: {  	s7 =	simm.s32 @p0 $0x1B8D  }
0xae: {  	_ =	swait.eq @p0 [sflag:s7], $0x1  }
0xaf: {  	[sflag:s7] =	ssyncadd.s32 @p0 $0xFFFFFFFF  }
0xb0: {  	s8 =	sshll.u32 @!p0 s1, $0xE  }
0xb1: {  	s8 =	sor.u32 @!p0 $0x4000, s8;
	s7 =	simm.s32 @!p0 $0x1B8D  }
0xb2: {  	s6 =	sshll.u32 @!p0 s6, $0x11;
	s8 =	sadd.s32 @!p0 $0x11B8D, s8;
	_ =	swait.eq @!p0 [sflag:s7], $0x1  }
0xb3: {  	s6 =	sor.u32 @!p0 s6, s8;
	[sflag:s7] =	ssyncadd.s32 @!p0 $0xFFFFFFFF  }
0xb4: {  	s25 =	simm.s32 $0x1B8E;
	s24 =	sld [smem:$0x3FFE];
	[sflag:s6] =	ssyncadd.remote.s32 @!p0 $0x1  }
0xb5: {  	s26 =	simm.s32 $execute0_lowered;
	[smem:$0x3FD2] =	sst s25  }
0xb6: {  	s7 =	sshll.u32 s26, $0x1;
	_ =	strace $0x80000049;
	[dreg:$0x1] =	wrdreg $0xFFFFFFFF  }
0xb7: {  	s28 =	simm.s32 $_size_execute0_lowered;
	s5 =	sadd.s32 s5, s7;
	[dreg:$0x0] =	wrdreg $0x0  }
0xb8: {  	s7 =	sshll.u32 s28, $0x1;
	[dreg:$0x2] =	wrdreg s5  }
0xb9: {  	[dreg:$0x3] =	wrdreg s7  }
0xba: {  	[dreg:$0x4] =	wrdreg $0xC0  }
0xbb: {  	_ =	task [dreg:s22], $0x5FFFF  }
0xbc: {  	[dreg:$0x1] =	wrdreg $0xFFFFFFFF  }
0xbd: {  	[dreg:$0x0] =	wrdreg $0x60  }
0xbe: {  	[dreg:$0x2] =	wrdreg s24  }
0xbf: {  	[dreg:$0x3] =	wrdreg s18  }
0xc0: {  	[dreg:$0x4] =	wrdreg s4  }
0xc1: {  	[dreg:$0x5] =	wrdreg $0x9  }
0xc2: {  	_ =	task.clear_ibuf [dreg:s22], $0x6FFFF;
	_ =	strace $0x90000049  }
0xc3: {  	s29 =	simm.s32 $0x9;
	_ =	strace $0x8000004B  }
0xc4: {  	_ =	swait.ge [sflag:s29], $0x1  }
0xc5: {  	[sflag:s29] =	ssyncadd.s32 $0xFFFFFFFF  }
0xc6: {  	_ =	strace $0x9000004B  }
0xc7: {  	_ =	sfence  }
0xc8: {  	s30 =	sld [smem:$0x0];
	_ =	sdelay $0x2  }
0xc9: {  	s31 =	sshll.u32 s1, $0xD;
	s1 =	sshrl.u32 s1, $0x2  }
0xca: {  	s4 =	sand.u32 $0x4000, s31;
	s1 =	sadd.s32 s1, s30  }
0xcb: {  	s0 =	sor.u32 s4, s0;
	s1 =	sshll.u32 s1, $0x11  }
0xcc: {  	s0 =	sor.u32 s1, s0  }
0xcd: {  	s0 =	sadd.s32 $0x8F2B, s0  }
0xce: {  	[sflag:s0] =	ssyncadd.remote.s32 $0x1  }
0xcf: {  	_ =	sfence.sel $0xFFFF  }
0xd0: {  	[dreg:$0x0] =	wrdreg $0xFFFFFFFF;
	(pc) =	sbr.abs _section_cstart, $3  }
0xd1: {  	[dreg:$0x1] =	wrdreg $0xFFFFFFFF  }
0xd2: {  	_ =	task.clear_ibuf [dreg:s22], $0x2FFFF;
	_ =	strace $0x9FFFFFFF  }
0xd3: {  	(tm) =	ssettm $0x7FFFFFFF  }
tec
execute0_lowered:
.L_overlay_start_1:
0x0: {  	(tag) =	ssettag $0x1  }
0x1: {  	s4 =	rddreg [dreg:$0x0]  }
0x2: {  	s1 =	srdreg.scid;
	s2 =	rddreg [dreg:$0x1]  }
0x3: {  	s0 =	stileid.u32;
	s6 =	rddreg [dreg:$0x2]  }
0x4: {  	s18 =	simm.s32 $0x880;
	s19 =	simm.s32 $0x1080;
	s20 =	simm.s32 $0x1880  }
0x5: {  	s21 =	simm.s32 $0x2080;
	s23 =	simm.s32 $0x2880;
	s24 =	simm.s32 $0x3080  }
0x6: {  	s25 =	simm.s32 $0x3880;
	s26 =	simm.s32 $0x4080;
	s9 =	simm.s32 $0x5080  }
0x7: {  	s10 =	simm.s32 $0x5880;
	s11 =	simm.s32 $0x6080;
	s12 =	simm.s32 $0x6880  }
0x8: {  	s13 =	simm.s32 $0x7080;
	s14 =	simm.s32 $0x7880;
	s1 =	sand.u32 $0x1, s1  }
0x9: {  	s15 =	simm.s32 $0x8080;
	s3 =	sshll.u32 s0, $0x8;
	s5 =	sshll.u32 s1, $0x7  }
0xa: {  	s16 =	simm.s32 $0x8880;
	s5 =	sor.u32 s5, s3;
	s3 =	simm.s32 $0x0  }
0xb: {  	s28 =	simm.s32 $0xE080;
	s29 =	simm.s32 $0xE880;
	[smem:$0x7FF] =	sst s3  }
0xc: {  	s30 =	simm.s32 $0xF080;
	_ =	strace $0x8000004A;
	[dreg:$0x6] =	wrdreg s18  }
0xd: {  	s31 =	simm.s32 $0xF880;
	s1 =	ssub.s32 $0x2, s1;
	[dreg:$0x7] =	wrdreg s19  }
0xe: {  	s22 =	sshrl.u32 s1, $0x1;
	s7 =	sshrl.u32 s5, $0x3;
	[dreg:$0x8] =	wrdreg s20  }
0xf: {  	s5 =	sshll.u32 s5, $0x6;
	s1 =	ssub.s32 s1, s22;
	[dreg:$0x9] =	wrdreg s21  }
0x10: {  	s22 =	simm.s32 $0xB880;
	s4 =	sadd.s32 s7, s4;
	[dreg:$0xa] =	wrdreg s23  }
0x11: {  	s17 =	sadd.s32 s6, s5;
	[dreg:$0xb] =	wrdreg s24;
	s5 =	smax.u32 s1, $0x1  }
0x12: {  	[dreg:$0xc] =	wrdreg s25;
	s6 =	simm.s32 $0x2;
	s7 =	simm.s32 $0x80  }
0x13: {  	[dreg:$0xd] =	wrdreg s26;
	s18 =	simm.s32 $0x9880;
	s19 =	simm.s32 $0xA080  }
0x14: {  	s20 =	simm.s32 $0xA880;
	s21 =	simm.s32 $0xB080;
	s23 =	simm.s32 $0xC080  }
0x15: {  	v2 =	vlaneseq.u32;
	s24 =	simm.s32 $0xC880;
	s25 =	simm.s32 $0xD080;
	s26 =	simm.s32 $0xD880  }
0x16: {  	vm0 =	vmmov $0xffff;
	v1 =	vshrl.u32 v2, $0x3;
	s1 =	simm.s32 $0x1;
	s4 =	sadd.s32 $0x41800, s4;
	[dreg:$0x5] =	wrdreg s17  }
0x17: {  	v0 =	vand.u32 $0x7, v2;
	v2 =	vor.u32 $0x8, v2;
	v1 =	vmul.u32 $0x8, v1;
	s17 =	simm.s32 $0x9080;
	[dreg:$0x4] =	wrdreg s4;
	s4 =	sadd.s32 $0x100, s2  }
.LBB2_1:
0x18: {  	s0 =	rddreg [dreg:$0x4]  }
0x19: {  	[tilespmem:s3], [sflag:$0x2] =	stream.linear.gather [hbm4b:s0+s3], $0x80, $0x38;
	[tilespmem:$0x10080] =	vst v63  }
0x1a: {  	_ =	swait.ge [sflag:s6], $0x80  }
0x1b: {  	[sflag:s6] =	ssyncset.done $0x0  }
0x1c: {  	[sflag:s6] =	ssyncadd.s32 $0xFFFFFF80  }
0x1d: {  	v3 =	vld [tilespmem:$0x0];
	_ =	sdelay $0x4  }
0x1e: {  	v4 =	vshll.u32 v3, $0x2  }
0x1f: {  	v3 =	vand.u32 $0x7, v3;
	v4 =	vand.u32 $0xFFFFFFE0, v4  }
0x20: {  	v3 =	vor.u32 v3, v4  }
0x21: {  	v4 =	vperm.xlane v3, v0;
	_ =	sdelay $0x1  }
0x22: {  	v4 =	vadd.s32 v1, v4;
	_ =	sdelay $0x1  }
0x23: {  	v3 =	vperm.xlane v3, v2;
	_ =	sdelay $0x1  }
0x24: {  	v3 =	vadd.s32 v1, v3  }
0x25: {  	[tilespmem:s7], [sflag:$0x1] =	stream.indirect_vreg.gather [hbm4b:s2+s3], $0x80, v4, vm0, $0xb8;
	[tilespmem:$0x10080] =	vst v63  }
0x26: {  	s0 =	rddreg [dreg:$0x6]  }
0x27: {  	[tilespmem:s0], [sflag:$0x1] =	stream.indirect_vreg.gather [hbm4b:s4+s3], $0x80, v4, vm0, $0xb8;
	[tilespmem:$0x10080] =	vst v63  }
0x28: {  	s8 =	rddreg [dreg:$0x7]  }
0x29: {  	[tilespmem:s8], [sflag:$0x1] =	stream.indirect_vreg.gather [hbm4b:s2+s3], $0x80, v3, vm0, $0xb8;
	[tilespmem:$0x10080] =	vst v63  }
0x2a: {  	s0 =	rddreg [dreg:$0x8]  }
0x2b: {  	[tilespmem:s0], [sflag:$0x1] =	stream.indirect_vreg.gather [hbm4b:s4+s3], $0x80, v3, vm0, $0xb8;
	[tilespmem:$0x10080] =	vst v63  }
0x2c: {  	v3 =	vld [tilespmem:$0x10];
	_ =	sdelay $0x4  }
0x2d: {  	v57 =	vshll.u32 v3, $0x2  }
0x2e: {  	v3 =	vand.u32 $0x7, v3;
	v4 =	vand.u32 $0xFFFFFFE0, v57  }
0x2f: {  	v3 =	vor.u32 v3, v4  }
0x30: {  	v4 =	vperm.xlane v3, v0;
	_ =	sdelay $0x1  }
0x31: {  	v4 =	vadd.s32 v1, v4;
	_ =	sdelay $0x1  }
0x32: {  	v3 =	vperm.xlane v3, v2;
	_ =	sdelay $0x1  }
0x33: {  	s0 =	rddreg [dreg:$0x9];
	v3 =	vadd.s32 v1, v3  }
0x34: {  	[tilespmem:s0], [sflag:$0x1] =	stream.indirect_vreg.gather [hbm4b:s2+s3], $0x80, v4, vm0, $0xb8;
	[tilespmem:$0x10080] =	vst v63  }
0x35: {  	s8 =	rddreg [dreg:$0xa]  }
0x36: {  	[tilespmem:s8], [sflag:$0x1] =	stream.indirect_vreg.gather [hbm4b:s4+s3], $0x80, v4, vm0, $0xb8;
	[tilespmem:$0x10080] =	vst v63  }
0x37: {  	s0 =	rddreg [dreg:$0xb]  }
0x38: {  	[tilespmem:s0], [sflag:$0x1] =	stream.indirect_vreg.gather [hbm4b:s2+s3], $0x80, v3, vm0, $0xb8;
	[tilespmem:$0x10080] =	vst v63  }
0x39: {  	s8 =	rddreg [dreg:$0xc]  }
0x3a: {  	[tilespmem:s8], [sflag:$0x1] =	stream.indirect_vreg.gather [hbm4b:s4+s3], $0x80, v3, vm0, $0xb8;
	[tilespmem:$0x10080] =	vst v63  }
0x3b: {  	v3 =	vld [tilespmem:$0x20];
	_ =	sdelay $0x4  }
0x3c: {  	v58 =	vshll.u32 v3, $0x2  }
0x3d: {  	v3 =	vand.u32 $0x7, v3;
	v4 =	vand.u32 $0xFFFFFFE0, v58  }
0x3e: {  	v3 =	vor.u32 v3, v4  }
0x3f: {  	v4 =	vperm.xlane v3, v0;
	_ =	sdelay $0x1  }
0x40: {  	v4 =	vadd.s32 v1, v4;
	_ =	sdelay $0x1  }
0x41: {  	v3 =	vperm.xlane v3, v2;
	_ =	sdelay $0x1  }
0x42: {  	s8 =	rddreg [dreg:$0xd];
	v3 =	vadd.s32 v1, v3  }
0x43: {  	[tilespmem:s8], [sflag:$0x1] =	stream.indirect_vreg.gather [hbm4b:s2+s3], $0x80, v4, vm0, $0xb8;
	[tilespmem:$0x10080] =	vst v63  }
0x44: {  	s8 =	simm.s32 $0x4880  }
0x45: {  	[tilespmem:s8], [sflag:$0x1] =	stream.indirect_vreg.gather [hbm4b:s4+s3], $0x80, v4, vm0, $0xb8;
	[tilespmem:$0x10080] =	vst v63  }
0x46: {  	_ = 	snop  }
0x47: {  	[tilespmem:s9], [sflag:$0x1] =	stream.indirect_vreg.gather [hbm4b:s2+s3], $0x80, v3, vm0, $0xb8;
	[tilespmem:$0x10080] =	vst v63  }
0x48: {  	_ = 	snop  }
0x49: {  	[tilespmem:s10], [sflag:$0x1] =	stream.indirect_vreg.gather [hbm4b:s4+s3], $0x80, v3, vm0, $0xb8;
	[tilespmem:$0x10080] =	vst v63  }
0x4a: {  	v3 =	vld [tilespmem:$0x30];
	_ =	sdelay $0x4  }
0x4b: {  	v59 =	vshll.u32 v3, $0x2  }
0x4c: {  	v3 =	vand.u32 $0x7, v3;
	v4 =	vand.u32 $0xFFFFFFE0, v59  }
0x4d: {  	v3 =	vor.u32 v3, v4  }
0x4e: {  	v4 =	vperm.xlane v3, v0;
	_ =	sdelay $0x1  }
0x4f: {  	v4 =	vadd.s32 v1, v4;
	_ =	sdelay $0x1  }
0x50: {  	v3 =	vperm.xlane v3, v2;
	_ =	sdelay $0x1  }
0x51: {  	v3 =	vadd.s32 v1, v3  }
0x52: {  	[tilespmem:s11], [sflag:$0x1] =	stream.indirect_vreg.gather [hbm4b:s2+s3], $0x80, v4, vm0, $0xb8;
	[tilespmem:$0x10080] =	vst v63  }
0x53: {  	_ = 	snop  }
0x54: {  	[tilespmem:s12], [sflag:$0x1] =	stream.indirect_vreg.gather [hbm4b:s4+s3], $0x80, v4, vm0, $0xb8;
	[tilespmem:$0x10080] =	vst v63  }
0x55: {  	_ = 	snop  }
0x56: {  	[tilespmem:s13], [sflag:$0x1] =	stream.indirect_vreg.gather [hbm4b:s2+s3], $0x80, v3, vm0, $0xb8;
	[tilespmem:$0x10080] =	vst v63  }
0x57: {  	_ = 	snop  }
0x58: {  	[tilespmem:s14], [sflag:$0x1] =	stream.indirect_vreg.gather [hbm4b:s4+s3], $0x80, v3, vm0, $0xb8;
	[tilespmem:$0x10080] =	vst v63  }
0x59: {  	v3 =	vld [tilespmem:$0x40];
	_ =	sdelay $0x4  }
0x5a: {  	v60 =	vshll.u32 v3, $0x2  }
0x5b: {  	v3 =	vand.u32 $0x7, v3;
	v4 =	vand.u32 $0xFFFFFFE0, v60  }
0x5c: {  	v3 =	vor.u32 v3, v4  }
0x5d: {  	v4 =	vperm.xlane v3, v0;
	_ =	sdelay $0x1  }
0x5e: {  	v4 =	vadd.s32 v1, v4;
	_ =	sdelay $0x1  }
0x5f: {  	v3 =	vperm.xlane v3, v2;
	_ =	sdelay $0x1  }
0x60: {  	v3 =	vadd.s32 v1, v3  }
0x61: {  	[tilespmem:s15], [sflag:$0x1] =	stream.indirect_vreg.gather [hbm4b:s2+s3], $0x80, v4, vm0, $0xb8;
	[tilespmem:$0x10080] =	vst v63  }
0x62: {  	_ = 	snop  }
0x63: {  	[tilespmem:s16], [sflag:$0x1] =	stream.indirect_vreg.gather [hbm4b:s4+s3], $0x80, v4, vm0, $0xb8;
	[tilespmem:$0x10080] =	vst v63  }
0x64: {  	_ = 	snop  }
0x65: {  	[tilespmem:s17], [sflag:$0x1] =	stream.indirect_vreg.gather [hbm4b:s2+s3], $0x80, v3, vm0, $0xb8;
	[tilespmem:$0x10080] =	vst v63  }
0x66: {  	_ = 	snop  }
0x67: {  	[tilespmem:s18], [sflag:$0x1] =	stream.indirect_vreg.gather [hbm4b:s4+s3], $0x80, v3, vm0, $0xb8;
	[tilespmem:$0x10080] =	vst v63  }
0x68: {  	v3 =	vld [tilespmem:$0x50];
	_ =	sdelay $0x4  }
0x69: {  	v61 =	vshll.u32 v3, $0x2  }
0x6a: {  	v3 =	vand.u32 $0x7, v3;
	v4 =	vand.u32 $0xFFFFFFE0, v61  }
0x6b: {  	v3 =	vor.u32 v3, v4  }
0x6c: {  	v4 =	vperm.xlane v3, v0;
	_ =	sdelay $0x1  }
0x6d: {  	v4 =	vadd.s32 v1, v4;
	_ =	sdelay $0x1  }
0x6e: {  	v3 =	vperm.xlane v3, v2;
	_ =	sdelay $0x1  }
0x6f: {  	v3 =	vadd.s32 v1, v3  }
0x70: {  	[tilespmem:s19], [sflag:$0x1] =	stream.indirect_vreg.gather [hbm4b:s2+s3], $0x80, v4, vm0, $0xb8;
	[tilespmem:$0x10080] =	vst v63  }
0x71: {  	_ = 	snop  }
0x72: {  	[tilespmem:s20], [sflag:$0x1] =	stream.indirect_vreg.gather [hbm4b:s4+s3], $0x80, v4, vm0, $0xb8;
	[tilespmem:$0x10080] =	vst v63  }
0x73: {  	_ = 	snop  }
0x74: {  	[tilespmem:s21], [sflag:$0x1] =	stream.indirect_vreg.gather [hbm4b:s2+s3], $0x80, v3, vm0, $0xb8;
	[tilespmem:$0x10080] =	vst v63  }
0x75: {  	_ = 	snop  }
0x76: {  	[tilespmem:s22], [sflag:$0x1] =	stream.indirect_vreg.gather [hbm4b:s4+s3], $0x80, v3, vm0, $0xb8;
	[tilespmem:$0x10080] =	vst v63  }
0x77: {  	v3 =	vld [tilespmem:$0x60];
	_ =	sdelay $0x4  }
0x78: {  	v62 =	vshll.u32 v3, $0x2  }
0x79: {  	v3 =	vand.u32 $0x7, v3;
	v4 =	vand.u32 $0xFFFFFFE0, v62  }
0x7a: {  	v3 =	vor.u32 v3, v4  }
0x7b: {  	v4 =	vperm.xlane v3, v0;
	_ =	sdelay $0x1  }
0x7c: {  	v4 =	vadd.s32 v1, v4;
	_ =	sdelay $0x1  }
0x7d: {  	v3 =	vperm.xlane v3, v2;
	_ =	sdelay $0x1  }
0x7e: {  	v3 =	vadd.s32 v1, v3  }
0x7f: {  	[tilespmem:s23], [sflag:$0x1] =	stream.indirect_vreg.gather [hbm4b:s2+s3], $0x80, v4, vm0, $0xb8;
	[tilespmem:$0x10080] =	vst v63  }
0x80: {  	_ = 	snop  }
0x81: {  	[tilespmem:s24], [sflag:$0x1] =	stream.indirect_vreg.gather [hbm4b:s4+s3], $0x80, v4, vm0, $0xb8;
	[tilespmem:$0x10080] =	vst v63  }
0x82: {  	_ = 	snop  }
0x83: {  	[tilespmem:s25], [sflag:$0x1] =	stream.indirect_vreg.gather [hbm4b:s2+s3], $0x80, v3, vm0, $0xb8;
	[tilespmem:$0x10080] =	vst v63  }
0x84: {  	_ = 	snop  }
0x85: {  	[tilespmem:s26], [sflag:$0x1] =	stream.indirect_vreg.gather [hbm4b:s4+s3], $0x80, v3, vm0, $0xb8;
	[tilespmem:$0x10080] =	vst v63  }
0x86: {  	v3 =	vld [tilespmem:$0x70];
	_ =	sdelay $0x4  }
0x87: {  	v63 =	vshll.u32 v3, $0x2  }
0x88: {  	v3 =	vand.u32 $0x7, v3;
	v4 =	vand.u32 $0xFFFFFFE0, v63  }
0x89: {  	v3 =	vor.u32 v3, v4  }
0x8a: {  	v4 =	vperm.xlane v3, v0;
	_ =	sdelay $0x1  }
0x8b: {  	v4 =	vadd.s32 v1, v4;
	_ =	sdelay $0x1  }
0x8c: {  	v3 =	vperm.xlane v3, v2;
	_ =	sdelay $0x1  }
0x8d: {  	v3 =	vadd.s32 v1, v3  }
0x8e: {  	[tilespmem:s28], [sflag:$0x1] =	stream.indirect_vreg.gather [hbm4b:s2+s3], $0x80, v4, vm0, $0xb8;
	[tilespmem:$0x10080] =	vst v63  }
0x8f: {  	_ = 	snop  }
0x90: {  	[tilespmem:s29], [sflag:$0x1] =	stream.indirect_vreg.gather [hbm4b:s4+s3], $0x80, v4, vm0, $0xb8;
	[tilespmem:$0x10080] =	vst v63  }
0x91: {  	_ = 	snop  }
0x92: {  	[tilespmem:s30], [sflag:$0x1] =	stream.indirect_vreg.gather [hbm4b:s2+s3], $0x80, v3, vm0, $0xb8;
	[tilespmem:$0x10080] =	vst v63  }
0x93: {  	_ = 	snop  }
0x94: {  	[tilespmem:s31], [sflag:$0x1] =	stream.indirect_vreg.gather [hbm4b:s4+s3], $0x80, v3, vm0, $0xb8;
	[tilespmem:$0x10080] =	vst v63  }
0x95: {  	_ =	swait.ge [sflag:s1], $0x10000  }
0x96: {  	p0 =	sne.s32 s5, $0x1;
	[sflag:s1] =	ssyncset.done $0x0  }
.Ltmp0:
0x97: {  	s8 =	rddreg [dreg:$0x5];
	[sflag:s1] =	ssyncadd.s32 $0xFFFF0000;
	(pc) =	sbr.rel @p0 .LBB2_1-.Ltmp0, $4  }
0x98: {  	[hbm4b:s8+s3] =	stream.linear.scatter [tilespmem:s7], [sflag:$0x2], $0x10000, $0x38;
	[tilespmem:$0x10080] =	vst v63  }
0x99: {  	_ =	swait.ge [sflag:s6], $0x10000  }
0x9a: {  	[sflag:s6] =	ssyncset.done $0x0  }
0x9b: {  	s5 =	sadd.s32 $0xFFFFFFFF, s5;
	[sflag:s6] =	ssyncadd.s32 $0xFFFF0000  }
0x9c: {  	_ =	sfence.sel $0x180000  }
0x9d: {  	[bflag:$0x0] =	sbarrier.arrive $0xFFFF  }
0x9e: {  	_ =	strace $0x9000004A  }
0x9f: {  	s0 =	stileid.u32;
	[bflag:$0x2] =	sbarrier.arrive $0xFFFF  }
0xa0: {  	p0 =	sne.s32 s0, $0x0;
	s0 =	rddreg [dreg:$0x3]  }
0xa1: {  	s0 =	sadd.s32 @!p0 $0x100000, s0  }
0xa2: {  	[sflag:s0] =	ssyncadd.tile.s32 @!p0 $0x1;
	_ =	shalt  }
.Lfunc_end2:
_tile_overlayer_lowered:
.L_overlay_start_2:
0xa3: {  	(tag) =	ssettag $0x2  }
0xa4: {  	s0 =	rddreg [dreg:$0x0];
	s2 =	stileid.u32  }
0xa5: {  	s1 =	rddreg [dreg:$0x1];
	p0 =	sne.s32 s2, $0x0  }
0xa6: {  	s3 =	rddreg [dreg:$0x2];
	[bflag:$0x3] =	sbarrier.arrive $0xFFFF;
	s2 =	simm.s32 @!p0 $0x1C02  }
0xa7: {  	[timem:s3], [sflag:s2] =	dma.local @!p0 [hbm:s0], s1  }
0xa8: {  	s0 =	simm.s32 @!p0 $0x2  }
0xa9: {  	_ =	swait.ge @!p0 [sflag:s0], s1  }
0xaa: {  	s1 =	ssub.s32 @!p0 $0x0, s1;
	[sflag:s0] =	ssyncset.done @!p0 $0x0  }
0xab: {  	[sflag:s0] =	ssyncadd.s32 @!p0 s1  }
0xac: {  	[bflag:$0x3] =	sbarrier.arrive $0xFFFF  }
0xad: {  	_ =	shalt  }

</sc_bundles>
